<compile_context>
chip_gen: v7x
topology: tpu7x:2x2x1
jax: 0.10.2.dev20260603
libtpu: 0.0.44.dev20260713+nightly
codegen_flags: <defaults>
</compile_context>

<pallas_src>
import jax
import jax.numpy as jnp
from jax import lax
from jax.experimental import pallas as pl
from jax.experimental.pallas import tpu as pltpu
from jax.experimental.pallas import tpu_sc as plsc

BATCH = 4096
HIST = 200
EMBED = 64
L = 16
HPAD = 208
NC, NS = 2, 16
NW = NC * NS
BPW = BATCH // NW
KREG = EMBED // L
NIDX = 8
NROW = 4
GAHEAD = 3
IAHEAD = 5


def _rsqrt_newton(p):
    bits = plsc.bitcast(p, jnp.int32)
    bits = jnp.full((L,), 0x5F3759DF, jnp.int32) - (bits >> 1)
    y = plsc.bitcast(bits, jnp.float32)
    for _ in range(3):
        y = y * (1.5 - 0.5 * p * y * y)
    return y


def _lane_sum(red_v, x):
    lane = lax.iota(jnp.int32, L)
    for s in (8, 4, 2, 1):
        red_v[...] = x
        x = x + plsc.load_gather(red_v, [lane ^ s])
    return x


def _body(seq1_hbm, seq2_hbm, table_hbm, sim_hbm, vec1_hbm, vec2_hbm,
          idx_v, rows_v, vec_v, sim_v, red_v, sem_g, sem_i):
    wid = lax.axis_index("s") * NC + lax.axis_index("c")
    base = wid * BPW

    zf = jnp.zeros((L,), jnp.float32)
    for q in range(NIDX):
        idx_v[q, pl.ds(HPAD - L, L)] = jnp.zeros((L,), jnp.int32)

    def idx_copy(seq_hbm, s):
        off = pl.multiple_of((base + s) * HIST, 8)
        pltpu.async_copy(seq_hbm.at[pl.ds(off, HIST)],
                         idx_v.at[s % NIDX, pl.ds(0, HIST)], sem_i)

    def idx_wait():
        pltpu.make_async_copy(seq1_hbm.at[pl.ds(0, HIST)],
                              idx_v.at[0, pl.ds(0, HIST)], sem_i).wait()

    def gather(s):
        pltpu.async_copy(
            table_hbm.at[idx_v.at[s % NIDX, pl.ds(0, HIST)]],
            rows_v.at[s % NROW, pl.ds(0, HIST)], sem_g)

    def gather_wait():
        pltpu.make_async_copy(table_hbm.at[pl.ds(0, HIST)],
                              rows_v.at[0, pl.ds(0, HIST)], sem_g).wait()

    def run_half(seq_hbm, hbase, do_sim):
        for t in range(IAHEAD):
            idx_copy(seq_hbm, t)
        for t in range(GAHEAD):
            idx_wait()
            gather(t)

        def seg_body(s, carry):
            q = s % NIDX

            @pl.when(s + GAHEAD < BPW)
            def _():
                idx_wait()
                gather(s + GAHEAD)

            @pl.when(s + IAHEAD < BPW)
            def _():
                idx_copy(seq_hbm, s + IAHEAD)

            cnt = zf
            for j in range(HPAD // L):
                v = idx_v[q, pl.ds(j * L, L)]
                cnt = cnt + jnp.where(v != 0, 1.0, 0.0).astype(jnp.float32)

            gather_wait()

            def red(j, acc):
                return tuple(acc[k] + rows_v[s % NROW, j, pl.ds(k * L, L)]
                             for k in range(KREG))

            acc = lax.fori_loop(0, HIST, red, (zf,) * KREG, unroll=8)
            denom = jnp.maximum(_lane_sum(red_v, cnt), 1e-9)
            vs = tuple(acc[k] / denom for k in range(KREG))
            for k in range(KREG):
                vec_v[hbase + s, pl.ds(k * L, L)] = vs[k]

            if do_sim:
                dot, n1, n2 = zf, zf, zf
                for k in range(KREG):
                    v1k = vec_v[s, pl.ds(k * L, L)]
                    dot = dot + v1k * vs[k]
                    n1 = n1 + v1k * v1k
                    n2 = n2 + vs[k] * vs[k]
                p = jnp.maximum(_lane_sum(red_v, n1) * _lane_sum(red_v, n2),
                                1e-16)
                sim = _lane_sum(red_v, dot) * _rsqrt_newton(p)
                lane = lax.iota(jnp.int32, L)
                plsc.store_scatter(sim_v, [jnp.full((L,), s, jnp.int32)],
                                   sim, mask=lane == 0)
            return carry

        lax.fori_loop(0, BPW, seg_body, 0)

    run_half(seq1_hbm, 0, do_sim=False)
    run_half(seq2_hbm, BPW, do_sim=True)

    pltpu.sync_copy(sim_v, sim_hbm.at[pl.ds(base, BPW)])
    pltpu.sync_copy(vec_v.at[pl.ds(0, BPW)], vec1_hbm.at[pl.ds(base, BPW)])
    pltpu.sync_copy(vec_v.at[pl.ds(BPW, BPW)], vec2_hbm.at[pl.ds(base, BPW)])


def kernel(seq1, seq2, table):
    f = pl.kernel(
        _body,
        out_type=(
            jax.ShapeDtypeStruct((BATCH,), jnp.float32),
            jax.ShapeDtypeStruct((BATCH, EMBED), jnp.float32),
            jax.ShapeDtypeStruct((BATCH, EMBED), jnp.float32),
        ),
        mesh=plsc.VectorSubcoreMesh(core_axis_name="c", subcore_axis_name="s"),
        compiler_params=pltpu.CompilerParams(needs_layout_passes=False,
                                             use_tc_tiling_on_sc=False),
        scratch_types=[
            pltpu.VMEM((NIDX, HPAD), jnp.int32),
            pltpu.VMEM((NROW, HPAD, EMBED), jnp.float32),
            pltpu.VMEM((2 * BPW, EMBED), jnp.float32),
            pltpu.VMEM((BPW,), jnp.float32),
            pltpu.VMEM((L,), jnp.float32),
            pltpu.SemaphoreType.DMA,
            pltpu.SemaphoreType.DMA,
        ],
    )
    return f(seq1.astype(jnp.int32).reshape(-1),
             seq2.astype(jnp.int32).reshape(-1), table)

# --- scband reference (transcript-rebuilt; emitter-appended) ---
"""Pipeline reference for scband-simple-dual-encoder-1546188226759 (READ-ONLY COPY).

The authoritative reference and input builder live on the scoring server;
editing this copy changes nothing except your own understanding.
"""

import jax, jax.numpy as jnp
import numpy as np

VOCAB = 1000000
EMBED_DIM = 64
BATCH = 4096
HIST = 200

def setup_inputs(seed: int = 0) -> dict:
    key = jax.random.key(seed)
    k1, k2, k3 = jax.random.split(key, 3)
    seq1 = jax.random.randint(k1, (BATCH, HIST), 0, VOCAB)
    seq2 = jax.random.randint(k2, (BATCH, HIST), 0, VOCAB)
    table = jax.random.normal(k3, (VOCAB, EMBED_DIM), dtype=jnp.float32)
    # padding_idx=0 row zeroed like nn.Embedding(padding_idx=0)
    table = table.at[0].set(0.0)
    return {"seq1": seq1, "seq2": seq2, "table": table}

def _encode_single(table, seq):
    mask = (seq != 0).astype(jnp.float32)
    emb = jnp.take(table, seq, axis=0)
    vec = (emb * mask[..., None]).sum(axis=1) / jnp.maximum(mask.sum(axis=1, keepdims=True), 1e-09)
    return vec

def reference(seq1, seq2, table):
    vec1 = _encode_single(table, seq1)
    vec2 = _encode_single(table, seq2)
    n1 = jnp.linalg.norm(vec1, axis=-1)
    n2 = jnp.linalg.norm(vec2, axis=-1)
    sim = (vec1 * vec2).sum(axis=-1) / jnp.maximum(n1 * n2, 1e-08)
    return (sim, vec1, vec2)

if __name__ == "__main__":
    import jax
    _d = setup_inputs()
    print(jax.jit(kernel)(*tuple(_d.values())))

</pallas_src>

<mosaic_0001>
#map = affine_map<(d0, d1) -> (0)>
#map1 = affine_map<(d0, d1) -> (0, 0)>
module attributes {stable_mosaic.version = 14 : i64} {
  func.func @_body(%arg0: i32, %arg1: i32, %arg2: memref<819200xi32, #tpu.memory_space<hbm>>, %arg3: memref<819200xi32, #tpu.memory_space<hbm>>, %arg4: memref<1000000x64xf32, #tpu.memory_space<hbm>>, %arg5: memref<4096xf32, #tpu.memory_space<hbm>>, %arg6: memref<4096x64xf32, #tpu.memory_space<hbm>>, %arg7: memref<4096x64xf32, #tpu.memory_space<hbm>>, %arg8: memref<8x208xi32, #tpu.memory_space<vmem>>, %arg9: memref<4x208x64xf32, #tpu.memory_space<vmem>>, %arg10: memref<256x64xf32, #tpu.memory_space<vmem>>, %arg11: memref<128xf32, #tpu.memory_space<vmem>>, %arg12: memref<16xf32, #tpu.memory_space<vmem>>, %arg13: memref<!tpu.dma_semaphore, #tpu.memory_space<semaphore_mem>>, %arg14: memref<!tpu.dma_semaphore, #tpu.memory_space<semaphore_mem>>) attributes {dimension_semantics = [#tpu.dimension_semantics<core_parallel>, #tpu.dimension_semantics<subcore_parallel>], iteration_bounds = array<i64: 2, 16>, scalar_prefetch = 0 : i64, scratch_operands = 7 : i64, tpu.core_type = #tpu.core_type<sc_vector_subcore>, window_params = [{transform_indices = #map}, {transform_indices = #map}, {transform_indices = #map1}, {transform_indices = #map}, {transform_indices = #map1}, {transform_indices = #map1}]} {
    %mul3A = arith.constant 2 : i32
    %mul3A_0 = arith.muli %arg1, %mul3A : i32
    %add3A = arith.addi %mul3A_0, %arg0 : i32
    %mul3A_1 = arith.constant 128 : i32
    %mul3A_2 = arith.muli %add3A, %mul3A_1 : i32
    %broadcast_in_dim3A = arith.constant 0.000000e+00 : f32
    %broadcast_in_dim3A_3 = vector.broadcast %broadcast_in_dim3A : f32 to vector<16xf32>
    %broadcast_in_dim3A_4 = arith.constant 0 : i32
    %broadcast_in_dim3A_5 = vector.broadcast %broadcast_in_dim3A_4 : i32 to vector<16xi32>
    %swap3A = arith.constant 0 : i32
    %swap3A_6 = arith.index_cast %swap3A : i32 to index
    %swap3A_7 = arith.constant 192 : index
    %swap3A_8 = tpu.vector_load %arg8[%swap3A_6, %swap3A_7] {strides = array<i32>} : memref<8x208xi32, #tpu.memory_space<vmem>>, vector<16xi32>,
    tpu.vector_store %arg8[%swap3A_6, %swap3A_7], %broadcast_in_dim3A_5 {strides = array<i32>} : memref<8x208xi32, #tpu.memory_space<vmem>>, vector<16xi32>,
    %broadcast_in_dim3A_9 = arith.constant 0 : i32
    %broadcast_in_dim3A_10 = vector.broadcast %broadcast_in_dim3A_9 : i32 to vector<16xi32>
    %swap3A_11 = arith.constant 1 : i32
    %swap3A_12 = arith.index_cast %swap3A_11 : i32 to index
    %swap3A_13 = arith.constant 192 : index
    %swap3A_14 = tpu.vector_load %arg8[%swap3A_12, %swap3A_13] {strides = array<i32>} : memref<8x208xi32, #tpu.memory_space<vmem>>, vector<16xi32>,
    tpu.vector_store %arg8[%swap3A_12, %swap3A_13], %broadcast_in_dim3A_10 {strides = array<i32>} : memref<8x208xi32, #tpu.memory_space<vmem>>, vector<16xi32>,
    %broadcast_in_dim3A_15 = arith.constant 0 : i32
    %broadcast_in_dim3A_16 = vector.broadcast %broadcast_in_dim3A_15 : i32 to vector<16xi32>
    %swap3A_17 = arith.constant 2 : i32
    %swap3A_18 = arith.index_cast %swap3A_17 : i32 to index
    %swap3A_19 = arith.constant 192 : index
    %swap3A_20 = tpu.vector_load %arg8[%swap3A_18, %swap3A_19] {strides = array<i32>} : memref<8x208xi32, #tpu.memory_space<vmem>>, vector<16xi32>,
    tpu.vector_store %arg8[%swap3A_18, %swap3A_19], %broadcast_in_dim3A_16 {strides = array<i32>} : memref<8x208xi32, #tpu.memory_space<vmem>>, vector<16xi32>,
    %broadcast_in_dim3A_21 = arith.constant 0 : i32
    %broadcast_in_dim3A_22 = vector.broadcast %broadcast_in_dim3A_21 : i32 to vector<16xi32>
    %swap3A_23 = arith.constant 3 : i32
    %swap3A_24 = arith.index_cast %swap3A_23 : i32 to index
    %swap3A_25 = arith.constant 192 : index
    %swap3A_26 = tpu.vector_load %arg8[%swap3A_24, %swap3A_25] {strides = array<i32>} : memref<8x208xi32, #tpu.memory_space<vmem>>, vector<16xi32>,
    tpu.vector_store %arg8[%swap3A_24, %swap3A_25], %broadcast_in_dim3A_22 {strides = array<i32>} : memref<8x208xi32, #tpu.memory_space<vmem>>, vector<16xi32>,
    %broadcast_in_dim3A_27 = arith.constant 0 : i32
    %broadcast_in_dim3A_28 = vector.broadcast %broadcast_in_dim3A_27 : i32 to vector<16xi32>
    %swap3A_29 = arith.constant 4 : i32
    %swap3A_30 = arith.index_cast %swap3A_29 : i32 to index
    %swap3A_31 = arith.constant 192 : index
    %swap3A_32 = tpu.vector_load %arg8[%swap3A_30, %swap3A_31] {strides = array<i32>} : memref<8x208xi32, #tpu.memory_space<vmem>>, vector<16xi32>,
    tpu.vector_store %arg8[%swap3A_30, %swap3A_31], %broadcast_in_dim3A_28 {strides = array<i32>} : memref<8x208xi32, #tpu.memory_space<vmem>>, vector<16xi32>,
    %broadcast_in_dim3A_33 = arith.constant 0 : i32
    %broadcast_in_dim3A_34 = vector.broadcast %broadcast_in_dim3A_33 : i32 to vector<16xi32>
    %swap3A_35 = arith.constant 5 : i32
    %swap3A_36 = arith.index_cast %swap3A_35 : i32 to index
    %swap3A_37 = arith.constant 192 : index
    %swap3A_38 = tpu.vector_load %arg8[%swap3A_36, %swap3A_37] {strides = array<i32>} : memref<8x208xi32, #tpu.memory_space<vmem>>, vector<16xi32>,
    tpu.vector_store %arg8[%swap3A_36, %swap3A_37], %broadcast_in_dim3A_34 {strides = array<i32>} : memref<8x208xi32, #tpu.memory_space<vmem>>, vector<16xi32>,
    %broadcast_in_dim3A_39 = arith.constant 0 : i32
    %broadcast_in_dim3A_40 = vector.broadcast %broadcast_in_dim3A_39 : i32 to vector<16xi32>
    %swap3A_41 = arith.constant 6 : i32
    %swap3A_42 = arith.index_cast %swap3A_41 : i32 to index
    %swap3A_43 = arith.constant 192 : index
    %swap3A_44 = tpu.vector_load %arg8[%swap3A_42, %swap3A_43] {strides = array<i32>} : memref<8x208xi32, #tpu.memory_space<vmem>>, vector<16xi32>,
    tpu.vector_store %arg8[%swap3A_42, %swap3A_43], %broadcast_in_dim3A_40 {strides = array<i32>} : memref<8x208xi32, #tpu.memory_space<vmem>>, vector<16xi32>,
    %broadcast_in_dim3A_45 = arith.constant 0 : i32
    %broadcast_in_dim3A_46 = vector.broadcast %broadcast_in_dim3A_45 : i32 to vector<16xi32>
    %swap3A_47 = arith.constant 7 : i32
    %swap3A_48 = arith.index_cast %swap3A_47 : i32 to index
    %swap3A_49 = arith.constant 192 : index
    %swap3A_50 = tpu.vector_load %arg8[%swap3A_48, %swap3A_49] {strides = array<i32>} : memref<8x208xi32, #tpu.memory_space<vmem>>, vector<16xi32>,
    tpu.vector_store %arg8[%swap3A_48, %swap3A_49], %broadcast_in_dim3A_46 {strides = array<i32>} : memref<8x208xi32, #tpu.memory_space<vmem>>, vector<16xi32>,
    %add3A_51 = arith.constant 0 : i32
    %add3A_52 = arith.addi %mul3A_2, %add3A_51 : i32
    %mul3A_53 = arith.constant 200 : i32
    %mul3A_54 = arith.muli %add3A_52, %mul3A_53 : i32
    %multiple_of3A = tpu.assume_multiple %mul3A_54, 8 : i32
    %dma_start3A = arith.constant 0 : i32
    %dma_start3A_55 = arith.constant 0 : i32
    %dma_start3A_56 = tpu.memref_slice %arg8[%dma_start3A, %dma_start3A_55] : memref<8x208xi32, #tpu.memory_space<vmem>> -> memref<1x200xi32, #tpu.memory_space<vmem>>
    %dma_start3A_57 = tpu.memref_squeeze %dma_start3A_56 : memref<1x200xi32, #tpu.memory_space<vmem>> -> memref<200xi32, #tpu.memory_space<vmem>>
    %dma_start3A_58 = tpu.memref_slice %arg2[%multiple_of3A] : memref<819200xi32, #tpu.memory_space<hbm>> -> memref<200xi32, #tpu.memory_space<hbm>>
    %dma_start3A_59 = arith.constant 0 : i32
    %dma_start3A_60 = tpu.memref_slice %arg8[%dma_start3A, %dma_start3A_59] : memref<8x208xi32, #tpu.memory_space<vmem>> -> memref<1x200xi32, #tpu.memory_space<vmem>>
    %dma_start3A_61 = tpu.memref_squeeze %dma_start3A_60 : memref<1x200xi32, #tpu.memory_space<vmem>> -> memref<200xi32, #tpu.memory_space<vmem>>
    %dma_start3A_62 = tpu.memref_slice %arg2[%multiple_of3A] : memref<819200xi32, #tpu.memory_space<hbm>> -> memref<200xi32, #tpu.memory_space<hbm>>
    tpu.enqueue_dma source(%dma_start3A_62 : memref<200xi32, #tpu.memory_space<hbm>>) target(%dma_start3A_61 : memref<200xi32, #tpu.memory_space<vmem>>) target_semaphore(%arg14 : memref<!tpu.dma_semaphore, #tpu.memory_space<semaphore_mem>>)
    %add3A_63 = arith.constant 1 : i32
    %add3A_64 = arith.addi %mul3A_2, %add3A_63 : i32
    %mul3A_65 = arith.constant 200 : i32
    %mul3A_66 = arith.muli %add3A_64, %mul3A_65 : i32
    %multiple_of3A_67 = tpu.assume_multiple %mul3A_66, 8 : i32
    %dma_start3A_68 = arith.constant 1 : i32
    %dma_start3A_69 = arith.constant 0 : i32
    %dma_start3A_70 = tpu.memref_slice %arg8[%dma_start3A_68, %dma_start3A_69] : memref<8x208xi32, #tpu.memory_space<vmem>> -> memref<1x200xi32, #tpu.memory_space<vmem>>
    %dma_start3A_71 = tpu.memref_squeeze %dma_start3A_70 : memref<1x200xi32, #tpu.memory_space<vmem>> -> memref<200xi32, #tpu.memory_space<vmem>>
    %dma_start3A_72 = tpu.memref_slice %arg2[%multiple_of3A_67] : memref<819200xi32, #tpu.memory_space<hbm>> -> memref<200xi32, #tpu.memory_space<hbm>>
    %dma_start3A_73 = arith.constant 0 : i32
    %dma_start3A_74 = tpu.memref_slice %arg8[%dma_start3A_68, %dma_start3A_73] : memref<8x208xi32, #tpu.memory_space<vmem>> -> memref<1x200xi32, #tpu.memory_space<vmem>>
    %dma_start3A_75 = tpu.memref_squeeze %dma_start3A_74 : memref<1x200xi32, #tpu.memory_space<vmem>> -> memref<200xi32, #tpu.memory_space<vmem>>
    %dma_start3A_76 = tpu.memref_slice %arg2[%multiple_of3A_67] : memref<819200xi32, #tpu.memory_space<hbm>> -> memref<200xi32, #tpu.memory_space<hbm>>
    tpu.enqueue_dma source(%dma_start3A_76 : memref<200xi32, #tpu.memory_space<hbm>>) target(%dma_start3A_75 : memref<200xi32, #tpu.memory_space<vmem>>) target_semaphore(%arg14 : memref<!tpu.dma_semaphore, #tpu.memory_space<semaphore_mem>>)
    %add3A_77 = arith.constant 2 : i32
    %add3A_78 = arith.addi %mul3A_2, %add3A_77 : i32
    %mul3A_79 = arith.constant 200 : i32
    %mul3A_80 = arith.muli %add3A_78, %mul3A_79 : i32
    %multiple_of3A_81 = tpu.assume_multiple %mul3A_80, 8 : i32
    %dma_start3A_82 = arith.constant 2 : i32
    %dma_start3A_83 = arith.constant 0 : i32
    %dma_start3A_84 = tpu.memref_slice %arg8[%dma_start3A_82, %dma_start3A_83] : memref<8x208xi32, #tpu.memory_space<vmem>> -> memref<1x200xi32, #tpu.memory_space<vmem>>
    %dma_start3A_85 = tpu.memref_squeeze %dma_start3A_84 : memref<1x200xi32, #tpu.memory_space<vmem>> -> memref<200xi32, #tpu.memory_space<vmem>>
    %dma_start3A_86 = tpu.memref_slice %arg2[%multiple_of3A_81] : memref<819200xi32, #tpu.memory_space<hbm>> -> memref<200xi32, #tpu.memory_space<hbm>>
    %dma_start3A_87 = arith.constant 0 : i32
    %dma_start3A_88 = tpu.memref_slice %arg8[%dma_start3A_82, %dma_start3A_87] : memref<8x208xi32, #tpu.memory_space<vmem>> -> memref<1x200xi32, #tpu.memory_space<vmem>>
    %dma_start3A_89 = tpu.memref_squeeze %dma_start3A_88 : memref<1x200xi32, #tpu.memory_space<vmem>> -> memref<200xi32, #tpu.memory_space<vmem>>
    %dma_start3A_90 = tpu.memref_slice %arg2[%multiple_of3A_81] : memref<819200xi32, #tpu.memory_space<hbm>> -> memref<200xi32, #tpu.memory_space<hbm>>
    tpu.enqueue_dma source(%dma_start3A_90 : memref<200xi32, #tpu.memory_space<hbm>>) target(%dma_start3A_89 : memref<200xi32, #tpu.memory_space<vmem>>) target_semaphore(%arg14 : memref<!tpu.dma_semaphore, #tpu.memory_space<semaphore_mem>>)
    %add3A_91 = arith.constant 3 : i32
    %add3A_92 = arith.addi %mul3A_2, %add3A_91 : i32
    %mul3A_93 = arith.constant 200 : i32
    %mul3A_94 = arith.muli %add3A_92, %mul3A_93 : i32
    %multiple_of3A_95 = tpu.assume_multiple %mul3A_94, 8 : i32
    %dma_start3A_96 = arith.constant 3 : i32
    %dma_start3A_97 = arith.constant 0 : i32
    %dma_start3A_98 = tpu.memref_slice %arg8[%dma_start3A_96, %dma_start3A_97] : memref<8x208xi32, #tpu.memory_space<vmem>> -> memref<1x200xi32, #tpu.memory_space<vmem>>
    %dma_start3A_99 = tpu.memref_squeeze %dma_start3A_98 : memref<1x200xi32, #tpu.memory_space<vmem>> -> memref<200xi32, #tpu.memory_space<vmem>>
    %dma_start3A_100 = tpu.memref_slice %arg2[%multiple_of3A_95] : memref<819200xi32, #tpu.memory_space<hbm>> -> memref<200xi32, #tpu.memory_space<hbm>>
    %dma_start3A_101 = arith.constant 0 : i32
    %dma_start3A_102 = tpu.memref_slice %arg8[%dma_start3A_96, %dma_start3A_101] : memref<8x208xi32, #tpu.memory_space<vmem>> -> memref<1x200xi32, #tpu.memory_space<vmem>>
    %dma_start3A_103 = tpu.memref_squeeze %dma_start3A_102 : memref<1x200xi32, #tpu.memory_space<vmem>> -> memref<200xi32, #tpu.memory_space<vmem>>
    %dma_start3A_104 = tpu.memref_slice %arg2[%multiple_of3A_95] : memref<819200xi32, #tpu.memory_space<hbm>> -> memref<200xi32, #tpu.memory_space<hbm>>
    tpu.enqueue_dma source(%dma_start3A_104 : memref<200xi32, #tpu.memory_space<hbm>>) target(%dma_start3A_103 : memref<200xi32, #tpu.memory_space<vmem>>) target_semaphore(%arg14 : memref<!tpu.dma_semaphore, #tpu.memory_space<semaphore_mem>>)
    %add3A_105 = arith.constant 4 : i32
    %add3A_106 = arith.addi %mul3A_2, %add3A_105 : i32
    %mul3A_107 = arith.constant 200 : i32
    %mul3A_108 = arith.muli %add3A_106, %mul3A_107 : i32
    %multiple_of3A_109 = tpu.assume_multiple %mul3A_108, 8 : i32
    %dma_start3A_110 = arith.constant 4 : i32
    %dma_start3A_111 = arith.constant 0 : i32
    %dma_start3A_112 = tpu.memref_slice %arg8[%dma_start3A_110, %dma_start3A_111] : memref<8x208xi32, #tpu.memory_space<vmem>> -> memref<1x200xi32, #tpu.memory_space<vmem>>
    %dma_start3A_113 = tpu.memref_squeeze %dma_start3A_112 : memref<1x200xi32, #tpu.memory_space<vmem>> -> memref<200xi32, #tpu.memory_space<vmem>>
    %dma_start3A_114 = tpu.memref_slice %arg2[%multiple_of3A_109] : memref<819200xi32, #tpu.memory_space<hbm>> -> memref<200xi32, #tpu.memory_space<hbm>>
    %dma_start3A_115 = arith.constant 0 : i32
    %dma_start3A_116 = tpu.memref_slice %arg8[%dma_start3A_110, %dma_start3A_115] : memref<8x208xi32, #tpu.memory_space<vmem>> -> memref<1x200xi32, #tpu.memory_space<vmem>>
    %dma_start3A_117 = tpu.memref_squeeze %dma_start3A_116 : memref<1x200xi32, #tpu.memory_space<vmem>> -> memref<200xi32, #tpu.memory_space<vmem>>
    %dma_start3A_118 = tpu.memref_slice %arg2[%multiple_of3A_109] : memref<819200xi32, #tpu.memory_space<hbm>> -> memref<200xi32, #tpu.memory_space<hbm>>
    tpu.enqueue_dma source(%dma_start3A_118 : memref<200xi32, #tpu.memory_space<hbm>>) target(%dma_start3A_117 : memref<200xi32, #tpu.memory_space<vmem>>) target_semaphore(%arg14 : memref<!tpu.dma_semaphore, #tpu.memory_space<semaphore_mem>>)
    %dma_wait3A = arith.constant 0 : i32
    %dma_wait3A_119 = arith.constant 0 : i32
    %dma_wait3A_120 = tpu.memref_slice %arg8[%dma_wait3A, %dma_wait3A_119] : memref<8x208xi32, #tpu.memory_space<vmem>> -> memref<1x200xi32, #tpu.memory_space<vmem>>
    %dma_wait3A_121 = tpu.memref_squeeze %dma_wait3A_120 : memref<1x200xi32, #tpu.memory_space<vmem>> -> memref<200xi32, #tpu.memory_space<vmem>>
    %dma_wait3A_122 = arith.constant 0 : i32
    %dma_wait3A_123 = tpu.memref_slice %arg2[%dma_wait3A_122] : memref<819200xi32, #tpu.memory_space<hbm>> -> memref<200xi32, #tpu.memory_space<hbm>>
    %dma_wait3A_124 = arith.constant 0 : i32
    %dma_wait3A_125 = tpu.memref_slice %arg8[%dma_wait3A, %dma_wait3A_124] : memref<8x208xi32, #tpu.memory_space<vmem>> -> memref<1x200xi32, #tpu.memory_space<vmem>>
    %dma_wait3A_126 = tpu.memref_squeeze %dma_wait3A_125 : memref<1x200xi32, #tpu.memory_space<vmem>> -> memref<200xi32, #tpu.memory_space<vmem>>
    %dma_wait3A_127 = arith.constant 0 : i32
    %dma_wait3A_128 = tpu.memref_slice %arg2[%dma_wait3A_127] : memref<819200xi32, #tpu.memory_space<hbm>> -> memref<200xi32, #tpu.memory_space<hbm>>
    tpu.wait_dma2 semaphore(%arg14 : memref<!tpu.dma_semaphore, #tpu.memory_space<semaphore_mem>>) src(%dma_wait3A_128 : memref<200xi32, #tpu.memory_space<hbm>>) dst(%dma_wait3A_126 : memref<200xi32, #tpu.memory_space<vmem>>)
    %dma_start3A_129 = arith.constant 0 : i32
    %dma_start3A_130 = arith.constant 0 : i32
    %dma_start3A_131 = arith.constant 0 : i32
    %dma_start3A_132 = arith.constant 0 : i32
    %dma_start3A_133 = tpu.memref_slice %arg9[%dma_start3A_130, %dma_start3A_131, %dma_start3A_132] : memref<4x208x64xf32, #tpu.memory_space<vmem>> -> memref<1x200x64xf32, #tpu.memory_space<vmem>>
    %dma_start3A_134 = tpu.memref_squeeze %dma_start3A_133 : memref<1x200x64xf32, #tpu.memory_space<vmem>> -> memref<200x64xf32, #tpu.memory_space<vmem>>
    %dma_start3A_135 = arith.constant 0 : i32
    %dma_start3A_136 = tpu.memref_slice %arg8[%dma_start3A_129, %dma_start3A_135] : memref<8x208xi32, #tpu.memory_space<vmem>> -> memref<1x200xi32, #tpu.memory_space<vmem>>
    %dma_start3A_137 = tpu.memref_squeeze %dma_start3A_136 : memref<1x200xi32, #tpu.memory_space<vmem>> -> memref<200xi32, #tpu.memory_space<vmem>>
    %dma_start3A_138 = arith.constant 0 : i32
    %dma_start3A_139 = arith.constant 0 : i32
    %dma_start3A_140 = tpu.memref_slice %arg4[%dma_start3A_138, %dma_start3A_139] : memref<1000000x64xf32, #tpu.memory_space<hbm>> -> memref<1000000x64xf32, #tpu.memory_space<hbm>>
    tpu.enqueue_indirect_dma source(%dma_start3A_140 : memref<1000000x64xf32, #tpu.memory_space<hbm>>) target(%dma_start3A_134 : memref<200x64xf32, #tpu.memory_space<vmem>>) offsets(%dma_start3A_137 : memref<200xi32, #tpu.memory_space<vmem>>) semaphore(%arg13 : memref<!tpu.dma_semaphore, #tpu.memory_space<semaphore_mem>>)
    %dma_wait3A_141 = arith.constant 0 : i32
    %dma_wait3A_142 = arith.constant 0 : i32
    %dma_wait3A_143 = tpu.memref_slice %arg8[%dma_wait3A_141, %dma_wait3A_142] : memref<8x208xi32, #tpu.memory_space<vmem>> -> memref<1x200xi32, #tpu.memory_space<vmem>>
    %dma_wait3A_144 = tpu.memref_squeeze %dma_wait3A_143 : memref<1x200xi32, #tpu.memory_space<vmem>> -> memref<200xi32, #tpu.memory_space<vmem>>
    %dma_wait3A_145 = arith.constant 0 : i32
    %dma_wait3A_146 = tpu.memref_slice %arg2[%dma_wait3A_145] : memref<819200xi32, #tpu.memory_space<hbm>> -> memref<200xi32, #tpu.memory_space<hbm>>
    %dma_wait3A_147 = arith.constant 0 : i32
    %dma_wait3A_148 = tpu.memref_slice %arg8[%dma_wait3A_141, %dma_wait3A_147] : memref<8x208xi32, #tpu.memory_space<vmem>> -> memref<1x200xi32, #tpu.memory_space<vmem>>
    %dma_wait3A_149 = tpu.memref_squeeze %dma_wait3A_148 : memref<1x200xi32, #tpu.memory_space<vmem>> -> memref<200xi32, #tpu.memory_space<vmem>>
    %dma_wait3A_150 = arith.constant 0 : i32
    %dma_wait3A_151 = tpu.memref_slice %arg2[%dma_wait3A_150] : memref<819200xi32, #tpu.memory_space<hbm>> -> memref<200xi32, #tpu.memory_space<hbm>>
    tpu.wait_dma2 semaphore(%arg14 : memref<!tpu.dma_semaphore, #tpu.memory_space<semaphore_mem>>) src(%dma_wait3A_151 : memref<200xi32, #tpu.memory_space<hbm>>) dst(%dma_wait3A_149 : memref<200xi32, #tpu.memory_space<vmem>>)
    %dma_start3A_152 = arith.constant 1 : i32
    %dma_start3A_153 = arith.constant 1 : i32
    %dma_start3A_154 = arith.constant 0 : i32
    %dma_start3A_155 = arith.constant 0 : i32
    %dma_start3A_156 = tpu.memref_slice %arg9[%dma_start3A_153, %dma_start3A_154, %dma_start3A_155] : memref<4x208x64xf32, #tpu.memory_space<vmem>> -> memref<1x200x64xf32, #tpu.memory_space<vmem>>
    %dma_start3A_157 = tpu.memref_squeeze %dma_start3A_156 : memref<1x200x64xf32, #tpu.memory_space<vmem>> -> memref<200x64xf32, #tpu.memory_space<vmem>>
    %dma_start3A_158 = arith.constant 0 : i32
    %dma_start3A_159 = tpu.memref_slice %arg8[%dma_start3A_152, %dma_start3A_158] : memref<8x208xi32, #tpu.memory_space<vmem>> -> memref<1x200xi32, #tpu.memory_space<vmem>>
    %dma_start3A_160 = tpu.memref_squeeze %dma_start3A_159 : memref<1x200xi32, #tpu.memory_space<vmem>> -> memref<200xi32, #tpu.memory_space<vmem>>
    %dma_start3A_161 = arith.constant 0 : i32
    %dma_start3A_162 = arith.constant 0 : i32
    %dma_start3A_163 = tpu.memref_slice %arg4[%dma_start3A_161, %dma_start3A_162] : memref<1000000x64xf32, #tpu.memory_space<hbm>> -> memref<1000000x64xf32, #tpu.memory_space<hbm>>
    tpu.enqueue_indirect_dma source(%dma_start3A_163 : memref<1000000x64xf32, #tpu.memory_space<hbm>>) target(%dma_start3A_157 : memref<200x64xf32, #tpu.memory_space<vmem>>) offsets(%dma_start3A_160 : memref<200xi32, #tpu.memory_space<vmem>>) semaphore(%arg13 : memref<!tpu.dma_semaphore, #tpu.memory_space<semaphore_mem>>)
    %dma_wait3A_164 = arith.constant 0 : i32
    %dma_wait3A_165 = arith.constant 0 : i32
    %dma_wait3A_166 = tpu.memref_slice %arg8[%dma_wait3A_164, %dma_wait3A_165] : memref<8x208xi32, #tpu.memory_space<vmem>> -> memref<1x200xi32, #tpu.memory_space<vmem>>
    %dma_wait3A_167 = tpu.memref_squeeze %dma_wait3A_166 : memref<1x200xi32, #tpu.memory_space<vmem>> -> memref<200xi32, #tpu.memory_space<vmem>>
    %dma_wait3A_168 = arith.constant 0 : i32
    %dma_wait3A_169 = tpu.memref_slice %arg2[%dma_wait3A_168] : memref<819200xi32, #tpu.memory_space<hbm>> -> memref<200xi32, #tpu.memory_space<hbm>>
    %dma_wait3A_170 = arith.constant 0 : i32
    %dma_wait3A_171 = tpu.memref_slice %arg8[%dma_wait3A_164, %dma_wait3A_170] : memref<8x208xi32, #tpu.memory_space<vmem>> -> memref<1x200xi32, #tpu.memory_space<vmem>>
    %dma_wait3A_172 = tpu.memref_squeeze %dma_wait3A_171 : memref<1x200xi32, #tpu.memory_space<vmem>> -> memref<200xi32, #tpu.memory_space<vmem>>
    %dma_wait3A_173 = arith.constant 0 : i32
    %dma_wait3A_174 = tpu.memref_slice %arg2[%dma_wait3A_173] : memref<819200xi32, #tpu.memory_space<hbm>> -> memref<200xi32, #tpu.memory_space<hbm>>
    tpu.wait_dma2 semaphore(%arg14 : memref<!tpu.dma_semaphore, #tpu.memory_space<semaphore_mem>>) src(%dma_wait3A_174 : memref<200xi32, #tpu.memory_space<hbm>>) dst(%dma_wait3A_172 : memref<200xi32, #tpu.memory_space<vmem>>)
    %dma_start3A_175 = arith.constant 2 : i32
    %dma_start3A_176 = arith.constant 2 : i32
    %dma_start3A_177 = arith.constant 0 : i32
    %dma_start3A_178 = arith.constant 0 : i32
    %dma_start3A_179 = tpu.memref_slice %arg9[%dma_start3A_176, %dma_start3A_177, %dma_start3A_178] : memref<4x208x64xf32, #tpu.memory_space<vmem>> -> memref<1x200x64xf32, #tpu.memory_space<vmem>>
    %dma_start3A_180 = tpu.memref_squeeze %dma_start3A_179 : memref<1x200x64xf32, #tpu.memory_space<vmem>> -> memref<200x64xf32, #tpu.memory_space<vmem>>
    %dma_start3A_181 = arith.constant 0 : i32
    %dma_start3A_182 = tpu.memref_slice %arg8[%dma_start3A_175, %dma_start3A_181] : memref<8x208xi32, #tpu.memory_space<vmem>> -> memref<1x200xi32, #tpu.memory_space<vmem>>
    %dma_start3A_183 = tpu.memref_squeeze %dma_start3A_182 : memref<1x200xi32, #tpu.memory_space<vmem>> -> memref<200xi32, #tpu.memory_space<vmem>>
    %dma_start3A_184 = arith.constant 0 : i32
    %dma_start3A_185 = arith.constant 0 : i32
    %dma_start3A_186 = tpu.memref_slice %arg4[%dma_start3A_184, %dma_start3A_185] : memref<1000000x64xf32, #tpu.memory_space<hbm>> -> memref<1000000x64xf32, #tpu.memory_space<hbm>>
    tpu.enqueue_indirect_dma source(%dma_start3A_186 : memref<1000000x64xf32, #tpu.memory_space<hbm>>) target(%dma_start3A_180 : memref<200x64xf32, #tpu.memory_space<vmem>>) offsets(%dma_start3A_183 : memref<200xi32, #tpu.memory_space<vmem>>) semaphore(%arg13 : memref<!tpu.dma_semaphore, #tpu.memory_space<semaphore_mem>>)
    %scan3A = arith.constant 0 : i32
    %scan3A_187 = arith.constant 0 : i32
    %scan3A_188 = arith.constant 128 : i32
    %scan3A_189 = arith.addi %scan3A_187, %scan3A_188 : i32
    %scan3A_190 = arith.constant 1 : i32
    scf.for %scan3A_337 = %scan3A_187 to %scan3A_189 step %scan3A_190  : i32 {
      %jit3A = arith.constant 8 : i32
      %eq3A = arith.constant 0 : i32
      %eq3A_338 = arith.cmpi eq, %jit3A, %eq3A : i32
      %jit3A_339 = arith.constant 1 : i32
      %select_n3A = arith.select %eq3A_338, %jit3A_339, %jit3A : i32
      %rem3A = arith.remsi %scan3A_337, %select_n3A : i32
      %ne3A = arith.constant 0 : i32
      %ne3A_340 = arith.cmpi ne, %rem3A, %ne3A : i32
      %lt3A = arith.constant 0 : i32
      %lt3A_341 = arith.cmpi slt, %rem3A, %lt3A : i32
      %lt3A_342 = arith.constant 0 : i32
      %lt3A_343 = arith.cmpi slt, %select_n3A, %lt3A_342 : i32
      %ne3A_344 = arith.xori %lt3A_341, %lt3A_343 : i1
      %and3A = arith.andi %ne3A_344, %ne3A_340 : i1
      %add3A_345 = arith.addi %rem3A, %select_n3A : i32
      %select_n3A_346 = arith.select %and3A, %add3A_345, %rem3A : i32
      %add3A_347 = arith.constant 3 : i32
      %add3A_348 = arith.addi %scan3A_337, %add3A_347 : i32
      %lt3A_349 = arith.constant 128 : i32
      %lt3A_350 = arith.cmpi slt, %add3A_348, %lt3A_349 : i32
      %convert_element_type3A = arith.extui %lt3A_350 : i1 to i32
      %cond3A = arith.constant 0 : i32
      %cond3A_351 = arith.cmpi ne, %convert_element_type3A, %cond3A : i32
      scf.if %cond3A_351 {
        %dma_wait3A_586 = arith.constant 0 : i32
        %dma_wait3A_587 = arith.constant 0 : i32
        %dma_wait3A_588 = tpu.memref_slice %arg8[%dma_wait3A_586, %dma_wait3A_587] : memref<8x208xi32, #tpu.memory_space<vmem>> -> memref<1x200xi32, #tpu.memory_space<vmem>>
        %dma_wait3A_589 = tpu.memref_squeeze %dma_wait3A_588 : memref<1x200xi32, #tpu.memory_space<vmem>> -> memref<200xi32, #tpu.memory_space<vmem>>
        %dma_wait3A_590 = arith.constant 0 : i32
        %dma_wait3A_591 = tpu.memref_slice %arg2[%dma_wait3A_590] : memref<819200xi32, #tpu.memory_space<hbm>> -> memref<200xi32, #tpu.memory_space<hbm>>
        %dma_wait3A_592 = arith.constant 0 : i32
        %dma_wait3A_593 = tpu.memref_slice %arg8[%dma_wait3A_586, %dma_wait3A_592] : memref<8x208xi32, #tpu.memory_space<vmem>> -> memref<1x200xi32, #tpu.memory_space<vmem>>
        %dma_wait3A_594 = tpu.memref_squeeze %dma_wait3A_593 : memref<1x200xi32, #tpu.memory_space<vmem>> -> memref<200xi32, #tpu.memory_space<vmem>>
        %dma_wait3A_595 = arith.constant 0 : i32
        %dma_wait3A_596 = tpu.memref_slice %arg2[%dma_wait3A_595] : memref<819200xi32, #tpu.memory_space<hbm>> -> memref<200xi32, #tpu.memory_space<hbm>>
        tpu.wait_dma2 semaphore(%arg14 : memref<!tpu.dma_semaphore, #tpu.memory_space<semaphore_mem>>) src(%dma_wait3A_596 : memref<200xi32, #tpu.memory_space<hbm>>) dst(%dma_wait3A_594 : memref<200xi32, #tpu.memory_space<vmem>>)
        %add3A_597 = arith.constant 3 : i32
        %add3A_598 = arith.addi %scan3A_337, %add3A_597 : i32
        %jit3A_599 = arith.constant 8 : i32
        %eq3A_600 = arith.constant 0 : i32
        %eq3A_601 = arith.cmpi eq, %jit3A_599, %eq3A_600 : i32
        %jit3A_602 = arith.constant 1 : i32
        %select_n3A_603 = arith.select %eq3A_601, %jit3A_602, %jit3A_599 : i32
        %rem3A_604 = arith.remsi %add3A_598, %select_n3A_603 : i32
        %ne3A_605 = arith.constant 0 : i32
        %ne3A_606 = arith.cmpi ne, %rem3A_604, %ne3A_605 : i32
        %lt3A_607 = arith.constant 0 : i32
        %lt3A_608 = arith.cmpi slt, %rem3A_604, %lt3A_607 : i32
        %lt3A_609 = arith.constant 0 : i32
        %lt3A_610 = arith.cmpi slt, %select_n3A_603, %lt3A_609 : i32
        %ne3A_611 = arith.xori %lt3A_608, %lt3A_610 : i1
        %and3A_612 = arith.andi %ne3A_611, %ne3A_606 : i1
        %add3A_613 = arith.addi %rem3A_604, %select_n3A_603 : i32
        %select_n3A_614 = arith.select %and3A_612, %add3A_613, %rem3A_604 : i32
        %jit3A_615 = arith.constant 4 : i32
        %eq3A_616 = arith.constant 0 : i32
        %eq3A_617 = arith.cmpi eq, %jit3A_615, %eq3A_616 : i32
        %jit3A_618 = arith.constant 1 : i32
        %select_n3A_619 = arith.select %eq3A_617, %jit3A_618, %jit3A_615 : i32
        %rem3A_620 = arith.remsi %add3A_598, %select_n3A_619 : i32
        %ne3A_621 = arith.constant 0 : i32
        %ne3A_622 = arith.cmpi ne, %rem3A_620, %ne3A_621 : i32
        %lt3A_623 = arith.constant 0 : i32
        %lt3A_624 = arith.cmpi slt, %rem3A_620, %lt3A_623 : i32
        %lt3A_625 = arith.constant 0 : i32
        %lt3A_626 = arith.cmpi slt, %select_n3A_619, %lt3A_625 : i32
        %ne3A_627 = arith.xori %lt3A_624, %lt3A_626 : i1
        %and3A_628 = arith.andi %ne3A_627, %ne3A_622 : i1
        %add3A_629 = arith.addi %rem3A_620, %select_n3A_619 : i32
        %select_n3A_630 = arith.select %and3A_628, %add3A_629, %rem3A_620 : i32
        %dma_start3A_631 = arith.constant 0 : i32
        %dma_start3A_632 = arith.constant 0 : i32
        %dma_start3A_633 = tpu.memref_slice %arg9[%select_n3A_630, %dma_start3A_631, %dma_start3A_632] : memref<4x208x64xf32, #tpu.memory_space<vmem>> -> memref<1x200x64xf32, #tpu.memory_space<vmem>>
        %dma_start3A_634 = tpu.memref_squeeze %dma_start3A_633 : memref<1x200x64xf32, #tpu.memory_space<vmem>> -> memref<200x64xf32, #tpu.memory_space<vmem>>
        %dma_start3A_635 = arith.constant 0 : i32
        %dma_start3A_636 = tpu.memref_slice %arg8[%select_n3A_614, %dma_start3A_635] : memref<8x208xi32, #tpu.memory_space<vmem>> -> memref<1x200xi32, #tpu.memory_space<vmem>>
        %dma_start3A_637 = tpu.memref_squeeze %dma_start3A_636 : memref<1x200xi32, #tpu.memory_space<vmem>> -> memref<200xi32, #tpu.memory_space<vmem>>
        %dma_start3A_638 = arith.constant 0 : i32
        %dma_start3A_639 = arith.constant 0 : i32
        %dma_start3A_640 = tpu.memref_slice %arg4[%dma_start3A_638, %dma_start3A_639] : memref<1000000x64xf32, #tpu.memory_space<hbm>> -> memref<1000000x64xf32, #tpu.memory_space<hbm>>
        tpu.enqueue_indirect_dma source(%dma_start3A_640 : memref<1000000x64xf32, #tpu.memory_space<hbm>>) target(%dma_start3A_634 : memref<200x64xf32, #tpu.memory_space<vmem>>) offsets(%dma_start3A_637 : memref<200xi32, #tpu.memory_space<vmem>>) semaphore(%arg13 : memref<!tpu.dma_semaphore, #tpu.memory_space<semaphore_mem>>)
      } else {
      }
      %add3A_352 = arith.constant 5 : i32
      %add3A_353 = arith.addi %scan3A_337, %add3A_352 : i32
      %lt3A_354 = arith.constant 128 : i32
      %lt3A_355 = arith.cmpi slt, %add3A_353, %lt3A_354 : i32
      %convert_element_type3A_356 = arith.extui %lt3A_355 : i1 to i32
      %cond3A_357 = arith.constant 0 : i32
      %cond3A_358 = arith.cmpi ne, %convert_element_type3A_356, %cond3A_357 : i32
      scf.if %cond3A_358 {
        %add3A_586 = arith.constant 5 : i32
        %add3A_587 = arith.addi %scan3A_337, %add3A_586 : i32
        %add3A_588 = arith.addi %mul3A_2, %add3A_587 : i32
        %mul3A_589 = arith.constant 200 : i32
        %mul3A_590 = arith.muli %add3A_588, %mul3A_589 : i32
        %multiple_of3A_591 = tpu.assume_multiple %mul3A_590, 8 : i32
        %jit3A_592 = arith.constant 8 : i32
        %eq3A_593 = arith.constant 0 : i32
        %eq3A_594 = arith.cmpi eq, %jit3A_592, %eq3A_593 : i32
        %jit3A_595 = arith.constant 1 : i32
        %select_n3A_596 = arith.select %eq3A_594, %jit3A_595, %jit3A_592 : i32
        %rem3A_597 = arith.remsi %add3A_587, %select_n3A_596 : i32
        %ne3A_598 = arith.constant 0 : i32
        %ne3A_599 = arith.cmpi ne, %rem3A_597, %ne3A_598 : i32
        %lt3A_600 = arith.constant 0 : i32
        %lt3A_601 = arith.cmpi slt, %rem3A_597, %lt3A_600 : i32
        %lt3A_602 = arith.constant 0 : i32
        %lt3A_603 = arith.cmpi slt, %select_n3A_596, %lt3A_602 : i32
        %ne3A_604 = arith.xori %lt3A_601, %lt3A_603 : i1
        %and3A_605 = arith.andi %ne3A_604, %ne3A_599 : i1
        %add3A_606 = arith.addi %rem3A_597, %select_n3A_596 : i32
        %select_n3A_607 = arith.select %and3A_605, %add3A_606, %rem3A_597 : i32
        %dma_start3A_608 = arith.constant 0 : i32
        %dma_start3A_609 = tpu.memref_slice %arg8[%select_n3A_607, %dma_start3A_608] : memref<8x208xi32, #tpu.memory_space<vmem>> -> memref<1x200xi32, #tpu.memory_space<vmem>>
        %dma_start3A_610 = tpu.memref_squeeze %dma_start3A_609 : memref<1x200xi32, #tpu.memory_space<vmem>> -> memref<200xi32, #tpu.memory_space<vmem>>
        %dma_start3A_611 = tpu.memref_slice %arg2[%multiple_of3A_591] : memref<819200xi32, #tpu.memory_space<hbm>> -> memref<200xi32, #tpu.memory_space<hbm>>
        %dma_start3A_612 = arith.constant 0 : i32
        %dma_start3A_613 = tpu.memref_slice %arg8[%select_n3A_607, %dma_start3A_612] : memref<8x208xi32, #tpu.memory_space<vmem>> -> memref<1x200xi32, #tpu.memory_space<vmem>>
        %dma_start3A_614 = tpu.memref_squeeze %dma_start3A_613 : memref<1x200xi32, #tpu.memory_space<vmem>> -> memref<200xi32, #tpu.memory_space<vmem>>
        %dma_start3A_615 = tpu.memref_slice %arg2[%multiple_of3A_591] : memref<819200xi32, #tpu.memory_space<hbm>> -> memref<200xi32, #tpu.memory_space<hbm>>
        tpu.enqueue_dma source(%dma_start3A_615 : memref<200xi32, #tpu.memory_space<hbm>>) target(%dma_start3A_614 : memref<200xi32, #tpu.memory_space<vmem>>) target_semaphore(%arg14 : memref<!tpu.dma_semaphore, #tpu.memory_space<semaphore_mem>>)
      } else {
      }
      %get3A = arith.index_cast %select_n3A_346 : i32 to index
      %get3A_359 = arith.constant 0 : index
      %get3A_360 = tpu.vector_load %arg8[%get3A, %get3A_359] {strides = array<i32>} : memref<8x208xi32, #tpu.memory_space<vmem>>, vector<16xi32>,
      %ne3A_361 = arith.constant 0 : i32
      %ne3A_362 = vector.broadcast %ne3A_361 : i32 to vector<16xi32>
      %ne3A_363 = arith.cmpi ne, %get3A_360, %ne3A_362 : vector<16xi32>
      %jit3A_364 = arith.constant 1.000000e+00 : f32
      %jit3A_365 = arith.constant 0.000000e+00 : f32
      %broadcast_in_dim3A_366 = vector.broadcast %jit3A_364 : f32 to vector<16xf32>
      %broadcast_in_dim3A_367 = vector.broadcast %jit3A_365 : f32 to vector<16xf32>
      %select_n3A_368 = arith.select %ne3A_363, %broadcast_in_dim3A_366, %broadcast_in_dim3A_367 : vector<16xi1>, vector<16xf32>
      %add3A_369 = arith.addf %broadcast_in_dim3A_3, %select_n3A_368 : vector<16xf32>
      %get3A_370 = arith.index_cast %select_n3A_346 : i32 to index
      %get3A_371 = arith.constant 16 : index
      %get3A_372 = tpu.vector_load %arg8[%get3A_370, %get3A_371] {strides = array<i32>} : memref<8x208xi32, #tpu.memory_space<vmem>>, vector<16xi32>,
      %ne3A_373 = arith.constant 0 : i32
      %ne3A_374 = vector.broadcast %ne3A_373 : i32 to vector<16xi32>
      %ne3A_375 = arith.cmpi ne, %get3A_372, %ne3A_374 : vector<16xi32>
      %jit3A_376 = arith.constant 1.000000e+00 : f32
      %jit3A_377 = arith.constant 0.000000e+00 : f32
      %broadcast_in_dim3A_378 = vector.broadcast %jit3A_376 : f32 to vector<16xf32>
      %broadcast_in_dim3A_379 = vector.broadcast %jit3A_377 : f32 to vector<16xf32>
      %select_n3A_380 = arith.select %ne3A_375, %broadcast_in_dim3A_378, %broadcast_in_dim3A_379 : vector<16xi1>, vector<16xf32>
      %add3A_381 = arith.addf %add3A_369, %select_n3A_380 : vector<16xf32>
      %get3A_382 = arith.index_cast %select_n3A_346 : i32 to index
      %get3A_383 = arith.constant 32 : index
      %get3A_384 = tpu.vector_load %arg8[%get3A_382, %get3A_383] {strides = array<i32>} : memref<8x208xi32, #tpu.memory_space<vmem>>, vector<16xi32>,
      %ne3A_385 = arith.constant 0 : i32
      %ne3A_386 = vector.broadcast %ne3A_385 : i32 to vector<16xi32>
      %ne3A_387 = arith.cmpi ne, %get3A_384, %ne3A_386 : vector<16xi32>
      %jit3A_388 = arith.constant 1.000000e+00 : f32
      %jit3A_389 = arith.constant 0.000000e+00 : f32
      %broadcast_in_dim3A_390 = vector.broadcast %jit3A_388 : f32 to vector<16xf32>
      %broadcast_in_dim3A_391 = vector.broadcast %jit3A_389 : f32 to vector<16xf32>
      %select_n3A_392 = arith.select %ne3A_387, %broadcast_in_dim3A_390, %broadcast_in_dim3A_391 : vector<16xi1>, vector<16xf32>
      %add3A_393 = arith.addf %add3A_381, %select_n3A_392 : vector<16xf32>
      %get3A_394 = arith.index_cast %select_n3A_346 : i32 to index
      %get3A_395 = arith.constant 48 : index
      %get3A_396 = tpu.vector_load %arg8[%get3A_394, %get3A_395] {strides = array<i32>} : memref<8x208xi32, #tpu.memory_space<vmem>>, vector<16xi32>,
      %ne3A_397 = arith.constant 0 : i32
      %ne3A_398 = vector.broadcast %ne3A_397 : i32 to vector<16xi32>
      %ne3A_399 = arith.cmpi ne, %get3A_396, %ne3A_398 : vector<16xi32>
      %jit3A_400 = arith.constant 1.000000e+00 : f32
      %jit3A_401 = arith.constant 0.000000e+00 : f32
      %broadcast_in_dim3A_402 = vector.broadcast %jit3A_400 : f32 to vector<16xf32>
      %broadcast_in_dim3A_403 = vector.broadcast %jit3A_401 : f32 to vector<16xf32>
      %select_n3A_404 = arith.select %ne3A_399, %broadcast_in_dim3A_402, %broadcast_in_dim3A_403 : vector<16xi1>, vector<16xf32>
      %add3A_405 = arith.addf %add3A_393, %select_n3A_404 : vector<16xf32>
      %get3A_406 = arith.index_cast %select_n3A_346 : i32 to index
      %get3A_407 = arith.constant 64 : index
      %get3A_408 = tpu.vector_load %arg8[%get3A_406, %get3A_407] {strides = array<i32>} : memref<8x208xi32, #tpu.memory_space<vmem>>, vector<16xi32>,
      %ne3A_409 = arith.constant 0 : i32
      %ne3A_410 = vector.broadcast %ne3A_409 : i32 to vector<16xi32>
      %ne3A_411 = arith.cmpi ne, %get3A_408, %ne3A_410 : vector<16xi32>
      %jit3A_412 = arith.constant 1.000000e+00 : f32
      %jit3A_413 = arith.constant 0.000000e+00 : f32
      %broadcast_in_dim3A_414 = vector.broadcast %jit3A_412 : f32 to vector<16xf32>
      %broadcast_in_dim3A_415 = vector.broadcast %jit3A_413 : f32 to vector<16xf32>
      %select_n3A_416 = arith.select %ne3A_411, %broadcast_in_dim3A_414, %broadcast_in_dim3A_415 : vector<16xi1>, vector<16xf32>
      %add3A_417 = arith.addf %add3A_405, %select_n3A_416 : vector<16xf32>
      %get3A_418 = arith.index_cast %select_n3A_346 : i32 to index
      %get3A_419 = arith.constant 80 : index
      %get3A_420 = tpu.vector_load %arg8[%get3A_418, %get3A_419] {strides = array<i32>} : memref<8x208xi32, #tpu.memory_space<vmem>>, vector<16xi32>,
      %ne3A_421 = arith.constant 0 : i32
      %ne3A_422 = vector.broadcast %ne3A_421 : i32 to vector<16xi32>
      %ne3A_423 = arith.cmpi ne, %get3A_420, %ne3A_422 : vector<16xi32>
      %jit3A_424 = arith.constant 1.000000e+00 : f32
      %jit3A_425 = arith.constant 0.000000e+00 : f32
      %broadcast_in_dim3A_426 = vector.broadcast %jit3A_424 : f32 to vector<16xf32>
      %broadcast_in_dim3A_427 = vector.broadcast %jit3A_425 : f32 to vector<16xf32>
      %select_n3A_428 = arith.select %ne3A_423, %broadcast_in_dim3A_426, %broadcast_in_dim3A_427 : vector<16xi1>, vector<16xf32>
      %add3A_429 = arith.addf %add3A_417, %select_n3A_428 : vector<16xf32>
      %get3A_430 = arith.index_cast %select_n3A_346 : i32 to index
      %get3A_431 = arith.constant 96 : index
      %get3A_432 = tpu.vector_load %arg8[%get3A_430, %get3A_431] {strides = array<i32>} : memref<8x208xi32, #tpu.memory_space<vmem>>, vector<16xi32>,
      %ne3A_433 = arith.constant 0 : i32
      %ne3A_434 = vector.broadcast %ne3A_433 : i32 to vector<16xi32>
      %ne3A_435 = arith.cmpi ne, %get3A_432, %ne3A_434 : vector<16xi32>
      %jit3A_436 = arith.constant 1.000000e+00 : f32
      %jit3A_437 = arith.constant 0.000000e+00 : f32
      %broadcast_in_dim3A_438 = vector.broadcast %jit3A_436 : f32 to vector<16xf32>
      %broadcast_in_dim3A_439 = vector.broadcast %jit3A_437 : f32 to vector<16xf32>
      %select_n3A_440 = arith.select %ne3A_435, %broadcast_in_dim3A_438, %broadcast_in_dim3A_439 : vector<16xi1>, vector<16xf32>
      %add3A_441 = arith.addf %add3A_429, %select_n3A_440 : vector<16xf32>
      %get3A_442 = arith.index_cast %select_n3A_346 : i32 to index
      %get3A_443 = arith.constant 112 : index
      %get3A_444 = tpu.vector_load %arg8[%get3A_442, %get3A_443] {strides = array<i32>} : memref<8x208xi32, #tpu.memory_space<vmem>>, vector<16xi32>,
      %ne3A_445 = arith.constant 0 : i32
      %ne3A_446 = vector.broadcast %ne3A_445 : i32 to vector<16xi32>
      %ne3A_447 = arith.cmpi ne, %get3A_444, %ne3A_446 : vector<16xi32>
      %jit3A_448 = arith.constant 1.000000e+00 : f32
      %jit3A_449 = arith.constant 0.000000e+00 : f32
      %broadcast_in_dim3A_450 = vector.broadcast %jit3A_448 : f32 to vector<16xf32>
      %broadcast_in_dim3A_451 = vector.broadcast %jit3A_449 : f32 to vector<16xf32>
      %select_n3A_452 = arith.select %ne3A_447, %broadcast_in_dim3A_450, %broadcast_in_dim3A_451 : vector<16xi1>, vector<16xf32>
      %add3A_453 = arith.addf %add3A_441, %select_n3A_452 : vector<16xf32>
      %get3A_454 = arith.index_cast %select_n3A_346 : i32 to index
      %get3A_455 = arith.constant 128 : index
      %get3A_456 = tpu.vector_load %arg8[%get3A_454, %get3A_455] {strides = array<i32>} : memref<8x208xi32, #tpu.memory_space<vmem>>, vector<16xi32>,
      %ne3A_457 = arith.constant 0 : i32
      %ne3A_458 = vector.broadcast %ne3A_457 : i32 to vector<16xi32>
      %ne3A_459 = arith.cmpi ne, %get3A_456, %ne3A_458 : vector<16xi32>
      %jit3A_460 = arith.constant 1.000000e+00 : f32
      %jit3A_461 = arith.constant 0.000000e+00 : f32
      %broadcast_in_dim3A_462 = vector.broadcast %jit3A_460 : f32 to vector<16xf32>
      %broadcast_in_dim3A_463 = vector.broadcast %jit3A_461 : f32 to vector<16xf32>
      %select_n3A_464 = arith.select %ne3A_459, %broadcast_in_dim3A_462, %broadcast_in_dim3A_463 : vector<16xi1>, vector<16xf32>
      %add3A_465 = arith.addf %add3A_453, %select_n3A_464 : vector<16xf32>
      %get3A_466 = arith.index_cast %select_n3A_346 : i32 to index
      %get3A_467 = arith.constant 144 : index
      %get3A_468 = tpu.vector_load %arg8[%get3A_466, %get3A_467] {strides = array<i32>} : memref<8x208xi32, #tpu.memory_space<vmem>>, vector<16xi32>,
      %ne3A_469 = arith.constant 0 : i32
      %ne3A_470 = vector.broadcast %ne3A_469 : i32 to vector<16xi32>
      %ne3A_471 = arith.cmpi ne, %get3A_468, %ne3A_470 : vector<16xi32>
      %jit3A_472 = arith.constant 1.000000e+00 : f32
      %jit3A_473 = arith.constant 0.000000e+00 : f32
      %broadcast_in_dim3A_474 = vector.broadcast %jit3A_472 : f32 to vector<16xf32>
      %broadcast_in_dim3A_475 = vector.broadcast %jit3A_473 : f32 to vector<16xf32>
      %select_n3A_476 = arith.select %ne3A_471, %broadcast_in_dim3A_474, %broadcast_in_dim3A_475 : vector<16xi1>, vector<16xf32>
      %add3A_477 = arith.addf %add3A_465, %select_n3A_476 : vector<16xf32>
      %get3A_478 = arith.index_cast %select_n3A_346 : i32 to index
      %get3A_479 = arith.constant 160 : index
      %get3A_480 = tpu.vector_load %arg8[%get3A_478, %get3A_479] {strides = array<i32>} : memref<8x208xi32, #tpu.memory_space<vmem>>, vector<16xi32>,
      %ne3A_481 = arith.constant 0 : i32
      %ne3A_482 = vector.broadcast %ne3A_481 : i32 to vector<16xi32>
      %ne3A_483 = arith.cmpi ne, %get3A_480, %ne3A_482 : vector<16xi32>
      %jit3A_484 = arith.constant 1.000000e+00 : f32
      %jit3A_485 = arith.constant 0.000000e+00 : f32
      %broadcast_in_dim3A_486 = vector.broadcast %jit3A_484 : f32 to vector<16xf32>
      %broadcast_in_dim3A_487 = vector.broadcast %jit3A_485 : f32 to vector<16xf32>
      %select_n3A_488 = arith.select %ne3A_483, %broadcast_in_dim3A_486, %broadcast_in_dim3A_487 : vector<16xi1>, vector<16xf32>
      %add3A_489 = arith.addf %add3A_477, %select_n3A_488 : vector<16xf32>
      %get3A_490 = arith.index_cast %select_n3A_346 : i32 to index
      %get3A_491 = arith.constant 176 : index
      %get3A_492 = tpu.vector_load %arg8[%get3A_490, %get3A_491] {strides = array<i32>} : memref<8x208xi32, #tpu.memory_space<vmem>>, vector<16xi32>,
      %ne3A_493 = arith.constant 0 : i32
      %ne3A_494 = vector.broadcast %ne3A_493 : i32 to vector<16xi32>
      %ne3A_495 = arith.cmpi ne, %get3A_492, %ne3A_494 : vector<16xi32>
      %jit3A_496 = arith.constant 1.000000e+00 : f32
      %jit3A_497 = arith.constant 0.000000e+00 : f32
      %broadcast_in_dim3A_498 = vector.broadcast %jit3A_496 : f32 to vector<16xf32>
      %broadcast_in_dim3A_499 = vector.broadcast %jit3A_497 : f32 to vector<16xf32>
      %select_n3A_500 = arith.select %ne3A_495, %broadcast_in_dim3A_498, %broadcast_in_dim3A_499 : vector<16xi1>, vector<16xf32>
      %add3A_501 = arith.addf %add3A_489, %select_n3A_500 : vector<16xf32>
      %get3A_502 = arith.index_cast %select_n3A_346 : i32 to index
      %get3A_503 = arith.constant 192 : index
      %get3A_504 = tpu.vector_load %arg8[%get3A_502, %get3A_503] {strides = array<i32>} : memref<8x208xi32, #tpu.memory_space<vmem>>, vector<16xi32>,
      %ne3A_505 = arith.constant 0 : i32
      %ne3A_506 = vector.broadcast %ne3A_505 : i32 to vector<16xi32>
      %ne3A_507 = arith.cmpi ne, %get3A_504, %ne3A_506 : vector<16xi32>
      %jit3A_508 = arith.constant 1.000000e+00 : f32
      %jit3A_509 = arith.constant 0.000000e+00 : f32
      %broadcast_in_dim3A_510 = vector.broadcast %jit3A_508 : f32 to vector<16xf32>
      %broadcast_in_dim3A_511 = vector.broadcast %jit3A_509 : f32 to vector<16xf32>
      %select_n3A_512 = arith.select %ne3A_507, %broadcast_in_dim3A_510, %broadcast_in_dim3A_511 : vector<16xi1>, vector<16xf32>
      %add3A_513 = arith.addf %add3A_501, %select_n3A_512 : vector<16xf32>
      %dma_wait3A_514 = arith.constant 0 : i32
      %dma_wait3A_515 = arith.constant 0 : i32
      %dma_wait3A_516 = arith.constant 0 : i32
      %dma_wait3A_517 = tpu.memref_slice %arg9[%dma_wait3A_514, %dma_wait3A_515, %dma_wait3A_516] : memref<4x208x64xf32, #tpu.memory_space<vmem>> -> memref<1x200x64xf32, #tpu.memory_space<vmem>>
      %dma_wait3A_518 = tpu.memref_squeeze %dma_wait3A_517 : memref<1x200x64xf32, #tpu.memory_space<vmem>> -> memref<200x64xf32, #tpu.memory_space<vmem>>
      %dma_wait3A_519 = arith.constant 0 : i32
      %dma_wait3A_520 = arith.constant 0 : i32
      %dma_wait3A_521 = tpu.memref_slice %arg4[%dma_wait3A_519, %dma_wait3A_520] : memref<1000000x64xf32, #tpu.memory_space<hbm>> -> memref<200x64xf32, #tpu.memory_space<hbm>>
      %dma_wait3A_522 = arith.constant 0 : i32
      %dma_wait3A_523 = arith.constant 0 : i32
      %dma_wait3A_524 = tpu.memref_slice %arg9[%dma_wait3A_514, %dma_wait3A_522, %dma_wait3A_523] : memref<4x208x64xf32, #tpu.memory_space<vmem>> -> memref<1x200x64xf32, #tpu.memory_space<vmem>>
      %dma_wait3A_525 = tpu.memref_squeeze %dma_wait3A_524 : memref<1x200x64xf32, #tpu.memory_space<vmem>> -> memref<200x64xf32, #tpu.memory_space<vmem>>
      %dma_wait3A_526 = arith.constant 0 : i32
      %dma_wait3A_527 = arith.constant 0 : i32
      %dma_wait3A_528 = tpu.memref_slice %arg4[%dma_wait3A_526, %dma_wait3A_527] : memref<1000000x64xf32, #tpu.memory_space<hbm>> -> memref<200x64xf32, #tpu.memory_space<hbm>>
      tpu.wait_dma2 semaphore(%arg13 : memref<!tpu.dma_semaphore, #tpu.memory_space<semaphore_mem>>) src(%dma_wait3A_528 : memref<200x64xf32, #tpu.memory_space<hbm>>) dst(%dma_wait3A_525 : memref<200x64xf32, #tpu.memory_space<vmem>>)
      %scan3A_529 = arith.constant 0 : i32
      %scan3A_530 = arith.constant 200 : i32
      %scan3A_531 = arith.addi %scan3A_529, %scan3A_530 : i32
      %scan3A_532 = arith.constant 8 : i32
      %scan3A_533:4 = scf.for %scan3A_586 = %scan3A_529 to %scan3A_531 step %scan3A_532 iter_args(%scan3A_587 = %broadcast_in_dim3A_3, %scan3A_588 = %broadcast_in_dim3A_3, %scan3A_589 = %broadcast_in_dim3A_3, %scan3A_590 = %broadcast_in_dim3A_3) -> (vector<16xf32>, vector<16xf32>, vector<16xf32>, vector<16xf32>)  : i32 {
        %jit3A_591 = arith.constant 4 : i32
        %eq3A_592 = arith.constant 0 : i32
        %eq3A_593 = arith.cmpi eq, %jit3A_591, %eq3A_592 : i32
        %jit3A_594 = arith.constant 1 : i32
        %select_n3A_595 = arith.select %eq3A_593, %jit3A_594, %jit3A_591 : i32
        %rem3A_596 = arith.remsi %scan3A_337, %select_n3A_595 : i32
        %ne3A_597 = arith.constant 0 : i32
        %ne3A_598 = arith.cmpi ne, %rem3A_596, %ne3A_597 : i32
        %lt3A_599 = arith.constant 0 : i32
        %lt3A_600 = arith.cmpi slt, %rem3A_596, %lt3A_599 : i32
        %lt3A_601 = arith.constant 0 : i32
        %lt3A_602 = arith.cmpi slt, %select_n3A_595, %lt3A_601 : i32
        %ne3A_603 = arith.xori %lt3A_600, %lt3A_602 : i1
        %and3A_604 = arith.andi %ne3A_603, %ne3A_598 : i1
        %add3A_605 = arith.addi %rem3A_596, %select_n3A_595 : i32
        %select_n3A_606 = arith.select %and3A_604, %add3A_605, %rem3A_596 : i32
        %get3A_607 = arith.index_cast %select_n3A_606 : i32 to index
        %get3A_608 = arith.index_cast %scan3A_586 : i32 to index
        %get3A_609 = arith.constant 0 : index
        %get3A_610 = tpu.vector_load %arg9[%get3A_607, %get3A_608, %get3A_609] {strides = array<i32>} : memref<4x208x64xf32, #tpu.memory_space<vmem>>, vector<16xf32>,
        %add3A_611 = arith.addf %scan3A_587, %get3A_610 : vector<16xf32>
        %jit3A_612 = arith.constant 4 : i32
        %eq3A_613 = arith.constant 0 : i32
        %eq3A_614 = arith.cmpi eq, %jit3A_612, %eq3A_613 : i32
        %jit3A_615 = arith.constant 1 : i32
        %select_n3A_616 = arith.select %eq3A_614, %jit3A_615, %jit3A_612 : i32
        %rem3A_617 = arith.remsi %scan3A_337, %select_n3A_616 : i32
        %ne3A_618 = arith.constant 0 : i32
        %ne3A_619 = arith.cmpi ne, %rem3A_617, %ne3A_618 : i32
        %lt3A_620 = arith.constant 0 : i32
        %lt3A_621 = arith.cmpi slt, %rem3A_617, %lt3A_620 : i32
        %lt3A_622 = arith.constant 0 : i32
        %lt3A_623 = arith.cmpi slt, %select_n3A_616, %lt3A_622 : i32
        %ne3A_624 = arith.xori %lt3A_621, %lt3A_623 : i1
        %and3A_625 = arith.andi %ne3A_624, %ne3A_619 : i1
        %add3A_626 = arith.addi %rem3A_617, %select_n3A_616 : i32
        %select_n3A_627 = arith.select %and3A_625, %add3A_626, %rem3A_617 : i32
        %get3A_628 = arith.index_cast %select_n3A_627 : i32 to index
        %get3A_629 = arith.index_cast %scan3A_586 : i32 to index
        %get3A_630 = arith.constant 16 : index
        %get3A_631 = tpu.vector_load %arg9[%get3A_628, %get3A_629, %get3A_630] {strides = array<i32>} : memref<4x208x64xf32, #tpu.memory_space<vmem>>, vector<16xf32>,
        %add3A_632 = arith.addf %scan3A_588, %get3A_631 : vector<16xf32>
        %jit3A_633 = arith.constant 4 : i32
        %eq3A_634 = arith.constant 0 : i32
        %eq3A_635 = arith.cmpi eq, %jit3A_633, %eq3A_634 : i32
        %jit3A_636 = arith.constant 1 : i32
        %select_n3A_637 = arith.select %eq3A_635, %jit3A_636, %jit3A_633 : i32
        %rem3A_638 = arith.remsi %scan3A_337, %select_n3A_637 : i32
        %ne3A_639 = arith.constant 0 : i32
        %ne3A_640 = arith.cmpi ne, %rem3A_638, %ne3A_639 : i32
        %lt3A_641 = arith.constant 0 : i32
        %lt3A_642 = arith.cmpi slt, %rem3A_638, %lt3A_641 : i32
        %lt3A_643 = arith.constant 0 : i32
        %lt3A_644 = arith.cmpi slt, %select_n3A_637, %lt3A_643 : i32
        %ne3A_645 = arith.xori %lt3A_642, %lt3A_644 : i1
        %and3A_646 = arith.andi %ne3A_645, %ne3A_640 : i1
        %add3A_647 = arith.addi %rem3A_638, %select_n3A_637 : i32
        %select_n3A_648 = arith.select %and3A_646, %add3A_647, %rem3A_638 : i32
        %get3A_649 = arith.index_cast %select_n3A_648 : i32 to index
        %get3A_650 = arith.index_cast %scan3A_586 : i32 to index
        %get3A_651 = arith.constant 32 : index
        %get3A_652 = tpu.vector_load %arg9[%get3A_649, %get3A_650, %get3A_651] {strides = array<i32>} : memref<4x208x64xf32, #tpu.memory_space<vmem>>, vector<16xf32>,
        %add3A_653 = arith.addf %scan3A_589, %get3A_652 : vector<16xf32>
        %jit3A_654 = arith.constant 4 : i32
        %eq3A_655 = arith.constant 0 : i32
        %eq3A_656 = arith.cmpi eq, %jit3A_654, %eq3A_655 : i32
        %jit3A_657 = arith.constant 1 : i32
        %select_n3A_658 = arith.select %eq3A_656, %jit3A_657, %jit3A_654 : i32
        %rem3A_659 = arith.remsi %scan3A_337, %select_n3A_658 : i32
        %ne3A_660 = arith.constant 0 : i32
        %ne3A_661 = arith.cmpi ne, %rem3A_659, %ne3A_660 : i32
        %lt3A_662 = arith.constant 0 : i32
        %lt3A_663 = arith.cmpi slt, %rem3A_659, %lt3A_662 : i32
        %lt3A_664 = arith.constant 0 : i32
        %lt3A_665 = arith.cmpi slt, %select_n3A_658, %lt3A_664 : i32
        %ne3A_666 = arith.xori %lt3A_663, %lt3A_665 : i1
        %and3A_667 = arith.andi %ne3A_666, %ne3A_661 : i1
        %add3A_668 = arith.addi %rem3A_659, %select_n3A_658 : i32
        %select_n3A_669 = arith.select %and3A_667, %add3A_668, %rem3A_659 : i32
        %get3A_670 = arith.index_cast %select_n3A_669 : i32 to index
        %get3A_671 = arith.index_cast %scan3A_586 : i32 to index
        %get3A_672 = arith.constant 48 : index
        %get3A_673 = tpu.vector_load %arg9[%get3A_670, %get3A_671, %get3A_672] {strides = array<i32>} : memref<4x208x64xf32, #tpu.memory_space<vmem>>, vector<16xf32>,
        %add3A_674 = arith.addf %scan3A_590, %get3A_673 : vector<16xf32>
        %scan3A_675 = arith.constant 1 : i32
        %scan3A_676 = arith.addi %scan3A_586, %scan3A_675 : i32
        %jit3A_677 = arith.constant 4 : i32
        %eq3A_678 = arith.constant 0 : i32
        %eq3A_679 = arith.cmpi eq, %jit3A_677, %eq3A_678 : i32
        %jit3A_680 = arith.constant 1 : i32
        %select_n3A_681 = arith.select %eq3A_679, %jit3A_680, %jit3A_677 : i32
        %rem3A_682 = arith.remsi %scan3A_337, %select_n3A_681 : i32
        %ne3A_683 = arith.constant 0 : i32
        %ne3A_684 = arith.cmpi ne, %rem3A_682, %ne3A_683 : i32
        %lt3A_685 = arith.constant 0 : i32
        %lt3A_686 = arith.cmpi slt, %rem3A_682, %lt3A_685 : i32
        %lt3A_687 = arith.constant 0 : i32
        %lt3A_688 = arith.cmpi slt, %select_n3A_681, %lt3A_687 : i32
        %ne3A_689 = arith.xori %lt3A_686, %lt3A_688 : i1
        %and3A_690 = arith.andi %ne3A_689, %ne3A_684 : i1
        %add3A_691 = arith.addi %rem3A_682, %select_n3A_681 : i32
        %select_n3A_692 = arith.select %and3A_690, %add3A_691, %rem3A_682 : i32
        %get3A_693 = arith.index_cast %select_n3A_692 : i32 to index
        %get3A_694 = arith.index_cast %scan3A_676 : i32 to index
        %get3A_695 = arith.constant 0 : index
        %get3A_696 = tpu.vector_load %arg9[%get3A_693, %get3A_694, %get3A_695] {strides = array<i32>} : memref<4x208x64xf32, #tpu.memory_space<vmem>>, vector<16xf32>,
        %add3A_697 = arith.addf %add3A_611, %get3A_696 : vector<16xf32>
        %jit3A_698 = arith.constant 4 : i32
        %eq3A_699 = arith.constant 0 : i32
        %eq3A_700 = arith.cmpi eq, %jit3A_698, %eq3A_699 : i32
        %jit3A_701 = arith.constant 1 : i32
        %select_n3A_702 = arith.select %eq3A_700, %jit3A_701, %jit3A_698 : i32
        %rem3A_703 = arith.remsi %scan3A_337, %select_n3A_702 : i32
        %ne3A_704 = arith.constant 0 : i32
        %ne3A_705 = arith.cmpi ne, %rem3A_703, %ne3A_704 : i32
        %lt3A_706 = arith.constant 0 : i32
        %lt3A_707 = arith.cmpi slt, %rem3A_703, %lt3A_706 : i32
        %lt3A_708 = arith.constant 0 : i32
        %lt3A_709 = arith.cmpi slt, %select_n3A_702, %lt3A_708 : i32
        %ne3A_710 = arith.xori %lt3A_707, %lt3A_709 : i1
        %and3A_711 = arith.andi %ne3A_710, %ne3A_705 : i1
        %add3A_712 = arith.addi %rem3A_703, %select_n3A_702 : i32
        %select_n3A_713 = arith.select %and3A_711, %add3A_712, %rem3A_703 : i32
        %get3A_714 = arith.index_cast %select_n3A_713 : i32 to index
        %get3A_715 = arith.index_cast %scan3A_676 : i32 to index
        %get3A_716 = arith.constant 16 : index
        %get3A_717 = tpu.vector_load %arg9[%get3A_714, %get3A_715, %get3A_716] {strides = array<i32>} : memref<4x208x64xf32, #tpu.memory_space<vmem>>, vector<16xf32>,
        %add3A_718 = arith.addf %add3A_632, %get3A_717 : vector<16xf32>
        %jit3A_719 = arith.constant 4 : i32
        %eq3A_720 = arith.constant 0 : i32
        %eq3A_721 = arith.cmpi eq, %jit3A_719, %eq3A_720 : i32
        %jit3A_722 = arith.constant 1 : i32
        %select_n3A_723 = arith.select %eq3A_721, %jit3A_722, %jit3A_719 : i32
        %rem3A_724 = arith.remsi %scan3A_337, %select_n3A_723 : i32
        %ne3A_725 = arith.constant 0 : i32
        %ne3A_726 = arith.cmpi ne, %rem3A_724, %ne3A_725 : i32
        %lt3A_727 = arith.constant 0 : i32
        %lt3A_728 = arith.cmpi slt, %rem3A_724, %lt3A_727 : i32
        %lt3A_729 = arith.constant 0 : i32
        %lt3A_730 = arith.cmpi slt, %select_n3A_723, %lt3A_729 : i32
        %ne3A_731 = arith.xori %lt3A_728, %lt3A_730 : i1
        %and3A_732 = arith.andi %ne3A_731, %ne3A_726 : i1
        %add3A_733 = arith.addi %rem3A_724, %select_n3A_723 : i32
        %select_n3A_734 = arith.select %and3A_732, %add3A_733, %rem3A_724 : i32
        %get3A_735 = arith.index_cast %select_n3A_734 : i32 to index
        %get3A_736 = arith.index_cast %scan3A_676 : i32 to index
        %get3A_737 = arith.constant 32 : index
        %get3A_738 = tpu.vector_load %arg9[%get3A_735, %get3A_736, %get3A_737] {strides = array<i32>} : memref<4x208x64xf32, #tpu.memory_space<vmem>>, vector<16xf32>,
        %add3A_739 = arith.addf %add3A_653, %get3A_738 : vector<16xf32>
        %jit3A_740 = arith.constant 4 : i32
        %eq3A_741 = arith.constant 0 : i32
        %eq3A_742 = arith.cmpi eq, %jit3A_740, %eq3A_741 : i32
        %jit3A_743 = arith.constant 1 : i32
        %select_n3A_744 = arith.select %eq3A_742, %jit3A_743, %jit3A_740 : i32
        %rem3A_745 = arith.remsi %scan3A_337, %select_n3A_744 : i32
        %ne3A_746 = arith.constant 0 : i32
        %ne3A_747 = arith.cmpi ne, %rem3A_745, %ne3A_746 : i32
        %lt3A_748 = arith.constant 0 : i32
        %lt3A_749 = arith.cmpi slt, %rem3A_745, %lt3A_748 : i32
        %lt3A_750 = arith.constant 0 : i32
        %lt3A_751 = arith.cmpi slt, %select_n3A_744, %lt3A_750 : i32
        %ne3A_752 = arith.xori %lt3A_749, %lt3A_751 : i1
        %and3A_753 = arith.andi %ne3A_752, %ne3A_747 : i1
        %add3A_754 = arith.addi %rem3A_745, %select_n3A_744 : i32
        %select_n3A_755 = arith.select %and3A_753, %add3A_754, %rem3A_745 : i32
        %get3A_756 = arith.index_cast %select_n3A_755 : i32 to index
        %get3A_757 = arith.index_cast %scan3A_676 : i32 to index
        %get3A_758 = arith.constant 48 : index
        %get3A_759 = tpu.vector_load %arg9[%get3A_756, %get3A_757, %get3A_758] {strides = array<i32>} : memref<4x208x64xf32, #tpu.memory_space<vmem>>, vector<16xf32>,
        %add3A_760 = arith.addf %add3A_674, %get3A_759 : vector<16xf32>
        %scan3A_761 = arith.constant 2 : i32
        %scan3A_762 = arith.addi %scan3A_586, %scan3A_761 : i32
        %jit3A_763 = arith.constant 4 : i32
        %eq3A_764 = arith.constant 0 : i32
        %eq3A_765 = arith.cmpi eq, %jit3A_763, %eq3A_764 : i32
        %jit3A_766 = arith.constant 1 : i32
        %select_n3A_767 = arith.select %eq3A_765, %jit3A_766, %jit3A_763 : i32
        %rem3A_768 = arith.remsi %scan3A_337, %select_n3A_767 : i32
        %ne3A_769 = arith.constant 0 : i32
        %ne3A_770 = arith.cmpi ne, %rem3A_768, %ne3A_769 : i32
        %lt3A_771 = arith.constant 0 : i32
        %lt3A_772 = arith.cmpi slt, %rem3A_768, %lt3A_771 : i32
        %lt3A_773 = arith.constant 0 : i32
        %lt3A_774 = arith.cmpi slt, %select_n3A_767, %lt3A_773 : i32
        %ne3A_775 = arith.xori %lt3A_772, %lt3A_774 : i1
        %and3A_776 = arith.andi %ne3A_775, %ne3A_770 : i1
        %add3A_777 = arith.addi %rem3A_768, %select_n3A_767 : i32
        %select_n3A_778 = arith.select %and3A_776, %add3A_777, %rem3A_768 : i32
        %get3A_779 = arith.index_cast %select_n3A_778 : i32 to index
        %get3A_780 = arith.index_cast %scan3A_762 : i32 to index
        %get3A_781 = arith.constant 0 : index
        %get3A_782 = tpu.vector_load %arg9[%get3A_779, %get3A_780, %get3A_781] {strides = array<i32>} : memref<4x208x64xf32, #tpu.memory_space<vmem>>, vector<16xf32>,
        %add3A_783 = arith.addf %add3A_697, %get3A_782 : vector<16xf32>
        %jit3A_784 = arith.constant 4 : i32
        %eq3A_785 = arith.constant 0 : i32
        %eq3A_786 = arith.cmpi eq, %jit3A_784, %eq3A_785 : i32
        %jit3A_787 = arith.constant 1 : i32
        %select_n3A_788 = arith.select %eq3A_786, %jit3A_787, %jit3A_784 : i32
        %rem3A_789 = arith.remsi %scan3A_337, %select_n3A_788 : i32
        %ne3A_790 = arith.constant 0 : i32
        %ne3A_791 = arith.cmpi ne, %rem3A_789, %ne3A_790 : i32
        %lt3A_792 = arith.constant 0 : i32
        %lt3A_793 = arith.cmpi slt, %rem3A_789, %lt3A_792 : i32
        %lt3A_794 = arith.constant 0 : i32
        %lt3A_795 = arith.cmpi slt, %select_n3A_788, %lt3A_794 : i32
        %ne3A_796 = arith.xori %lt3A_793, %lt3A_795 : i1
        %and3A_797 = arith.andi %ne3A_796, %ne3A_791 : i1
        %add3A_798 = arith.addi %rem3A_789, %select_n3A_788 : i32
        %select_n3A_799 = arith.select %and3A_797, %add3A_798, %rem3A_789 : i32
        %get3A_800 = arith.index_cast %select_n3A_799 : i32 to index
        %get3A_801 = arith.index_cast %scan3A_762 : i32 to index
        %get3A_802 = arith.constant 16 : index
        %get3A_803 = tpu.vector_load %arg9[%get3A_800, %get3A_801, %get3A_802] {strides = array<i32>} : memref<4x208x64xf32, #tpu.memory_space<vmem>>, vector<16xf32>,
        %add3A_804 = arith.addf %add3A_718, %get3A_803 : vector<16xf32>
        %jit3A_805 = arith.constant 4 : i32
        %eq3A_806 = arith.constant 0 : i32
        %eq3A_807 = arith.cmpi eq, %jit3A_805, %eq3A_806 : i32
        %jit3A_808 = arith.constant 1 : i32
        %select_n3A_809 = arith.select %eq3A_807, %jit3A_808, %jit3A_805 : i32
        %rem3A_810 = arith.remsi %scan3A_337, %select_n3A_809 : i32
        %ne3A_811 = arith.constant 0 : i32
        %ne3A_812 = arith.cmpi ne, %rem3A_810, %ne3A_811 : i32
        %lt3A_813 = arith.constant 0 : i32
        %lt3A_814 = arith.cmpi slt, %rem3A_810, %lt3A_813 : i32
        %lt3A_815 = arith.constant 0 : i32
        %lt3A_816 = arith.cmpi slt, %select_n3A_809, %lt3A_815 : i32
        %ne3A_817 = arith.xori %lt3A_814, %lt3A_816 : i1
        %and3A_818 = arith.andi %ne3A_817, %ne3A_812 : i1
        %add3A_819 = arith.addi %rem3A_810, %select_n3A_809 : i32
        %select_n3A_820 = arith.select %and3A_818, %add3A_819, %rem3A_810 : i32
        %get3A_821 = arith.index_cast %select_n3A_820 : i32 to index
        %get3A_822 = arith.index_cast %scan3A_762 : i32 to index
        %get3A_823 = arith.constant 32 : index
        %get3A_824 = tpu.vector_load %arg9[%get3A_821, %get3A_822, %get3A_823] {strides = array<i32>} : memref<4x208x64xf32, #tpu.memory_space<vmem>>, vector<16xf32>,
        %add3A_825 = arith.addf %add3A_739, %get3A_824 : vector<16xf32>
        %jit3A_826 = arith.constant 4 : i32
        %eq3A_827 = arith.constant 0 : i32
        %eq3A_828 = arith.cmpi eq, %jit3A_826, %eq3A_827 : i32
        %jit3A_829 = arith.constant 1 : i32
        %select_n3A_830 = arith.select %eq3A_828, %jit3A_829, %jit3A_826 : i32
        %rem3A_831 = arith.remsi %scan3A_337, %select_n3A_830 : i32
        %ne3A_832 = arith.constant 0 : i32
        %ne3A_833 = arith.cmpi ne, %rem3A_831, %ne3A_832 : i32
        %lt3A_834 = arith.constant 0 : i32
        %lt3A_835 = arith.cmpi slt, %rem3A_831, %lt3A_834 : i32
        %lt3A_836 = arith.constant 0 : i32
        %lt3A_837 = arith.cmpi slt, %select_n3A_830, %lt3A_836 : i32
        %ne3A_838 = arith.xori %lt3A_835, %lt3A_837 : i1
        %and3A_839 = arith.andi %ne3A_838, %ne3A_833 : i1
        %add3A_840 = arith.addi %rem3A_831, %select_n3A_830 : i32
        %select_n3A_841 = arith.select %and3A_839, %add3A_840, %rem3A_831 : i32
        %get3A_842 = arith.index_cast %select_n3A_841 : i32 to index
        %get3A_843 = arith.index_cast %scan3A_762 : i32 to index
        %get3A_844 = arith.constant 48 : index
        %get3A_845 = tpu.vector_load %arg9[%get3A_842, %get3A_843, %get3A_844] {strides = array<i32>} : memref<4x208x64xf32, #tpu.memory_space<vmem>>, vector<16xf32>,
        %add3A_846 = arith.addf %add3A_760, %get3A_845 : vector<16xf32>
        %scan3A_847 = arith.constant 3 : i32
        %scan3A_848 = arith.addi %scan3A_586, %scan3A_847 : i32
        %jit3A_849 = arith.constant 4 : i32
        %eq3A_850 = arith.constant 0 : i32
        %eq3A_851 = arith.cmpi eq, %jit3A_849, %eq3A_850 : i32
        %jit3A_852 = arith.constant 1 : i32
        %select_n3A_853 = arith.select %eq3A_851, %jit3A_852, %jit3A_849 : i32
        %rem3A_854 = arith.remsi %scan3A_337, %select_n3A_853 : i32
        %ne3A_855 = arith.constant 0 : i32
        %ne3A_856 = arith.cmpi ne, %rem3A_854, %ne3A_855 : i32
        %lt3A_857 = arith.constant 0 : i32
        %lt3A_858 = arith.cmpi slt, %rem3A_854, %lt3A_857 : i32
        %lt3A_859 = arith.constant 0 : i32
        %lt3A_860 = arith.cmpi slt, %select_n3A_853, %lt3A_859 : i32
        %ne3A_861 = arith.xori %lt3A_858, %lt3A_860 : i1
        %and3A_862 = arith.andi %ne3A_861, %ne3A_856 : i1
        %add3A_863 = arith.addi %rem3A_854, %select_n3A_853 : i32
        %select_n3A_864 = arith.select %and3A_862, %add3A_863, %rem3A_854 : i32
        %get3A_865 = arith.index_cast %select_n3A_864 : i32 to index
        %get3A_866 = arith.index_cast %scan3A_848 : i32 to index
        %get3A_867 = arith.constant 0 : index
        %get3A_868 = tpu.vector_load %arg9[%get3A_865, %get3A_866, %get3A_867] {strides = array<i32>} : memref<4x208x64xf32, #tpu.memory_space<vmem>>, vector<16xf32>,
        %add3A_869 = arith.addf %add3A_783, %get3A_868 : vector<16xf32>
        %jit3A_870 = arith.constant 4 : i32
        %eq3A_871 = arith.constant 0 : i32
        %eq3A_872 = arith.cmpi eq, %jit3A_870, %eq3A_871 : i32
        %jit3A_873 = arith.constant 1 : i32
        %select_n3A_874 = arith.select %eq3A_872, %jit3A_873, %jit3A_870 : i32
        %rem3A_875 = arith.remsi %scan3A_337, %select_n3A_874 : i32
        %ne3A_876 = arith.constant 0 : i32
        %ne3A_877 = arith.cmpi ne, %rem3A_875, %ne3A_876 : i32
        %lt3A_878 = arith.constant 0 : i32
        %lt3A_879 = arith.cmpi slt, %rem3A_875, %lt3A_878 : i32
        %lt3A_880 = arith.constant 0 : i32
        %lt3A_881 = arith.cmpi slt, %select_n3A_874, %lt3A_880 : i32
        %ne3A_882 = arith.xori %lt3A_879, %lt3A_881 : i1
        %and3A_883 = arith.andi %ne3A_882, %ne3A_877 : i1
        %add3A_884 = arith.addi %rem3A_875, %select_n3A_874 : i32
        %select_n3A_885 = arith.select %and3A_883, %add3A_884, %rem3A_875 : i32
        %get3A_886 = arith.index_cast %select_n3A_885 : i32 to index
        %get3A_887 = arith.index_cast %scan3A_848 : i32 to index
        %get3A_888 = arith.constant 16 : index
        %get3A_889 = tpu.vector_load %arg9[%get3A_886, %get3A_887, %get3A_888] {strides = array<i32>} : memref<4x208x64xf32, #tpu.memory_space<vmem>>, vector<16xf32>,
        %add3A_890 = arith.addf %add3A_804, %get3A_889 : vector<16xf32>
        %jit3A_891 = arith.constant 4 : i32
        %eq3A_892 = arith.constant 0 : i32
        %eq3A_893 = arith.cmpi eq, %jit3A_891, %eq3A_892 : i32
        %jit3A_894 = arith.constant 1 : i32
        %select_n3A_895 = arith.select %eq3A_893, %jit3A_894, %jit3A_891 : i32
        %rem3A_896 = arith.remsi %scan3A_337, %select_n3A_895 : i32
        %ne3A_897 = arith.constant 0 : i32
        %ne3A_898 = arith.cmpi ne, %rem3A_896, %ne3A_897 : i32
        %lt3A_899 = arith.constant 0 : i32
        %lt3A_900 = arith.cmpi slt, %rem3A_896, %lt3A_899 : i32
        %lt3A_901 = arith.constant 0 : i32
        %lt3A_902 = arith.cmpi slt, %select_n3A_895, %lt3A_901 : i32
        %ne3A_903 = arith.xori %lt3A_900, %lt3A_902 : i1
        %and3A_904 = arith.andi %ne3A_903, %ne3A_898 : i1
        %add3A_905 = arith.addi %rem3A_896, %select_n3A_895 : i32
        %select_n3A_906 = arith.select %and3A_904, %add3A_905, %rem3A_896 : i32
        %get3A_907 = arith.index_cast %select_n3A_906 : i32 to index
        %get3A_908 = arith.index_cast %scan3A_848 : i32 to index
        %get3A_909 = arith.constant 32 : index
        %get3A_910 = tpu.vector_load %arg9[%get3A_907, %get3A_908, %get3A_909] {strides = array<i32>} : memref<4x208x64xf32, #tpu.memory_space<vmem>>, vector<16xf32>,
        %add3A_911 = arith.addf %add3A_825, %get3A_910 : vector<16xf32>
        %jit3A_912 = arith.constant 4 : i32
        %eq3A_913 = arith.constant 0 : i32
        %eq3A_914 = arith.cmpi eq, %jit3A_912, %eq3A_913 : i32
        %jit3A_915 = arith.constant 1 : i32
        %select_n3A_916 = arith.select %eq3A_914, %jit3A_915, %jit3A_912 : i32
        %rem3A_917 = arith.remsi %scan3A_337, %select_n3A_916 : i32
        %ne3A_918 = arith.constant 0 : i32
        %ne3A_919 = arith.cmpi ne, %rem3A_917, %ne3A_918 : i32
        %lt3A_920 = arith.constant 0 : i32
        %lt3A_921 = arith.cmpi slt, %rem3A_917, %lt3A_920 : i32
        %lt3A_922 = arith.constant 0 : i32
        %lt3A_923 = arith.cmpi slt, %select_n3A_916, %lt3A_922 : i32
        %ne3A_924 = arith.xori %lt3A_921, %lt3A_923 : i1
        %and3A_925 = arith.andi %ne3A_924, %ne3A_919 : i1
        %add3A_926 = arith.addi %rem3A_917, %select_n3A_916 : i32
        %select_n3A_927 = arith.select %and3A_925, %add3A_926, %rem3A_917 : i32
        %get3A_928 = arith.index_cast %select_n3A_927 : i32 to index
        %get3A_929 = arith.index_cast %scan3A_848 : i32 to index
        %get3A_930 = arith.constant 48 : index
        %get3A_931 = tpu.vector_load %arg9[%get3A_928, %get3A_929, %get3A_930] {strides = array<i32>} : memref<4x208x64xf32, #tpu.memory_space<vmem>>, vector<16xf32>,
        %add3A_932 = arith.addf %add3A_846, %get3A_931 : vector<16xf32>
        %scan3A_933 = arith.constant 4 : i32
        %scan3A_934 = arith.addi %scan3A_586, %scan3A_933 : i32
        %jit3A_935 = arith.constant 4 : i32
        %eq3A_936 = arith.constant 0 : i32
        %eq3A_937 = arith.cmpi eq, %jit3A_935, %eq3A_936 : i32
        %jit3A_938 = arith.constant 1 : i32
        %select_n3A_939 = arith.select %eq3A_937, %jit3A_938, %jit3A_935 : i32
        %rem3A_940 = arith.remsi %scan3A_337, %select_n3A_939 : i32
        %ne3A_941 = arith.constant 0 : i32
        %ne3A_942 = arith.cmpi ne, %rem3A_940, %ne3A_941 : i32
        %lt3A_943 = arith.constant 0 : i32
        %lt3A_944 = arith.cmpi slt, %rem3A_940, %lt3A_943 : i32
        %lt3A_945 = arith.constant 0 : i32
        %lt3A_946 = arith.cmpi slt, %select_n3A_939, %lt3A_945 : i32
        %ne3A_947 = arith.xori %lt3A_944, %lt3A_946 : i1
        %and3A_948 = arith.andi %ne3A_947, %ne3A_942 : i1
        %add3A_949 = arith.addi %rem3A_940, %select_n3A_939 : i32
        %select_n3A_950 = arith.select %and3A_948, %add3A_949, %rem3A_940 : i32
        %get3A_951 = arith.index_cast %select_n3A_950 : i32 to index
        %get3A_952 = arith.index_cast %scan3A_934 : i32 to index
        %get3A_953 = arith.constant 0 : index
        %get3A_954 = tpu.vector_load %arg9[%get3A_951, %get3A_952, %get3A_953] {strides = array<i32>} : memref<4x208x64xf32, #tpu.memory_space<vmem>>, vector<16xf32>,
        %add3A_955 = arith.addf %add3A_869, %get3A_954 : vector<16xf32>
        %jit3A_956 = arith.constant 4 : i32
        %eq3A_957 = arith.constant 0 : i32
        %eq3A_958 = arith.cmpi eq, %jit3A_956, %eq3A_957 : i32
        %jit3A_959 = arith.constant 1 : i32
        %select_n3A_960 = arith.select %eq3A_958, %jit3A_959, %jit3A_956 : i32
        %rem3A_961 = arith.remsi %scan3A_337, %select_n3A_960 : i32
        %ne3A_962 = arith.constant 0 : i32
        %ne3A_963 = arith.cmpi ne, %rem3A_961, %ne3A_962 : i32
        %lt3A_964 = arith.constant 0 : i32
        %lt3A_965 = arith.cmpi slt, %rem3A_961, %lt3A_964 : i32
        %lt3A_966 = arith.constant 0 : i32
        %lt3A_967 = arith.cmpi slt, %select_n3A_960, %lt3A_966 : i32
        %ne3A_968 = arith.xori %lt3A_965, %lt3A_967 : i1
        %and3A_969 = arith.andi %ne3A_968, %ne3A_963 : i1
        %add3A_970 = arith.addi %rem3A_961, %select_n3A_960 : i32
        %select_n3A_971 = arith.select %and3A_969, %add3A_970, %rem3A_961 : i32
        %get3A_972 = arith.index_cast %select_n3A_971 : i32 to index
        %get3A_973 = arith.index_cast %scan3A_934 : i32 to index
        %get3A_974 = arith.constant 16 : index
        %get3A_975 = tpu.vector_load %arg9[%get3A_972, %get3A_973, %get3A_974] {strides = array<i32>} : memref<4x208x64xf32, #tpu.memory_space<vmem>>, vector<16xf32>,
        %add3A_976 = arith.addf %add3A_890, %get3A_975 : vector<16xf32>
        %jit3A_977 = arith.constant 4 : i32
        %eq3A_978 = arith.constant 0 : i32
        %eq3A_979 = arith.cmpi eq, %jit3A_977, %eq3A_978 : i32
        %jit3A_980 = arith.constant 1 : i32
        %select_n3A_981 = arith.select %eq3A_979, %jit3A_980, %jit3A_977 : i32
        %rem3A_982 = arith.remsi %scan3A_337, %select_n3A_981 : i32
        %ne3A_983 = arith.constant 0 : i32
        %ne3A_984 = arith.cmpi ne, %rem3A_982, %ne3A_983 : i32
        %lt3A_985 = arith.constant 0 : i32
        %lt3A_986 = arith.cmpi slt, %rem3A_982, %lt3A_985 : i32
        %lt3A_987 = arith.constant 0 : i32
        %lt3A_988 = arith.cmpi slt, %select_n3A_981, %lt3A_987 : i32
        %ne3A_989 = arith.xori %lt3A_986, %lt3A_988 : i1
        %and3A_990 = arith.andi %ne3A_989, %ne3A_984 : i1
        %add3A_991 = arith.addi %rem3A_982, %select_n3A_981 : i32
        %select_n3A_992 = arith.select %and3A_990, %add3A_991, %rem3A_982 : i32
        %get3A_993 = arith.index_cast %select_n3A_992 : i32 to index
        %get3A_994 = arith.index_cast %scan3A_934 : i32 to index
        %get3A_995 = arith.constant 32 : index
        %get3A_996 = tpu.vector_load %arg9[%get3A_993, %get3A_994, %get3A_995] {strides = array<i32>} : memref<4x208x64xf32, #tpu.memory_space<vmem>>, vector<16xf32>,
        %add3A_997 = arith.addf %add3A_911, %get3A_996 : vector<16xf32>
        %jit3A_998 = arith.constant 4 : i32
        %eq3A_999 = arith.constant 0 : i32
        %eq3A_1000 = arith.cmpi eq, %jit3A_998, %eq3A_999 : i32
        %jit3A_1001 = arith.constant 1 : i32
        %select_n3A_1002 = arith.select %eq3A_1000, %jit3A_1001, %jit3A_998 : i32
        %rem3A_1003 = arith.remsi %scan3A_337, %select_n3A_1002 : i32
        %ne3A_1004 = arith.constant 0 : i32
        %ne3A_1005 = arith.cmpi ne, %rem3A_1003, %ne3A_1004 : i32
        %lt3A_1006 = arith.constant 0 : i32
        %lt3A_1007 = arith.cmpi slt, %rem3A_1003, %lt3A_1006 : i32
        %lt3A_1008 = arith.constant 0 : i32
        %lt3A_1009 = arith.cmpi slt, %select_n3A_1002, %lt3A_1008 : i32
        %ne3A_1010 = arith.xori %lt3A_1007, %lt3A_1009 : i1
        %and3A_1011 = arith.andi %ne3A_1010, %ne3A_1005 : i1
        %add3A_1012 = arith.addi %rem3A_1003, %select_n3A_1002 : i32
        %select_n3A_1013 = arith.select %and3A_1011, %add3A_1012, %rem3A_1003 : i32
        %get3A_1014 = arith.index_cast %select_n3A_1013 : i32 to index
        %get3A_1015 = arith.index_cast %scan3A_934 : i32 to index
        %get3A_1016 = arith.constant 48 : index
        %get3A_1017 = tpu.vector_load %arg9[%get3A_1014, %get3A_1015, %get3A_1016] {strides = array<i32>} : memref<4x208x64xf32, #tpu.memory_space<vmem>>, vector<16xf32>,
        %add3A_1018 = arith.addf %add3A_932, %get3A_1017 : vector<16xf32>
        %scan3A_1019 = arith.constant 5 : i32
        %scan3A_1020 = arith.addi %scan3A_586, %scan3A_1019 : i32
        %jit3A_1021 = arith.constant 4 : i32
        %eq3A_1022 = arith.constant 0 : i32
        %eq3A_1023 = arith.cmpi eq, %jit3A_1021, %eq3A_1022 : i32
        %jit3A_1024 = arith.constant 1 : i32
        %select_n3A_1025 = arith.select %eq3A_1023, %jit3A_1024, %jit3A_1021 : i32
        %rem3A_1026 = arith.remsi %scan3A_337, %select_n3A_1025 : i32
        %ne3A_1027 = arith.constant 0 : i32
        %ne3A_1028 = arith.cmpi ne, %rem3A_1026, %ne3A_1027 : i32
        %lt3A_1029 = arith.constant 0 : i32
        %lt3A_1030 = arith.cmpi slt, %rem3A_1026, %lt3A_1029 : i32
        %lt3A_1031 = arith.constant 0 : i32
        %lt3A_1032 = arith.cmpi slt, %select_n3A_1025, %lt3A_1031 : i32
        %ne3A_1033 = arith.xori %lt3A_1030, %lt3A_1032 : i1
        %and3A_1034 = arith.andi %ne3A_1033, %ne3A_1028 : i1
        %add3A_1035 = arith.addi %rem3A_1026, %select_n3A_1025 : i32
        %select_n3A_1036 = arith.select %and3A_1034, %add3A_1035, %rem3A_1026 : i32
        %get3A_1037 = arith.index_cast %select_n3A_1036 : i32 to index
        %get3A_1038 = arith.index_cast %scan3A_1020 : i32 to index
        %get3A_1039 = arith.constant 0 : index
        %get3A_1040 = tpu.vector_load %arg9[%get3A_1037, %get3A_1038, %get3A_1039] {strides = array<i32>} : memref<4x208x64xf32, #tpu.memory_space<vmem>>, vector<16xf32>,
        %add3A_1041 = arith.addf %add3A_955, %get3A_1040 : vector<16xf32>
        %jit3A_1042 = arith.constant 4 : i32
        %eq3A_1043 = arith.constant 0 : i32
        %eq3A_1044 = arith.cmpi eq, %jit3A_1042, %eq3A_1043 : i32
        %jit3A_1045 = arith.constant 1 : i32
        %select_n3A_1046 = arith.select %eq3A_1044, %jit3A_1045, %jit3A_1042 : i32
        %rem3A_1047 = arith.remsi %scan3A_337, %select_n3A_1046 : i32
        %ne3A_1048 = arith.constant 0 : i32
        %ne3A_1049 = arith.cmpi ne, %rem3A_1047, %ne3A_1048 : i32
        %lt3A_1050 = arith.constant 0 : i32
        %lt3A_1051 = arith.cmpi slt, %rem3A_1047, %lt3A_1050 : i32
        %lt3A_1052 = arith.constant 0 : i32
        %lt3A_1053 = arith.cmpi slt, %select_n3A_1046, %lt3A_1052 : i32
        %ne3A_1054 = arith.xori %lt3A_1051, %lt3A_1053 : i1
        %and3A_1055 = arith.andi %ne3A_1054, %ne3A_1049 : i1
        %add3A_1056 = arith.addi %rem3A_1047, %select_n3A_1046 : i32
        %select_n3A_1057 = arith.select %and3A_1055, %add3A_1056, %rem3A_1047 : i32
        %get3A_1058 = arith.index_cast %select_n3A_1057 : i32 to index
        %get3A_1059 = arith.index_cast %scan3A_1020 : i32 to index
        %get3A_1060 = arith.constant 16 : index
        %get3A_1061 = tpu.vector_load %arg9[%get3A_1058, %get3A_1059, %get3A_1060] {strides = array<i32>} : memref<4x208x64xf32, #tpu.memory_space<vmem>>, vector<16xf32>,
        %add3A_1062 = arith.addf %add3A_976, %get3A_1061 : vector<16xf32>
        %jit3A_1063 = arith.constant 4 : i32
        %eq3A_1064 = arith.constant 0 : i32
        %eq3A_1065 = arith.cmpi eq, %jit3A_1063, %eq3A_1064 : i32
        %jit3A_1066 = arith.constant 1 : i32
        %select_n3A_1067 = arith.select %eq3A_1065, %jit3A_1066, %jit3A_1063 : i32
        %rem3A_1068 = arith.remsi %scan3A_337, %select_n3A_1067 : i32
        %ne3A_1069 = arith.constant 0 : i32
        %ne3A_1070 = arith.cmpi ne, %rem3A_1068, %ne3A_1069 : i32
        %lt3A_1071 = arith.constant 0 : i32
        %lt3A_1072 = arith.cmpi slt, %rem3A_1068, %lt3A_1071 : i32
        %lt3A_1073 = arith.constant 0 : i32
        %lt3A_1074 = arith.cmpi slt, %select_n3A_1067, %lt3A_1073 : i32
        %ne3A_1075 = arith.xori %lt3A_1072, %lt3A_1074 : i1
        %and3A_1076 = arith.andi %ne3A_1075, %ne3A_1070 : i1
        %add3A_1077 = arith.addi %rem3A_1068, %select_n3A_1067 : i32
        %select_n3A_1078 = arith.select %and3A_1076, %add3A_1077, %rem3A_1068 : i32
        %get3A_1079 = arith.index_cast %select_n3A_1078 : i32 to index
        %get3A_1080 = arith.index_cast %scan3A_1020 : i32 to index
        %get3A_1081 = arith.constant 32 : index
        %get3A_1082 = tpu.vector_load %arg9[%get3A_1079, %get3A_1080, %get3A_1081] {strides = array<i32>} : memref<4x208x64xf32, #tpu.memory_space<vmem>>, vector<16xf32>,
        %add3A_1083 = arith.addf %add3A_997, %get3A_1082 : vector<16xf32>
        %jit3A_1084 = arith.constant 4 : i32
        %eq3A_1085 = arith.constant 0 : i32
        %eq3A_1086 = arith.cmpi eq, %jit3A_1084, %eq3A_1085 : i32
        %jit3A_1087 = arith.constant 1 : i32
        %select_n3A_1088 = arith.select %eq3A_1086, %jit3A_1087, %jit3A_1084 : i32
        %rem3A_1089 = arith.remsi %scan3A_337, %select_n3A_1088 : i32
        %ne3A_1090 = arith.constant 0 : i32
        %ne3A_1091 = arith.cmpi ne, %rem3A_1089, %ne3A_1090 : i32
        %lt3A_1092 = arith.constant 0 : i32
        %lt3A_1093 = arith.cmpi slt, %rem3A_1089, %lt3A_1092 : i32
        %lt3A_1094 = arith.constant 0 : i32
        %lt3A_1095 = arith.cmpi slt, %select_n3A_1088, %lt3A_1094 : i32
        %ne3A_1096 = arith.xori %lt3A_1093, %lt3A_1095 : i1
        %and3A_1097 = arith.andi %ne3A_1096, %ne3A_1091 : i1
        %add3A_1098 = arith.addi %rem3A_1089, %select_n3A_1088 : i32
        %select_n3A_1099 = arith.select %and3A_1097, %add3A_1098, %rem3A_1089 : i32
        %get3A_1100 = arith.index_cast %select_n3A_1099 : i32 to index
        %get3A_1101 = arith.index_cast %scan3A_1020 : i32 to index
        %get3A_1102 = arith.constant 48 : index
        %get3A_1103 = tpu.vector_load %arg9[%get3A_1100, %get3A_1101, %get3A_1102] {strides = array<i32>} : memref<4x208x64xf32, #tpu.memory_space<vmem>>, vector<16xf32>,
        %add3A_1104 = arith.addf %add3A_1018, %get3A_1103 : vector<16xf32>
        %scan3A_1105 = arith.constant 6 : i32
        %scan3A_1106 = arith.addi %scan3A_586, %scan3A_1105 : i32
        %jit3A_1107 = arith.constant 4 : i32
        %eq3A_1108 = arith.constant 0 : i32
        %eq3A_1109 = arith.cmpi eq, %jit3A_1107, %eq3A_1108 : i32
        %jit3A_1110 = arith.constant 1 : i32
        %select_n3A_1111 = arith.select %eq3A_1109, %jit3A_1110, %jit3A_1107 : i32
        %rem3A_1112 = arith.remsi %scan3A_337, %select_n3A_1111 : i32
        %ne3A_1113 = arith.constant 0 : i32
        %ne3A_1114 = arith.cmpi ne, %rem3A_1112, %ne3A_1113 : i32
        %lt3A_1115 = arith.constant 0 : i32
        %lt3A_1116 = arith.cmpi slt, %rem3A_1112, %lt3A_1115 : i32
        %lt3A_1117 = arith.constant 0 : i32
        %lt3A_1118 = arith.cmpi slt, %select_n3A_1111, %lt3A_1117 : i32
        %ne3A_1119 = arith.xori %lt3A_1116, %lt3A_1118 : i1
        %and3A_1120 = arith.andi %ne3A_1119, %ne3A_1114 : i1
        %add3A_1121 = arith.addi %rem3A_1112, %select_n3A_1111 : i32
        %select_n3A_1122 = arith.select %and3A_1120, %add3A_1121, %rem3A_1112 : i32
        %get3A_1123 = arith.index_cast %select_n3A_1122 : i32 to index
        %get3A_1124 = arith.index_cast %scan3A_1106 : i32 to index
        %get3A_1125 = arith.constant 0 : index
        %get3A_1126 = tpu.vector_load %arg9[%get3A_1123, %get3A_1124, %get3A_1125] {strides = array<i32>} : memref<4x208x64xf32, #tpu.memory_space<vmem>>, vector<16xf32>,
        %add3A_1127 = arith.addf %add3A_1041, %get3A_1126 : vector<16xf32>
        %jit3A_1128 = arith.constant 4 : i32
        %eq3A_1129 = arith.constant 0 : i32
        %eq3A_1130 = arith.cmpi eq, %jit3A_1128, %eq3A_1129 : i32
        %jit3A_1131 = arith.constant 1 : i32
        %select_n3A_1132 = arith.select %eq3A_1130, %jit3A_1131, %jit3A_1128 : i32
        %rem3A_1133 = arith.remsi %scan3A_337, %select_n3A_1132 : i32
        %ne3A_1134 = arith.constant 0 : i32
        %ne3A_1135 = arith.cmpi ne, %rem3A_1133, %ne3A_1134 : i32
        %lt3A_1136 = arith.constant 0 : i32
        %lt3A_1137 = arith.cmpi slt, %rem3A_1133, %lt3A_1136 : i32
        %lt3A_1138 = arith.constant 0 : i32
        %lt3A_1139 = arith.cmpi slt, %select_n3A_1132, %lt3A_1138 : i32
        %ne3A_1140 = arith.xori %lt3A_1137, %lt3A_1139 : i1
        %and3A_1141 = arith.andi %ne3A_1140, %ne3A_1135 : i1
        %add3A_1142 = arith.addi %rem3A_1133, %select_n3A_1132 : i32
        %select_n3A_1143 = arith.select %and3A_1141, %add3A_1142, %rem3A_1133 : i32
        %get3A_1144 = arith.index_cast %select_n3A_1143 : i32 to index
        %get3A_1145 = arith.index_cast %scan3A_1106 : i32 to index
        %get3A_1146 = arith.constant 16 : index
        %get3A_1147 = tpu.vector_load %arg9[%get3A_1144, %get3A_1145, %get3A_1146] {strides = array<i32>} : memref<4x208x64xf32, #tpu.memory_space<vmem>>, vector<16xf32>,
        %add3A_1148 = arith.addf %add3A_1062, %get3A_1147 : vector<16xf32>
        %jit3A_1149 = arith.constant 4 : i32
        %eq3A_1150 = arith.constant 0 : i32
        %eq3A_1151 = arith.cmpi eq, %jit3A_1149, %eq3A_1150 : i32
        %jit3A_1152 = arith.constant 1 : i32
        %select_n3A_1153 = arith.select %eq3A_1151, %jit3A_1152, %jit3A_1149 : i32
        %rem3A_1154 = arith.remsi %scan3A_337, %select_n3A_1153 : i32
        %ne3A_1155 = arith.constant 0 : i32
        %ne3A_1156 = arith.cmpi ne, %rem3A_1154, %ne3A_1155 : i32
        %lt3A_1157 = arith.constant 0 : i32
        %lt3A_1158 = arith.cmpi slt, %rem3A_1154, %lt3A_1157 : i32
        %lt3A_1159 = arith.constant 0 : i32
        %lt3A_1160 = arith.cmpi slt, %select_n3A_1153, %lt3A_1159 : i32
        %ne3A_1161 = arith.xori %lt3A_1158, %lt3A_1160 : i1
        %and3A_1162 = arith.andi %ne3A_1161, %ne3A_1156 : i1
        %add3A_1163 = arith.addi %rem3A_1154, %select_n3A_1153 : i32
        %select_n3A_1164 = arith.select %and3A_1162, %add3A_1163, %rem3A_1154 : i32
        %get3A_1165 = arith.index_cast %select_n3A_1164 : i32 to index
        %get3A_1166 = arith.index_cast %scan3A_1106 : i32 to index
        %get3A_1167 = arith.constant 32 : index
        %get3A_1168 = tpu.vector_load %arg9[%get3A_1165, %get3A_1166, %get3A_1167] {strides = array<i32>} : memref<4x208x64xf32, #tpu.memory_space<vmem>>, vector<16xf32>,
        %add3A_1169 = arith.addf %add3A_1083, %get3A_1168 : vector<16xf32>
        %jit3A_1170 = arith.constant 4 : i32
        %eq3A_1171 = arith.constant 0 : i32
        %eq3A_1172 = arith.cmpi eq, %jit3A_1170, %eq3A_1171 : i32
        %jit3A_1173 = arith.constant 1 : i32
        %select_n3A_1174 = arith.select %eq3A_1172, %jit3A_1173, %jit3A_1170 : i32
        %rem3A_1175 = arith.remsi %scan3A_337, %select_n3A_1174 : i32
        %ne3A_1176 = arith.constant 0 : i32
        %ne3A_1177 = arith.cmpi ne, %rem3A_1175, %ne3A_1176 : i32
        %lt3A_1178 = arith.constant 0 : i32
        %lt3A_1179 = arith.cmpi slt, %rem3A_1175, %lt3A_1178 : i32
        %lt3A_1180 = arith.constant 0 : i32
        %lt3A_1181 = arith.cmpi slt, %select_n3A_1174, %lt3A_1180 : i32
        %ne3A_1182 = arith.xori %lt3A_1179, %lt3A_1181 : i1
        %and3A_1183 = arith.andi %ne3A_1182, %ne3A_1177 : i1
        %add3A_1184 = arith.addi %rem3A_1175, %select_n3A_1174 : i32
        %select_n3A_1185 = arith.select %and3A_1183, %add3A_1184, %rem3A_1175 : i32
        %get3A_1186 = arith.index_cast %select_n3A_1185 : i32 to index
        %get3A_1187 = arith.index_cast %scan3A_1106 : i32 to index
        %get3A_1188 = arith.constant 48 : index
        %get3A_1189 = tpu.vector_load %arg9[%get3A_1186, %get3A_1187, %get3A_1188] {strides = array<i32>} : memref<4x208x64xf32, #tpu.memory_space<vmem>>, vector<16xf32>,
        %add3A_1190 = arith.addf %add3A_1104, %get3A_1189 : vector<16xf32>
        %scan3A_1191 = arith.constant 7 : i32
        %scan3A_1192 = arith.addi %scan3A_586, %scan3A_1191 : i32
        %jit3A_1193 = arith.constant 4 : i32
        %eq3A_1194 = arith.constant 0 : i32
        %eq3A_1195 = arith.cmpi eq, %jit3A_1193, %eq3A_1194 : i32
        %jit3A_1196 = arith.constant 1 : i32
        %select_n3A_1197 = arith.select %eq3A_1195, %jit3A_1196, %jit3A_1193 : i32
        %rem3A_1198 = arith.remsi %scan3A_337, %select_n3A_1197 : i32
        %ne3A_1199 = arith.constant 0 : i32
        %ne3A_1200 = arith.cmpi ne, %rem3A_1198, %ne3A_1199 : i32
        %lt3A_1201 = arith.constant 0 : i32
        %lt3A_1202 = arith.cmpi slt, %rem3A_1198, %lt3A_1201 : i32
        %lt3A_1203 = arith.constant 0 : i32
        %lt3A_1204 = arith.cmpi slt, %select_n3A_1197, %lt3A_1203 : i32
        %ne3A_1205 = arith.xori %lt3A_1202, %lt3A_1204 : i1
        %and3A_1206 = arith.andi %ne3A_1205, %ne3A_1200 : i1
        %add3A_1207 = arith.addi %rem3A_1198, %select_n3A_1197 : i32
        %select_n3A_1208 = arith.select %and3A_1206, %add3A_1207, %rem3A_1198 : i32
        %get3A_1209 = arith.index_cast %select_n3A_1208 : i32 to index
        %get3A_1210 = arith.index_cast %scan3A_1192 : i32 to index
        %get3A_1211 = arith.constant 0 : index
        %get3A_1212 = tpu.vector_load %arg9[%get3A_1209, %get3A_1210, %get3A_1211] {strides = array<i32>} : memref<4x208x64xf32, #tpu.memory_space<vmem>>, vector<16xf32>,
        %add3A_1213 = arith.addf %add3A_1127, %get3A_1212 : vector<16xf32>
        %jit3A_1214 = arith.constant 4 : i32
        %eq3A_1215 = arith.constant 0 : i32
        %eq3A_1216 = arith.cmpi eq, %jit3A_1214, %eq3A_1215 : i32
        %jit3A_1217 = arith.constant 1 : i32
        %select_n3A_1218 = arith.select %eq3A_1216, %jit3A_1217, %jit3A_1214 : i32
        %rem3A_1219 = arith.remsi %scan3A_337, %select_n3A_1218 : i32
        %ne3A_1220 = arith.constant 0 : i32
        %ne3A_1221 = arith.cmpi ne, %rem3A_1219, %ne3A_1220 : i32
        %lt3A_1222 = arith.constant 0 : i32
        %lt3A_1223 = arith.cmpi slt, %rem3A_1219, %lt3A_1222 : i32
        %lt3A_1224 = arith.constant 0 : i32
        %lt3A_1225 = arith.cmpi slt, %select_n3A_1218, %lt3A_1224 : i32
        %ne3A_1226 = arith.xori %lt3A_1223, %lt3A_1225 : i1
        %and3A_1227 = arith.andi %ne3A_1226, %ne3A_1221 : i1
        %add3A_1228 = arith.addi %rem3A_1219, %select_n3A_1218 : i32
        %select_n3A_1229 = arith.select %and3A_1227, %add3A_1228, %rem3A_1219 : i32
        %get3A_1230 = arith.index_cast %select_n3A_1229 : i32 to index
        %get3A_1231 = arith.index_cast %scan3A_1192 : i32 to index
        %get3A_1232 = arith.constant 16 : index
        %get3A_1233 = tpu.vector_load %arg9[%get3A_1230, %get3A_1231, %get3A_1232] {strides = array<i32>} : memref<4x208x64xf32, #tpu.memory_space<vmem>>, vector<16xf32>,
        %add3A_1234 = arith.addf %add3A_1148, %get3A_1233 : vector<16xf32>
        %jit3A_1235 = arith.constant 4 : i32
        %eq3A_1236 = arith.constant 0 : i32
        %eq3A_1237 = arith.cmpi eq, %jit3A_1235, %eq3A_1236 : i32
        %jit3A_1238 = arith.constant 1 : i32
        %select_n3A_1239 = arith.select %eq3A_1237, %jit3A_1238, %jit3A_1235 : i32
        %rem3A_1240 = arith.remsi %scan3A_337, %select_n3A_1239 : i32
        %ne3A_1241 = arith.constant 0 : i32
        %ne3A_1242 = arith.cmpi ne, %rem3A_1240, %ne3A_1241 : i32
        %lt3A_1243 = arith.constant 0 : i32
        %lt3A_1244 = arith.cmpi slt, %rem3A_1240, %lt3A_1243 : i32
        %lt3A_1245 = arith.constant 0 : i32
        %lt3A_1246 = arith.cmpi slt, %select_n3A_1239, %lt3A_1245 : i32
        %ne3A_1247 = arith.xori %lt3A_1244, %lt3A_1246 : i1
        %and3A_1248 = arith.andi %ne3A_1247, %ne3A_1242 : i1
        %add3A_1249 = arith.addi %rem3A_1240, %select_n3A_1239 : i32
        %select_n3A_1250 = arith.select %and3A_1248, %add3A_1249, %rem3A_1240 : i32
        %get3A_1251 = arith.index_cast %select_n3A_1250 : i32 to index
        %get3A_1252 = arith.index_cast %scan3A_1192 : i32 to index
        %get3A_1253 = arith.constant 32 : index
        %get3A_1254 = tpu.vector_load %arg9[%get3A_1251, %get3A_1252, %get3A_1253] {strides = array<i32>} : memref<4x208x64xf32, #tpu.memory_space<vmem>>, vector<16xf32>,
        %add3A_1255 = arith.addf %add3A_1169, %get3A_1254 : vector<16xf32>
        %jit3A_1256 = arith.constant 4 : i32
        %eq3A_1257 = arith.constant 0 : i32
        %eq3A_1258 = arith.cmpi eq, %jit3A_1256, %eq3A_1257 : i32
        %jit3A_1259 = arith.constant 1 : i32
        %select_n3A_1260 = arith.select %eq3A_1258, %jit3A_1259, %jit3A_1256 : i32
        %rem3A_1261 = arith.remsi %scan3A_337, %select_n3A_1260 : i32
        %ne3A_1262 = arith.constant 0 : i32
        %ne3A_1263 = arith.cmpi ne, %rem3A_1261, %ne3A_1262 : i32
        %lt3A_1264 = arith.constant 0 : i32
        %lt3A_1265 = arith.cmpi slt, %rem3A_1261, %lt3A_1264 : i32
        %lt3A_1266 = arith.constant 0 : i32
        %lt3A_1267 = arith.cmpi slt, %select_n3A_1260, %lt3A_1266 : i32
        %ne3A_1268 = arith.xori %lt3A_1265, %lt3A_1267 : i1
        %and3A_1269 = arith.andi %ne3A_1268, %ne3A_1263 : i1
        %add3A_1270 = arith.addi %rem3A_1261, %select_n3A_1260 : i32
        %select_n3A_1271 = arith.select %and3A_1269, %add3A_1270, %rem3A_1261 : i32
        %get3A_1272 = arith.index_cast %select_n3A_1271 : i32 to index
        %get3A_1273 = arith.index_cast %scan3A_1192 : i32 to index
        %get3A_1274 = arith.constant 48 : index
        %get3A_1275 = tpu.vector_load %arg9[%get3A_1272, %get3A_1273, %get3A_1274] {strides = array<i32>} : memref<4x208x64xf32, #tpu.memory_space<vmem>>, vector<16xf32>,
        %add3A_1276 = arith.addf %add3A_1190, %get3A_1275 : vector<16xf32>
        scf.yield %add3A_1213, %add3A_1234, %add3A_1255, %add3A_1276 : vector<16xf32>, vector<16xf32>, vector<16xf32>, vector<16xf32>
      }
      %scan3A_534 = arith.constant 200 : i32
      %iota3A = tpu.iota {dimensions = array<i32: 0>} : vector<16xi32>
      %swap3A_535 = arith.constant 0 : index
      %swap3A_536 = tpu.vector_load %arg12[%swap3A_535] {strides = array<i32>} : memref<16xf32, #tpu.memory_space<vmem>>, vector<16xf32>,
      tpu.vector_store %arg12[%swap3A_535], %add3A_513 {strides = array<i32>} : memref<16xf32, #tpu.memory_space<vmem>>, vector<16xf32>,
      %xor3A = arith.constant 8 : i32
      %xor3A_537 = vector.broadcast %xor3A : i32 to vector<16xi32>
      %xor3A_538 = arith.xori %iota3A, %xor3A_537 : vector<16xi32>
      %gather3A = tpu.vector_load_idx %arg12[%xor3A_538] : memref<16xf32, #tpu.memory_space<vmem>>[vector<16xi32>], vector<16xf32>,
      %add3A_539 = arith.addf %add3A_513, %gather3A : vector<16xf32>
      %swap3A_540 = arith.constant 0 : index
      %swap3A_541 = tpu.vector_load %arg12[%swap3A_540] {strides = array<i32>} : memref<16xf32, #tpu.memory_space<vmem>>, vector<16xf32>,
      tpu.vector_store %arg12[%swap3A_540], %add3A_539 {strides = array<i32>} : memref<16xf32, #tpu.memory_space<vmem>>, vector<16xf32>,
      %xor3A_542 = arith.constant 4 : i32
      %xor3A_543 = vector.broadcast %xor3A_542 : i32 to vector<16xi32>
      %xor3A_544 = arith.xori %iota3A, %xor3A_543 : vector<16xi32>
      %gather3A_545 = tpu.vector_load_idx %arg12[%xor3A_544] : memref<16xf32, #tpu.memory_space<vmem>>[vector<16xi32>], vector<16xf32>,
      %add3A_546 = arith.addf %add3A_539, %gather3A_545 : vector<16xf32>
      %swap3A_547 = arith.constant 0 : index
      %swap3A_548 = tpu.vector_load %arg12[%swap3A_547] {strides = array<i32>} : memref<16xf32, #tpu.memory_space<vmem>>, vector<16xf32>,
      tpu.vector_store %arg12[%swap3A_547], %add3A_546 {strides = array<i32>} : memref<16xf32, #tpu.memory_space<vmem>>, vector<16xf32>,
      %xor3A_549 = arith.constant 2 : i32
      %xor3A_550 = vector.broadcast %xor3A_549 : i32 to vector<16xi32>
      %xor3A_551 = arith.xori %iota3A, %xor3A_550 : vector<16xi32>
      %gather3A_552 = tpu.vector_load_idx %arg12[%xor3A_551] : memref<16xf32, #tpu.memory_space<vmem>>[vector<16xi32>], vector<16xf32>,
      %add3A_553 = arith.addf %add3A_546, %gather3A_552 : vector<16xf32>
      %swap3A_554 = arith.constant 0 : index
      %swap3A_555 = tpu.vector_load %arg12[%swap3A_554] {strides = array<i32>} : memref<16xf32, #tpu.memory_space<vmem>>, vector<16xf32>,
      tpu.vector_store %arg12[%swap3A_554], %add3A_553 {strides = array<i32>} : memref<16xf32, #tpu.memory_space<vmem>>, vector<16xf32>,
      %xor3A_556 = arith.constant 1 : i32
      %xor3A_557 = vector.broadcast %xor3A_556 : i32 to vector<16xi32>
      %xor3A_558 = arith.xori %iota3A, %xor3A_557 : vector<16xi32>
      %gather3A_559 = tpu.vector_load_idx %arg12[%xor3A_558] : memref<16xf32, #tpu.memory_space<vmem>>[vector<16xi32>], vector<16xf32>,
      %add3A_560 = arith.addf %add3A_553, %gather3A_559 : vector<16xf32>
      %max3A = arith.constant 9.99999971E-10 : f32
      %max3A_561 = vector.broadcast %max3A : f32 to vector<16xf32>
      %max3A_562 = arith.maximumf %add3A_560, %max3A_561 : vector<16xf32>
      %div3A = arith.divf %scan3A_533#0, %max3A_562 : vector<16xf32>
      %div3A_563 = arith.divf %scan3A_533#1, %max3A_562 : vector<16xf32>
      %div3A_564 = arith.divf %scan3A_533#2, %max3A_562 : vector<16xf32>
      %div3A_565 = arith.divf %scan3A_533#3, %max3A_562 : vector<16xf32>
      %add3A_566 = arith.constant 0 : i32
      %add3A_567 = arith.addi %add3A_566, %scan3A_337 : i32
      %swap3A_568 = arith.index_cast %add3A_567 : i32 to index
      %swap3A_569 = arith.constant 0 : index
      %swap3A_570 = tpu.vector_load %arg10[%swap3A_568, %swap3A_569] {strides = array<i32>} : memref<256x64xf32, #tpu.memory_space<vmem>>, vector<16xf32>,
      tpu.vector_store %arg10[%swap3A_568, %swap3A_569], %div3A {strides = array<i32>} : memref<256x64xf32, #tpu.memory_space<vmem>>, vector<16xf32>,
      %add3A_571 = arith.constant 0 : i32
      %add3A_572 = arith.addi %add3A_571, %scan3A_337 : i32
      %swap3A_573 = arith.index_cast %add3A_572 : i32 to index
      %swap3A_574 = arith.constant 16 : index
      %swap3A_575 = tpu.vector_load %arg10[%swap3A_573, %swap3A_574] {strides = array<i32>} : memref<256x64xf32, #tpu.memory_space<vmem>>, vector<16xf32>,
      tpu.vector_store %arg10[%swap3A_573, %swap3A_574], %div3A_563 {strides = array<i32>} : memref<256x64xf32, #tpu.memory_space<vmem>>, vector<16xf32>,
      %add3A_576 = arith.constant 0 : i32
      %add3A_577 = arith.addi %add3A_576, %scan3A_337 : i32
      %swap3A_578 = arith.index_cast %add3A_577 : i32 to index
      %swap3A_579 = arith.constant 32 : index
      %swap3A_580 = tpu.vector_load %arg10[%swap3A_578, %swap3A_579] {strides = array<i32>} : memref<256x64xf32, #tpu.memory_space<vmem>>, vector<16xf32>,
      tpu.vector_store %arg10[%swap3A_578, %swap3A_579], %div3A_564 {strides = array<i32>} : memref<256x64xf32, #tpu.memory_space<vmem>>, vector<16xf32>,
      %add3A_581 = arith.constant 0 : i32
      %add3A_582 = arith.addi %add3A_581, %scan3A_337 : i32
      %swap3A_583 = arith.index_cast %add3A_582 : i32 to index
      %swap3A_584 = arith.constant 48 : index
      %swap3A_585 = tpu.vector_load %arg10[%swap3A_583, %swap3A_584] {strides = array<i32>} : memref<256x64xf32, #tpu.memory_space<vmem>>, vector<16xf32>,
      tpu.vector_store %arg10[%swap3A_583, %swap3A_584], %div3A_565 {strides = array<i32>} : memref<256x64xf32, #tpu.memory_space<vmem>>, vector<16xf32>,
    }
    %scan3A_191 = arith.constant 128 : i32
    %add3A_192 = arith.constant 0 : i32
    %add3A_193 = arith.addi %mul3A_2, %add3A_192 : i32
    %mul3A_194 = arith.constant 200 : i32
    %mul3A_195 = arith.muli %add3A_193, %mul3A_194 : i32
    %multiple_of3A_196 = tpu.assume_multiple %mul3A_195, 8 : i32
    %dma_start3A_197 = arith.constant 0 : i32
    %dma_start3A_198 = arith.constant 0 : i32
    %dma_start3A_199 = tpu.memref_slice %arg8[%dma_start3A_197, %dma_start3A_198] : memref<8x208xi32, #tpu.memory_space<vmem>> -> memref<1x200xi32, #tpu.memory_space<vmem>>
    %dma_start3A_200 = tpu.memref_squeeze %dma_start3A_199 : memref<1x200xi32, #tpu.memory_space<vmem>> -> memref<200xi32, #tpu.memory_space<vmem>>
    %dma_start3A_201 = tpu.memref_slice %arg3[%multiple_of3A_196] : memref<819200xi32, #tpu.memory_space<hbm>> -> memref<200xi32, #tpu.memory_space<hbm>>
    %dma_start3A_202 = arith.constant 0 : i32
    %dma_start3A_203 = tpu.memref_slice %arg8[%dma_start3A_197, %dma_start3A_202] : memref<8x208xi32, #tpu.memory_space<vmem>> -> memref<1x200xi32, #tpu.memory_space<vmem>>
    %dma_start3A_204 = tpu.memref_squeeze %dma_start3A_203 : memref<1x200xi32, #tpu.memory_space<vmem>> -> memref<200xi32, #tpu.memory_space<vmem>>
    %dma_start3A_205 = tpu.memref_slice %arg3[%multiple_of3A_196] : memref<819200xi32, #tpu.memory_space<hbm>> -> memref<200xi32, #tpu.memory_space<hbm>>
    tpu.enqueue_dma source(%dma_start3A_205 : memref<200xi32, #tpu.memory_space<hbm>>) target(%dma_start3A_204 : memref<200xi32, #tpu.memory_space<vmem>>) target_semaphore(%arg14 : memref<!tpu.dma_semaphore, #tpu.memory_space<semaphore_mem>>)
    %add3A_206 = arith.constant 1 : i32
    %add3A_207 = arith.addi %mul3A_2, %add3A_206 : i32
    %mul3A_208 = arith.constant 200 : i32
    %mul3A_209 = arith.muli %add3A_207, %mul3A_208 : i32
    %multiple_of3A_210 = tpu.assume_multiple %mul3A_209, 8 : i32
    %dma_start3A_211 = arith.constant 1 : i32
    %dma_start3A_212 = arith.constant 0 : i32
    %dma_start3A_213 = tpu.memref_slice %arg8[%dma_start3A_211, %dma_start3A_212] : memref<8x208xi32, #tpu.memory_space<vmem>> -> memref<1x200xi32, #tpu.memory_space<vmem>>
    %dma_start3A_214 = tpu.memref_squeeze %dma_start3A_213 : memref<1x200xi32, #tpu.memory_space<vmem>> -> memref<200xi32, #tpu.memory_space<vmem>>
    %dma_start3A_215 = tpu.memref_slice %arg3[%multiple_of3A_210] : memref<819200xi32, #tpu.memory_space<hbm>> -> memref<200xi32, #tpu.memory_space<hbm>>
    %dma_start3A_216 = arith.constant 0 : i32
    %dma_start3A_217 = tpu.memref_slice %arg8[%dma_start3A_211, %dma_start3A_216] : memref<8x208xi32, #tpu.memory_space<vmem>> -> memref<1x200xi32, #tpu.memory_space<vmem>>
    %dma_start3A_218 = tpu.memref_squeeze %dma_start3A_217 : memref<1x200xi32, #tpu.memory_space<vmem>> -> memref<200xi32, #tpu.memory_space<vmem>>
    %dma_start3A_219 = tpu.memref_slice %arg3[%multiple_of3A_210] : memref<819200xi32, #tpu.memory_space<hbm>> -> memref<200xi32, #tpu.memory_space<hbm>>
    tpu.enqueue_dma source(%dma_start3A_219 : memref<200xi32, #tpu.memory_space<hbm>>) target(%dma_start3A_218 : memref<200xi32, #tpu.memory_space<vmem>>) target_semaphore(%arg14 : memref<!tpu.dma_semaphore, #tpu.memory_space<semaphore_mem>>)
    %add3A_220 = arith.constant 2 : i32
    %add3A_221 = arith.addi %mul3A_2, %add3A_220 : i32
    %mul3A_222 = arith.constant 200 : i32
    %mul3A_223 = arith.muli %add3A_221, %mul3A_222 : i32
    %multiple_of3A_224 = tpu.assume_multiple %mul3A_223, 8 : i32
    %dma_start3A_225 = arith.constant 2 : i32
    %dma_start3A_226 = arith.constant 0 : i32
    %dma_start3A_227 = tpu.memref_slice %arg8[%dma_start3A_225, %dma_start3A_226] : memref<8x208xi32, #tpu.memory_space<vmem>> -> memref<1x200xi32, #tpu.memory_space<vmem>>
    %dma_start3A_228 = tpu.memref_squeeze %dma_start3A_227 : memref<1x200xi32, #tpu.memory_space<vmem>> -> memref<200xi32, #tpu.memory_space<vmem>>
    %dma_start3A_229 = tpu.memref_slice %arg3[%multiple_of3A_224] : memref<819200xi32, #tpu.memory_space<hbm>> -> memref<200xi32, #tpu.memory_space<hbm>>
    %dma_start3A_230 = arith.constant 0 : i32
    %dma_start3A_231 = tpu.memref_slice %arg8[%dma_start3A_225, %dma_start3A_230] : memref<8x208xi32, #tpu.memory_space<vmem>> -> memref<1x200xi32, #tpu.memory_space<vmem>>
    %dma_start3A_232 = tpu.memref_squeeze %dma_start3A_231 : memref<1x200xi32, #tpu.memory_space<vmem>> -> memref<200xi32, #tpu.memory_space<vmem>>
    %dma_start3A_233 = tpu.memref_slice %arg3[%multiple_of3A_224] : memref<819200xi32, #tpu.memory_space<hbm>> -> memref<200xi32, #tpu.memory_space<hbm>>
    tpu.enqueue_dma source(%dma_start3A_233 : memref<200xi32, #tpu.memory_space<hbm>>) target(%dma_start3A_232 : memref<200xi32, #tpu.memory_space<vmem>>) target_semaphore(%arg14 : memref<!tpu.dma_semaphore, #tpu.memory_space<semaphore_mem>>)
    %add3A_234 = arith.constant 3 : i32
    %add3A_235 = arith.addi %mul3A_2, %add3A_234 : i32
    %mul3A_236 = arith.constant 200 : i32
    %mul3A_237 = arith.muli %add3A_235, %mul3A_236 : i32
    %multiple_of3A_238 = tpu.assume_multiple %mul3A_237, 8 : i32
    %dma_start3A_239 = arith.constant 3 : i32
    %dma_start3A_240 = arith.constant 0 : i32
    %dma_start3A_241 = tpu.memref_slice %arg8[%dma_start3A_239, %dma_start3A_240] : memref<8x208xi32, #tpu.memory_space<vmem>> -> memref<1x200xi32, #tpu.memory_space<vmem>>
    %dma_start3A_242 = tpu.memref_squeeze %dma_start3A_241 : memref<1x200xi32, #tpu.memory_space<vmem>> -> memref<200xi32, #tpu.memory_space<vmem>>
    %dma_start3A_243 = tpu.memref_slice %arg3[%multiple_of3A_238] : memref<819200xi32, #tpu.memory_space<hbm>> -> memref<200xi32, #tpu.memory_space<hbm>>
    %dma_start3A_244 = arith.constant 0 : i32
    %dma_start3A_245 = tpu.memref_slice %arg8[%dma_start3A_239, %dma_start3A_244] : memref<8x208xi32, #tpu.memory_space<vmem>> -> memref<1x200xi32, #tpu.memory_space<vmem>>
    %dma_start3A_246 = tpu.memref_squeeze %dma_start3A_245 : memref<1x200xi32, #tpu.memory_space<vmem>> -> memref<200xi32, #tpu.memory_space<vmem>>
    %dma_start3A_247 = tpu.memref_slice %arg3[%multiple_of3A_238] : memref<819200xi32, #tpu.memory_space<hbm>> -> memref<200xi32, #tpu.memory_space<hbm>>
    tpu.enqueue_dma source(%dma_start3A_247 : memref<200xi32, #tpu.memory_space<hbm>>) target(%dma_start3A_246 : memref<200xi32, #tpu.memory_space<vmem>>) target_semaphore(%arg14 : memref<!tpu.dma_semaphore, #tpu.memory_space<semaphore_mem>>)
    %add3A_248 = arith.constant 4 : i32
    %add3A_249 = arith.addi %mul3A_2, %add3A_248 : i32
    %mul3A_250 = arith.constant 200 : i32
    %mul3A_251 = arith.muli %add3A_249, %mul3A_250 : i32
    %multiple_of3A_252 = tpu.assume_multiple %mul3A_251, 8 : i32
    %dma_start3A_253 = arith.constant 4 : i32
    %dma_start3A_254 = arith.constant 0 : i32
    %dma_start3A_255 = tpu.memref_slice %arg8[%dma_start3A_253, %dma_start3A_254] : memref<8x208xi32, #tpu.memory_space<vmem>> -> memref<1x200xi32, #tpu.memory_space<vmem>>
    %dma_start3A_256 = tpu.memref_squeeze %dma_start3A_255 : memref<1x200xi32, #tpu.memory_space<vmem>> -> memref<200xi32, #tpu.memory_space<vmem>>
    %dma_start3A_257 = tpu.memref_slice %arg3[%multiple_of3A_252] : memref<819200xi32, #tpu.memory_space<hbm>> -> memref<200xi32, #tpu.memory_space<hbm>>
    %dma_start3A_258 = arith.constant 0 : i32
    %dma_start3A_259 = tpu.memref_slice %arg8[%dma_start3A_253, %dma_start3A_258] : memref<8x208xi32, #tpu.memory_space<vmem>> -> memref<1x200xi32, #tpu.memory_space<vmem>>
    %dma_start3A_260 = tpu.memref_squeeze %dma_start3A_259 : memref<1x200xi32, #tpu.memory_space<vmem>> -> memref<200xi32, #tpu.memory_space<vmem>>
    %dma_start3A_261 = tpu.memref_slice %arg3[%multiple_of3A_252] : memref<819200xi32, #tpu.memory_space<hbm>> -> memref<200xi32, #tpu.memory_space<hbm>>
    tpu.enqueue_dma source(%dma_start3A_261 : memref<200xi32, #tpu.memory_space<hbm>>) target(%dma_start3A_260 : memref<200xi32, #tpu.memory_space<vmem>>) target_semaphore(%arg14 : memref<!tpu.dma_semaphore, #tpu.memory_space<semaphore_mem>>)
    %dma_wait3A_262 = arith.constant 0 : i32
    %dma_wait3A_263 = arith.constant 0 : i32
    %dma_wait3A_264 = tpu.memref_slice %arg8[%dma_wait3A_262, %dma_wait3A_263] : memref<8x208xi32, #tpu.memory_space<vmem>> -> memref<1x200xi32, #tpu.memory_space<vmem>>
    %dma_wait3A_265 = tpu.memref_squeeze %dma_wait3A_264 : memref<1x200xi32, #tpu.memory_space<vmem>> -> memref<200xi32, #tpu.memory_space<vmem>>
    %dma_wait3A_266 = arith.constant 0 : i32
    %dma_wait3A_267 = tpu.memref_slice %arg2[%dma_wait3A_266] : memref<819200xi32, #tpu.memory_space<hbm>> -> memref<200xi32, #tpu.memory_space<hbm>>
    %dma_wait3A_268 = arith.constant 0 : i32
    %dma_wait3A_269 = tpu.memref_slice %arg8[%dma_wait3A_262, %dma_wait3A_268] : memref<8x208xi32, #tpu.memory_space<vmem>> -> memref<1x200xi32, #tpu.memory_space<vmem>>
    %dma_wait3A_270 = tpu.memref_squeeze %dma_wait3A_269 : memref<1x200xi32, #tpu.memory_space<vmem>> -> memref<200xi32, #tpu.memory_space<vmem>>
    %dma_wait3A_271 = arith.constant 0 : i32
    %dma_wait3A_272 = tpu.memref_slice %arg2[%dma_wait3A_271] : memref<819200xi32, #tpu.memory_space<hbm>> -> memref<200xi32, #tpu.memory_space<hbm>>
    tpu.wait_dma2 semaphore(%arg14 : memref<!tpu.dma_semaphore, #tpu.memory_space<semaphore_mem>>) src(%dma_wait3A_272 : memref<200xi32, #tpu.memory_space<hbm>>) dst(%dma_wait3A_270 : memref<200xi32, #tpu.memory_space<vmem>>)
    %dma_start3A_273 = arith.constant 0 : i32
    %dma_start3A_274 = arith.constant 0 : i32
    %dma_start3A_275 = arith.constant 0 : i32
    %dma_start3A_276 = arith.constant 0 : i32
    %dma_start3A_277 = tpu.memref_slice %arg9[%dma_start3A_274, %dma_start3A_275, %dma_start3A_276] : memref<4x208x64xf32, #tpu.memory_space<vmem>> -> memref<1x200x64xf32, #tpu.memory_space<vmem>>
    %dma_start3A_278 = tpu.memref_squeeze %dma_start3A_277 : memref<1x200x64xf32, #tpu.memory_space<vmem>> -> memref<200x64xf32, #tpu.memory_space<vmem>>
    %dma_start3A_279 = arith.constant 0 : i32
    %dma_start3A_280 = tpu.memref_slice %arg8[%dma_start3A_273, %dma_start3A_279] : memref<8x208xi32, #tpu.memory_space<vmem>> -> memref<1x200xi32, #tpu.memory_space<vmem>>
    %dma_start3A_281 = tpu.memref_squeeze %dma_start3A_280 : memref<1x200xi32, #tpu.memory_space<vmem>> -> memref<200xi32, #tpu.memory_space<vmem>>
    %dma_start3A_282 = arith.constant 0 : i32
    %dma_start3A_283 = arith.constant 0 : i32
    %dma_start3A_284 = tpu.memref_slice %arg4[%dma_start3A_282, %dma_start3A_283] : memref<1000000x64xf32, #tpu.memory_space<hbm>> -> memref<1000000x64xf32, #tpu.memory_space<hbm>>
    tpu.enqueue_indirect_dma source(%dma_start3A_284 : memref<1000000x64xf32, #tpu.memory_space<hbm>>) target(%dma_start3A_278 : memref<200x64xf32, #tpu.memory_space<vmem>>) offsets(%dma_start3A_281 : memref<200xi32, #tpu.memory_space<vmem>>) semaphore(%arg13 : memref<!tpu.dma_semaphore, #tpu.memory_space<semaphore_mem>>)
    %dma_wait3A_285 = arith.constant 0 : i32
    %dma_wait3A_286 = arith.constant 0 : i32
    %dma_wait3A_287 = tpu.memref_slice %arg8[%dma_wait3A_285, %dma_wait3A_286] : memref<8x208xi32, #tpu.memory_space<vmem>> -> memref<1x200xi32, #tpu.memory_space<vmem>>
    %dma_wait3A_288 = tpu.memref_squeeze %dma_wait3A_287 : memref<1x200xi32, #tpu.memory_space<vmem>> -> memref<200xi32, #tpu.memory_space<vmem>>
    %dma_wait3A_289 = arith.constant 0 : i32
    %dma_wait3A_290 = tpu.memref_slice %arg2[%dma_wait3A_289] : memref<819200xi32, #tpu.memory_space<hbm>> -> memref<200xi32, #tpu.memory_space<hbm>>
    %dma_wait3A_291 = arith.constant 0 : i32
    %dma_wait3A_292 = tpu.memref_slice %arg8[%dma_wait3A_285, %dma_wait3A_291] : memref<8x208xi32, #tpu.memory_space<vmem>> -> memref<1x200xi32, #tpu.memory_space<vmem>>
    %dma_wait3A_293 = tpu.memref_squeeze %dma_wait3A_292 : memref<1x200xi32, #tpu.memory_space<vmem>> -> memref<200xi32, #tpu.memory_space<vmem>>
    %dma_wait3A_294 = arith.constant 0 : i32
    %dma_wait3A_295 = tpu.memref_slice %arg2[%dma_wait3A_294] : memref<819200xi32, #tpu.memory_space<hbm>> -> memref<200xi32, #tpu.memory_space<hbm>>
    tpu.wait_dma2 semaphore(%arg14 : memref<!tpu.dma_semaphore, #tpu.memory_space<semaphore_mem>>) src(%dma_wait3A_295 : memref<200xi32, #tpu.memory_space<hbm>>) dst(%dma_wait3A_293 : memref<200xi32, #tpu.memory_space<vmem>>)
    %dma_start3A_296 = arith.constant 1 : i32
    %dma_start3A_297 = arith.constant 1 : i32
    %dma_start3A_298 = arith.constant 0 : i32
    %dma_start3A_299 = arith.constant 0 : i32
    %dma_start3A_300 = tpu.memref_slice %arg9[%dma_start3A_297, %dma_start3A_298, %dma_start3A_299] : memref<4x208x64xf32, #tpu.memory_space<vmem>> -> memref<1x200x64xf32, #tpu.memory_space<vmem>>
    %dma_start3A_301 = tpu.memref_squeeze %dma_start3A_300 : memref<1x200x64xf32, #tpu.memory_space<vmem>> -> memref<200x64xf32, #tpu.memory_space<vmem>>
    %dma_start3A_302 = arith.constant 0 : i32
    %dma_start3A_303 = tpu.memref_slice %arg8[%dma_start3A_296, %dma_start3A_302] : memref<8x208xi32, #tpu.memory_space<vmem>> -> memref<1x200xi32, #tpu.memory_space<vmem>>
    %dma_start3A_304 = tpu.memref_squeeze %dma_start3A_303 : memref<1x200xi32, #tpu.memory_space<vmem>> -> memref<200xi32, #tpu.memory_space<vmem>>
    %dma_start3A_305 = arith.constant 0 : i32
    %dma_start3A_306 = arith.constant 0 : i32
    %dma_start3A_307 = tpu.memref_slice %arg4[%dma_start3A_305, %dma_start3A_306] : memref<1000000x64xf32, #tpu.memory_space<hbm>> -> memref<1000000x64xf32, #tpu.memory_space<hbm>>
    tpu.enqueue_indirect_dma source(%dma_start3A_307 : memref<1000000x64xf32, #tpu.memory_space<hbm>>) target(%dma_start3A_301 : memref<200x64xf32, #tpu.memory_space<vmem>>) offsets(%dma_start3A_304 : memref<200xi32, #tpu.memory_space<vmem>>) semaphore(%arg13 : memref<!tpu.dma_semaphore, #tpu.memory_space<semaphore_mem>>)
    %dma_wait3A_308 = arith.constant 0 : i32
    %dma_wait3A_309 = arith.constant 0 : i32
    %dma_wait3A_310 = tpu.memref_slice %arg8[%dma_wait3A_308, %dma_wait3A_309] : memref<8x208xi32, #tpu.memory_space<vmem>> -> memref<1x200xi32, #tpu.memory_space<vmem>>
    %dma_wait3A_311 = tpu.memref_squeeze %dma_wait3A_310 : memref<1x200xi32, #tpu.memory_space<vmem>> -> memref<200xi32, #tpu.memory_space<vmem>>
    %dma_wait3A_312 = arith.constant 0 : i32
    %dma_wait3A_313 = tpu.memref_slice %arg2[%dma_wait3A_312] : memref<819200xi32, #tpu.memory_space<hbm>> -> memref<200xi32, #tpu.memory_space<hbm>>
    %dma_wait3A_314 = arith.constant 0 : i32
    %dma_wait3A_315 = tpu.memref_slice %arg8[%dma_wait3A_308, %dma_wait3A_314] : memref<8x208xi32, #tpu.memory_space<vmem>> -> memref<1x200xi32, #tpu.memory_space<vmem>>
    %dma_wait3A_316 = tpu.memref_squeeze %dma_wait3A_315 : memref<1x200xi32, #tpu.memory_space<vmem>> -> memref<200xi32, #tpu.memory_space<vmem>>
    %dma_wait3A_317 = arith.constant 0 : i32
    %dma_wait3A_318 = tpu.memref_slice %arg2[%dma_wait3A_317] : memref<819200xi32, #tpu.memory_space<hbm>> -> memref<200xi32, #tpu.memory_space<hbm>>
    tpu.wait_dma2 semaphore(%arg14 : memref<!tpu.dma_semaphore, #tpu.memory_space<semaphore_mem>>) src(%dma_wait3A_318 : memref<200xi32, #tpu.memory_space<hbm>>) dst(%dma_wait3A_316 : memref<200xi32, #tpu.memory_space<vmem>>)
    %dma_start3A_319 = arith.constant 2 : i32
    %dma_start3A_320 = arith.constant 2 : i32
    %dma_start3A_321 = arith.constant 0 : i32
    %dma_start3A_322 = arith.constant 0 : i32
    %dma_start3A_323 = tpu.memref_slice %arg9[%dma_start3A_320, %dma_start3A_321, %dma_start3A_322] : memref<4x208x64xf32, #tpu.memory_space<vmem>> -> memref<1x200x64xf32, #tpu.memory_space<vmem>>
    %dma_start3A_324 = tpu.memref_squeeze %dma_start3A_323 : memref<1x200x64xf32, #tpu.memory_space<vmem>> -> memref<200x64xf32, #tpu.memory_space<vmem>>
    %dma_start3A_325 = arith.constant 0 : i32
    %dma_start3A_326 = tpu.memref_slice %arg8[%dma_start3A_319, %dma_start3A_325] : memref<8x208xi32, #tpu.memory_space<vmem>> -> memref<1x200xi32, #tpu.memory_space<vmem>>
    %dma_start3A_327 = tpu.memref_squeeze %dma_start3A_326 : memref<1x200xi32, #tpu.memory_space<vmem>> -> memref<200xi32, #tpu.memory_space<vmem>>
    %dma_start3A_328 = arith.constant 0 : i32
    %dma_start3A_329 = arith.constant 0 : i32
    %dma_start3A_330 = tpu.memref_slice %arg4[%dma_start3A_328, %dma_start3A_329] : memref<1000000x64xf32, #tpu.memory_space<hbm>> -> memref<1000000x64xf32, #tpu.memory_space<hbm>>
    tpu.enqueue_indirect_dma source(%dma_start3A_330 : memref<1000000x64xf32, #tpu.memory_space<hbm>>) target(%dma_start3A_324 : memref<200x64xf32, #tpu.memory_space<vmem>>) offsets(%dma_start3A_327 : memref<200xi32, #tpu.memory_space<vmem>>) semaphore(%arg13 : memref<!tpu.dma_semaphore, #tpu.memory_space<semaphore_mem>>)
    %scan3A_331 = arith.constant 0 : i32
    %scan3A_332 = arith.constant 0 : i32
    %scan3A_333 = arith.constant 128 : i32
    %scan3A_334 = arith.addi %scan3A_332, %scan3A_333 : i32
    %scan3A_335 = arith.constant 1 : i32
    scf.for %scan3A_337 = %scan3A_332 to %scan3A_334 step %scan3A_335  : i32 {
      %jit3A = arith.constant 8 : i32
      %eq3A = arith.constant 0 : i32
      %eq3A_338 = arith.cmpi eq, %jit3A, %eq3A : i32
      %jit3A_339 = arith.constant 1 : i32
      %select_n3A = arith.select %eq3A_338, %jit3A_339, %jit3A : i32
      %rem3A = arith.remsi %scan3A_337, %select_n3A : i32
      %ne3A = arith.constant 0 : i32
      %ne3A_340 = arith.cmpi ne, %rem3A, %ne3A : i32
      %lt3A = arith.constant 0 : i32
      %lt3A_341 = arith.cmpi slt, %rem3A, %lt3A : i32
      %lt3A_342 = arith.constant 0 : i32
      %lt3A_343 = arith.cmpi slt, %select_n3A, %lt3A_342 : i32
      %ne3A_344 = arith.xori %lt3A_341, %lt3A_343 : i1
      %and3A = arith.andi %ne3A_344, %ne3A_340 : i1
      %add3A_345 = arith.addi %rem3A, %select_n3A : i32
      %select_n3A_346 = arith.select %and3A, %add3A_345, %rem3A : i32
      %add3A_347 = arith.constant 3 : i32
      %add3A_348 = arith.addi %scan3A_337, %add3A_347 : i32
      %lt3A_349 = arith.constant 128 : i32
      %lt3A_350 = arith.cmpi slt, %add3A_348, %lt3A_349 : i32
      %convert_element_type3A = arith.extui %lt3A_350 : i1 to i32
      %cond3A = arith.constant 0 : i32
      %cond3A_351 = arith.cmpi ne, %convert_element_type3A, %cond3A : i32
      scf.if %cond3A_351 {
        %dma_wait3A_751 = arith.constant 0 : i32
        %dma_wait3A_752 = arith.constant 0 : i32
        %dma_wait3A_753 = tpu.memref_slice %arg8[%dma_wait3A_751, %dma_wait3A_752] : memref<8x208xi32, #tpu.memory_space<vmem>> -> memref<1x200xi32, #tpu.memory_space<vmem>>
        %dma_wait3A_754 = tpu.memref_squeeze %dma_wait3A_753 : memref<1x200xi32, #tpu.memory_space<vmem>> -> memref<200xi32, #tpu.memory_space<vmem>>
        %dma_wait3A_755 = arith.constant 0 : i32
        %dma_wait3A_756 = tpu.memref_slice %arg2[%dma_wait3A_755] : memref<819200xi32, #tpu.memory_space<hbm>> -> memref<200xi32, #tpu.memory_space<hbm>>
        %dma_wait3A_757 = arith.constant 0 : i32
        %dma_wait3A_758 = tpu.memref_slice %arg8[%dma_wait3A_751, %dma_wait3A_757] : memref<8x208xi32, #tpu.memory_space<vmem>> -> memref<1x200xi32, #tpu.memory_space<vmem>>
        %dma_wait3A_759 = tpu.memref_squeeze %dma_wait3A_758 : memref<1x200xi32, #tpu.memory_space<vmem>> -> memref<200xi32, #tpu.memory_space<vmem>>
        %dma_wait3A_760 = arith.constant 0 : i32
        %dma_wait3A_761 = tpu.memref_slice %arg2[%dma_wait3A_760] : memref<819200xi32, #tpu.memory_space<hbm>> -> memref<200xi32, #tpu.memory_space<hbm>>
        tpu.wait_dma2 semaphore(%arg14 : memref<!tpu.dma_semaphore, #tpu.memory_space<semaphore_mem>>) src(%dma_wait3A_761 : memref<200xi32, #tpu.memory_space<hbm>>) dst(%dma_wait3A_759 : memref<200xi32, #tpu.memory_space<vmem>>)
        %add3A_762 = arith.constant 3 : i32
        %add3A_763 = arith.addi %scan3A_337, %add3A_762 : i32
        %jit3A_764 = arith.constant 8 : i32
        %eq3A_765 = arith.constant 0 : i32
        %eq3A_766 = arith.cmpi eq, %jit3A_764, %eq3A_765 : i32
        %jit3A_767 = arith.constant 1 : i32
        %select_n3A_768 = arith.select %eq3A_766, %jit3A_767, %jit3A_764 : i32
        %rem3A_769 = arith.remsi %add3A_763, %select_n3A_768 : i32
        %ne3A_770 = arith.constant 0 : i32
        %ne3A_771 = arith.cmpi ne, %rem3A_769, %ne3A_770 : i32
        %lt3A_772 = arith.constant 0 : i32
        %lt3A_773 = arith.cmpi slt, %rem3A_769, %lt3A_772 : i32
        %lt3A_774 = arith.constant 0 : i32
        %lt3A_775 = arith.cmpi slt, %select_n3A_768, %lt3A_774 : i32
        %ne3A_776 = arith.xori %lt3A_773, %lt3A_775 : i1
        %and3A_777 = arith.andi %ne3A_776, %ne3A_771 : i1
        %add3A_778 = arith.addi %rem3A_769, %select_n3A_768 : i32
        %select_n3A_779 = arith.select %and3A_777, %add3A_778, %rem3A_769 : i32
        %jit3A_780 = arith.constant 4 : i32
        %eq3A_781 = arith.constant 0 : i32
        %eq3A_782 = arith.cmpi eq, %jit3A_780, %eq3A_781 : i32
        %jit3A_783 = arith.constant 1 : i32
        %select_n3A_784 = arith.select %eq3A_782, %jit3A_783, %jit3A_780 : i32
        %rem3A_785 = arith.remsi %add3A_763, %select_n3A_784 : i32
        %ne3A_786 = arith.constant 0 : i32
        %ne3A_787 = arith.cmpi ne, %rem3A_785, %ne3A_786 : i32
        %lt3A_788 = arith.constant 0 : i32
        %lt3A_789 = arith.cmpi slt, %rem3A_785, %lt3A_788 : i32
        %lt3A_790 = arith.constant 0 : i32
        %lt3A_791 = arith.cmpi slt, %select_n3A_784, %lt3A_790 : i32
        %ne3A_792 = arith.xori %lt3A_789, %lt3A_791 : i1
        %and3A_793 = arith.andi %ne3A_792, %ne3A_787 : i1
        %add3A_794 = arith.addi %rem3A_785, %select_n3A_784 : i32
        %select_n3A_795 = arith.select %and3A_793, %add3A_794, %rem3A_785 : i32
        %dma_start3A_796 = arith.constant 0 : i32
        %dma_start3A_797 = arith.constant 0 : i32
        %dma_start3A_798 = tpu.memref_slice %arg9[%select_n3A_795, %dma_start3A_796, %dma_start3A_797] : memref<4x208x64xf32, #tpu.memory_space<vmem>> -> memref<1x200x64xf32, #tpu.memory_space<vmem>>
        %dma_start3A_799 = tpu.memref_squeeze %dma_start3A_798 : memref<1x200x64xf32, #tpu.memory_space<vmem>> -> memref<200x64xf32, #tpu.memory_space<vmem>>
        %dma_start3A_800 = arith.constant 0 : i32
        %dma_start3A_801 = tpu.memref_slice %arg8[%select_n3A_779, %dma_start3A_800] : memref<8x208xi32, #tpu.memory_space<vmem>> -> memref<1x200xi32, #tpu.memory_space<vmem>>
        %dma_start3A_802 = tpu.memref_squeeze %dma_start3A_801 : memref<1x200xi32, #tpu.memory_space<vmem>> -> memref<200xi32, #tpu.memory_space<vmem>>
        %dma_start3A_803 = arith.constant 0 : i32
        %dma_start3A_804 = arith.constant 0 : i32
        %dma_start3A_805 = tpu.memref_slice %arg4[%dma_start3A_803, %dma_start3A_804] : memref<1000000x64xf32, #tpu.memory_space<hbm>> -> memref<1000000x64xf32, #tpu.memory_space<hbm>>
        tpu.enqueue_indirect_dma source(%dma_start3A_805 : memref<1000000x64xf32, #tpu.memory_space<hbm>>) target(%dma_start3A_799 : memref<200x64xf32, #tpu.memory_space<vmem>>) offsets(%dma_start3A_802 : memref<200xi32, #tpu.memory_space<vmem>>) semaphore(%arg13 : memref<!tpu.dma_semaphore, #tpu.memory_space<semaphore_mem>>)
      } else {
      }
      %add3A_352 = arith.constant 5 : i32
      %add3A_353 = arith.addi %scan3A_337, %add3A_352 : i32
      %lt3A_354 = arith.constant 128 : i32
      %lt3A_355 = arith.cmpi slt, %add3A_353, %lt3A_354 : i32
      %convert_element_type3A_356 = arith.extui %lt3A_355 : i1 to i32
      %cond3A_357 = arith.constant 0 : i32
      %cond3A_358 = arith.cmpi ne, %convert_element_type3A_356, %cond3A_357 : i32
      scf.if %cond3A_358 {
        %add3A_751 = arith.constant 5 : i32
        %add3A_752 = arith.addi %scan3A_337, %add3A_751 : i32
        %add3A_753 = arith.addi %mul3A_2, %add3A_752 : i32
        %mul3A_754 = arith.constant 200 : i32
        %mul3A_755 = arith.muli %add3A_753, %mul3A_754 : i32
        %multiple_of3A_756 = tpu.assume_multiple %mul3A_755, 8 : i32
        %jit3A_757 = arith.constant 8 : i32
        %eq3A_758 = arith.constant 0 : i32
        %eq3A_759 = arith.cmpi eq, %jit3A_757, %eq3A_758 : i32
        %jit3A_760 = arith.constant 1 : i32
        %select_n3A_761 = arith.select %eq3A_759, %jit3A_760, %jit3A_757 : i32
        %rem3A_762 = arith.remsi %add3A_752, %select_n3A_761 : i32
        %ne3A_763 = arith.constant 0 : i32
        %ne3A_764 = arith.cmpi ne, %rem3A_762, %ne3A_763 : i32
        %lt3A_765 = arith.constant 0 : i32
        %lt3A_766 = arith.cmpi slt, %rem3A_762, %lt3A_765 : i32
        %lt3A_767 = arith.constant 0 : i32
        %lt3A_768 = arith.cmpi slt, %select_n3A_761, %lt3A_767 : i32
        %ne3A_769 = arith.xori %lt3A_766, %lt3A_768 : i1
        %and3A_770 = arith.andi %ne3A_769, %ne3A_764 : i1
        %add3A_771 = arith.addi %rem3A_762, %select_n3A_761 : i32
        %select_n3A_772 = arith.select %and3A_770, %add3A_771, %rem3A_762 : i32
        %dma_start3A_773 = arith.constant 0 : i32
        %dma_start3A_774 = tpu.memref_slice %arg8[%select_n3A_772, %dma_start3A_773] : memref<8x208xi32, #tpu.memory_space<vmem>> -> memref<1x200xi32, #tpu.memory_space<vmem>>
        %dma_start3A_775 = tpu.memref_squeeze %dma_start3A_774 : memref<1x200xi32, #tpu.memory_space<vmem>> -> memref<200xi32, #tpu.memory_space<vmem>>
        %dma_start3A_776 = tpu.memref_slice %arg3[%multiple_of3A_756] : memref<819200xi32, #tpu.memory_space<hbm>> -> memref<200xi32, #tpu.memory_space<hbm>>
        %dma_start3A_777 = arith.constant 0 : i32
        %dma_start3A_778 = tpu.memref_slice %arg8[%select_n3A_772, %dma_start3A_777] : memref<8x208xi32, #tpu.memory_space<vmem>> -> memref<1x200xi32, #tpu.memory_space<vmem>>
        %dma_start3A_779 = tpu.memref_squeeze %dma_start3A_778 : memref<1x200xi32, #tpu.memory_space<vmem>> -> memref<200xi32, #tpu.memory_space<vmem>>
        %dma_start3A_780 = tpu.memref_slice %arg3[%multiple_of3A_756] : memref<819200xi32, #tpu.memory_space<hbm>> -> memref<200xi32, #tpu.memory_space<hbm>>
        tpu.enqueue_dma source(%dma_start3A_780 : memref<200xi32, #tpu.memory_space<hbm>>) target(%dma_start3A_779 : memref<200xi32, #tpu.memory_space<vmem>>) target_semaphore(%arg14 : memref<!tpu.dma_semaphore, #tpu.memory_space<semaphore_mem>>)
      } else {
      }
      %get3A = arith.index_cast %select_n3A_346 : i32 to index
      %get3A_359 = arith.constant 0 : index
      %get3A_360 = tpu.vector_load %arg8[%get3A, %get3A_359] {strides = array<i32>} : memref<8x208xi32, #tpu.memory_space<vmem>>, vector<16xi32>,
      %ne3A_361 = arith.constant 0 : i32
      %ne3A_362 = vector.broadcast %ne3A_361 : i32 to vector<16xi32>
      %ne3A_363 = arith.cmpi ne, %get3A_360, %ne3A_362 : vector<16xi32>
      %jit3A_364 = arith.constant 1.000000e+00 : f32
      %jit3A_365 = arith.constant 0.000000e+00 : f32
      %broadcast_in_dim3A_366 = vector.broadcast %jit3A_364 : f32 to vector<16xf32>
      %broadcast_in_dim3A_367 = vector.broadcast %jit3A_365 : f32 to vector<16xf32>
      %select_n3A_368 = arith.select %ne3A_363, %broadcast_in_dim3A_366, %broadcast_in_dim3A_367 : vector<16xi1>, vector<16xf32>
      %add3A_369 = arith.addf %broadcast_in_dim3A_3, %select_n3A_368 : vector<16xf32>
      %get3A_370 = arith.index_cast %select_n3A_346 : i32 to index
      %get3A_371 = arith.constant 16 : index
      %get3A_372 = tpu.vector_load %arg8[%get3A_370, %get3A_371] {strides = array<i32>} : memref<8x208xi32, #tpu.memory_space<vmem>>, vector<16xi32>,
      %ne3A_373 = arith.constant 0 : i32
      %ne3A_374 = vector.broadcast %ne3A_373 : i32 to vector<16xi32>
      %ne3A_375 = arith.cmpi ne, %get3A_372, %ne3A_374 : vector<16xi32>
      %jit3A_376 = arith.constant 1.000000e+00 : f32
      %jit3A_377 = arith.constant 0.000000e+00 : f32
      %broadcast_in_dim3A_378 = vector.broadcast %jit3A_376 : f32 to vector<16xf32>
      %broadcast_in_dim3A_379 = vector.broadcast %jit3A_377 : f32 to vector<16xf32>
      %select_n3A_380 = arith.select %ne3A_375, %broadcast_in_dim3A_378, %broadcast_in_dim3A_379 : vector<16xi1>, vector<16xf32>
      %add3A_381 = arith.addf %add3A_369, %select_n3A_380 : vector<16xf32>
      %get3A_382 = arith.index_cast %select_n3A_346 : i32 to index
      %get3A_383 = arith.constant 32 : index
      %get3A_384 = tpu.vector_load %arg8[%get3A_382, %get3A_383] {strides = array<i32>} : memref<8x208xi32, #tpu.memory_space<vmem>>, vector<16xi32>,
      %ne3A_385 = arith.constant 0 : i32
      %ne3A_386 = vector.broadcast %ne3A_385 : i32 to vector<16xi32>
      %ne3A_387 = arith.cmpi ne, %get3A_384, %ne3A_386 : vector<16xi32>
      %jit3A_388 = arith.constant 1.000000e+00 : f32
      %jit3A_389 = arith.constant 0.000000e+00 : f32
      %broadcast_in_dim3A_390 = vector.broadcast %jit3A_388 : f32 to vector<16xf32>
      %broadcast_in_dim3A_391 = vector.broadcast %jit3A_389 : f32 to vector<16xf32>
      %select_n3A_392 = arith.select %ne3A_387, %broadcast_in_dim3A_390, %broadcast_in_dim3A_391 : vector<16xi1>, vector<16xf32>
      %add3A_393 = arith.addf %add3A_381, %select_n3A_392 : vector<16xf32>
      %get3A_394 = arith.index_cast %select_n3A_346 : i32 to index
      %get3A_395 = arith.constant 48 : index
      %get3A_396 = tpu.vector_load %arg8[%get3A_394, %get3A_395] {strides = array<i32>} : memref<8x208xi32, #tpu.memory_space<vmem>>, vector<16xi32>,
      %ne3A_397 = arith.constant 0 : i32
      %ne3A_398 = vector.broadcast %ne3A_397 : i32 to vector<16xi32>
      %ne3A_399 = arith.cmpi ne, %get3A_396, %ne3A_398 : vector<16xi32>
      %jit3A_400 = arith.constant 1.000000e+00 : f32
      %jit3A_401 = arith.constant 0.000000e+00 : f32
      %broadcast_in_dim3A_402 = vector.broadcast %jit3A_400 : f32 to vector<16xf32>
      %broadcast_in_dim3A_403 = vector.broadcast %jit3A_401 : f32 to vector<16xf32>
      %select_n3A_404 = arith.select %ne3A_399, %broadcast_in_dim3A_402, %broadcast_in_dim3A_403 : vector<16xi1>, vector<16xf32>
      %add3A_405 = arith.addf %add3A_393, %select_n3A_404 : vector<16xf32>
      %get3A_406 = arith.index_cast %select_n3A_346 : i32 to index
      %get3A_407 = arith.constant 64 : index
      %get3A_408 = tpu.vector_load %arg8[%get3A_406, %get3A_407] {strides = array<i32>} : memref<8x208xi32, #tpu.memory_space<vmem>>, vector<16xi32>,
      %ne3A_409 = arith.constant 0 : i32
      %ne3A_410 = vector.broadcast %ne3A_409 : i32 to vector<16xi32>
      %ne3A_411 = arith.cmpi ne, %get3A_408, %ne3A_410 : vector<16xi32>
      %jit3A_412 = arith.constant 1.000000e+00 : f32
      %jit3A_413 = arith.constant 0.000000e+00 : f32
      %broadcast_in_dim3A_414 = vector.broadcast %jit3A_412 : f32 to vector<16xf32>
      %broadcast_in_dim3A_415 = vector.broadcast %jit3A_413 : f32 to vector<16xf32>
      %select_n3A_416 = arith.select %ne3A_411, %broadcast_in_dim3A_414, %broadcast_in_dim3A_415 : vector<16xi1>, vector<16xf32>
      %add3A_417 = arith.addf %add3A_405, %select_n3A_416 : vector<16xf32>
      %get3A_418 = arith.index_cast %select_n3A_346 : i32 to index
      %get3A_419 = arith.constant 80 : index
      %get3A_420 = tpu.vector_load %arg8[%get3A_418, %get3A_419] {strides = array<i32>} : memref<8x208xi32, #tpu.memory_space<vmem>>, vector<16xi32>,
      %ne3A_421 = arith.constant 0 : i32
      %ne3A_422 = vector.broadcast %ne3A_421 : i32 to vector<16xi32>
      %ne3A_423 = arith.cmpi ne, %get3A_420, %ne3A_422 : vector<16xi32>
      %jit3A_424 = arith.constant 1.000000e+00 : f32
      %jit3A_425 = arith.constant 0.000000e+00 : f32
      %broadcast_in_dim3A_426 = vector.broadcast %jit3A_424 : f32 to vector<16xf32>
      %broadcast_in_dim3A_427 = vector.broadcast %jit3A_425 : f32 to vector<16xf32>
      %select_n3A_428 = arith.select %ne3A_423, %broadcast_in_dim3A_426, %broadcast_in_dim3A_427 : vector<16xi1>, vector<16xf32>
      %add3A_429 = arith.addf %add3A_417, %select_n3A_428 : vector<16xf32>
      %get3A_430 = arith.index_cast %select_n3A_346 : i32 to index
      %get3A_431 = arith.constant 96 : index
      %get3A_432 = tpu.vector_load %arg8[%get3A_430, %get3A_431] {strides = array<i32>} : memref<8x208xi32, #tpu.memory_space<vmem>>, vector<16xi32>,
      %ne3A_433 = arith.constant 0 : i32
      %ne3A_434 = vector.broadcast %ne3A_433 : i32 to vector<16xi32>
      %ne3A_435 = arith.cmpi ne, %get3A_432, %ne3A_434 : vector<16xi32>
      %jit3A_436 = arith.constant 1.000000e+00 : f32
      %jit3A_437 = arith.constant 0.000000e+00 : f32
      %broadcast_in_dim3A_438 = vector.broadcast %jit3A_436 : f32 to vector<16xf32>
      %broadcast_in_dim3A_439 = vector.broadcast %jit3A_437 : f32 to vector<16xf32>
      %select_n3A_440 = arith.select %ne3A_435, %broadcast_in_dim3A_438, %broadcast_in_dim3A_439 : vector<16xi1>, vector<16xf32>
      %add3A_441 = arith.addf %add3A_429, %select_n3A_440 : vector<16xf32>
      %get3A_442 = arith.index_cast %select_n3A_346 : i32 to index
      %get3A_443 = arith.constant 112 : index
      %get3A_444 = tpu.vector_load %arg8[%get3A_442, %get3A_443] {strides = array<i32>} : memref<8x208xi32, #tpu.memory_space<vmem>>, vector<16xi32>,
      %ne3A_445 = arith.constant 0 : i32
      %ne3A_446 = vector.broadcast %ne3A_445 : i32 to vector<16xi32>
      %ne3A_447 = arith.cmpi ne, %get3A_444, %ne3A_446 : vector<16xi32>
      %jit3A_448 = arith.constant 1.000000e+00 : f32
      %jit3A_449 = arith.constant 0.000000e+00 : f32
      %broadcast_in_dim3A_450 = vector.broadcast %jit3A_448 : f32 to vector<16xf32>
      %broadcast_in_dim3A_451 = vector.broadcast %jit3A_449 : f32 to vector<16xf32>
      %select_n3A_452 = arith.select %ne3A_447, %broadcast_in_dim3A_450, %broadcast_in_dim3A_451 : vector<16xi1>, vector<16xf32>
      %add3A_453 = arith.addf %add3A_441, %select_n3A_452 : vector<16xf32>
      %get3A_454 = arith.index_cast %select_n3A_346 : i32 to index
      %get3A_455 = arith.constant 128 : index
      %get3A_456 = tpu.vector_load %arg8[%get3A_454, %get3A_455] {strides = array<i32>} : memref<8x208xi32, #tpu.memory_space<vmem>>, vector<16xi32>,
      %ne3A_457 = arith.constant 0 : i32
      %ne3A_458 = vector.broadcast %ne3A_457 : i32 to vector<16xi32>
      %ne3A_459 = arith.cmpi ne, %get3A_456, %ne3A_458 : vector<16xi32>
      %jit3A_460 = arith.constant 1.000000e+00 : f32
      %jit3A_461 = arith.constant 0.000000e+00 : f32
      %broadcast_in_dim3A_462 = vector.broadcast %jit3A_460 : f32 to vector<16xf32>
      %broadcast_in_dim3A_463 = vector.broadcast %jit3A_461 : f32 to vector<16xf32>
      %select_n3A_464 = arith.select %ne3A_459, %broadcast_in_dim3A_462, %broadcast_in_dim3A_463 : vector<16xi1>, vector<16xf32>
      %add3A_465 = arith.addf %add3A_453, %select_n3A_464 : vector<16xf32>
      %get3A_466 = arith.index_cast %select_n3A_346 : i32 to index
      %get3A_467 = arith.constant 144 : index
      %get3A_468 = tpu.vector_load %arg8[%get3A_466, %get3A_467] {strides = array<i32>} : memref<8x208xi32, #tpu.memory_space<vmem>>, vector<16xi32>,
      %ne3A_469 = arith.constant 0 : i32
      %ne3A_470 = vector.broadcast %ne3A_469 : i32 to vector<16xi32>
      %ne3A_471 = arith.cmpi ne, %get3A_468, %ne3A_470 : vector<16xi32>
      %jit3A_472 = arith.constant 1.000000e+00 : f32
      %jit3A_473 = arith.constant 0.000000e+00 : f32
      %broadcast_in_dim3A_474 = vector.broadcast %jit3A_472 : f32 to vector<16xf32>
      %broadcast_in_dim3A_475 = vector.broadcast %jit3A_473 : f32 to vector<16xf32>
      %select_n3A_476 = arith.select %ne3A_471, %broadcast_in_dim3A_474, %broadcast_in_dim3A_475 : vector<16xi1>, vector<16xf32>
      %add3A_477 = arith.addf %add3A_465, %select_n3A_476 : vector<16xf32>
      %get3A_478 = arith.index_cast %select_n3A_346 : i32 to index
      %get3A_479 = arith.constant 160 : index
      %get3A_480 = tpu.vector_load %arg8[%get3A_478, %get3A_479] {strides = array<i32>} : memref<8x208xi32, #tpu.memory_space<vmem>>, vector<16xi32>,
      %ne3A_481 = arith.constant 0 : i32
      %ne3A_482 = vector.broadcast %ne3A_481 : i32 to vector<16xi32>
      %ne3A_483 = arith.cmpi ne, %get3A_480, %ne3A_482 : vector<16xi32>
      %jit3A_484 = arith.constant 1.000000e+00 : f32
      %jit3A_485 = arith.constant 0.000000e+00 : f32
      %broadcast_in_dim3A_486 = vector.broadcast %jit3A_484 : f32 to vector<16xf32>
      %broadcast_in_dim3A_487 = vector.broadcast %jit3A_485 : f32 to vector<16xf32>
      %select_n3A_488 = arith.select %ne3A_483, %broadcast_in_dim3A_486, %broadcast_in_dim3A_487 : vector<16xi1>, vector<16xf32>
      %add3A_489 = arith.addf %add3A_477, %select_n3A_488 : vector<16xf32>
      %get3A_490 = arith.index_cast %select_n3A_346 : i32 to index
      %get3A_491 = arith.constant 176 : index
      %get3A_492 = tpu.vector_load %arg8[%get3A_490, %get3A_491] {strides = array<i32>} : memref<8x208xi32, #tpu.memory_space<vmem>>, vector<16xi32>,
      %ne3A_493 = arith.constant 0 : i32
      %ne3A_494 = vector.broadcast %ne3A_493 : i32 to vector<16xi32>
      %ne3A_495 = arith.cmpi ne, %get3A_492, %ne3A_494 : vector<16xi32>
      %jit3A_496 = arith.constant 1.000000e+00 : f32
      %jit3A_497 = arith.constant 0.000000e+00 : f32
      %broadcast_in_dim3A_498 = vector.broadcast %jit3A_496 : f32 to vector<16xf32>
      %broadcast_in_dim3A_499 = vector.broadcast %jit3A_497 : f32 to vector<16xf32>
      %select_n3A_500 = arith.select %ne3A_495, %broadcast_in_dim3A_498, %broadcast_in_dim3A_499 : vector<16xi1>, vector<16xf32>
      %add3A_501 = arith.addf %add3A_489, %select_n3A_500 : vector<16xf32>
      %get3A_502 = arith.index_cast %select_n3A_346 : i32 to index
      %get3A_503 = arith.constant 192 : index
      %get3A_504 = tpu.vector_load %arg8[%get3A_502, %get3A_503] {strides = array<i32>} : memref<8x208xi32, #tpu.memory_space<vmem>>, vector<16xi32>,
      %ne3A_505 = arith.constant 0 : i32
      %ne3A_506 = vector.broadcast %ne3A_505 : i32 to vector<16xi32>
      %ne3A_507 = arith.cmpi ne, %get3A_504, %ne3A_506 : vector<16xi32>
      %jit3A_508 = arith.constant 1.000000e+00 : f32
      %jit3A_509 = arith.constant 0.000000e+00 : f32
      %broadcast_in_dim3A_510 = vector.broadcast %jit3A_508 : f32 to vector<16xf32>
      %broadcast_in_dim3A_511 = vector.broadcast %jit3A_509 : f32 to vector<16xf32>
      %select_n3A_512 = arith.select %ne3A_507, %broadcast_in_dim3A_510, %broadcast_in_dim3A_511 : vector<16xi1>, vector<16xf32>
      %add3A_513 = arith.addf %add3A_501, %select_n3A_512 : vector<16xf32>
      %dma_wait3A_514 = arith.constant 0 : i32
      %dma_wait3A_515 = arith.constant 0 : i32
      %dma_wait3A_516 = arith.constant 0 : i32
      %dma_wait3A_517 = tpu.memref_slice %arg9[%dma_wait3A_514, %dma_wait3A_515, %dma_wait3A_516] : memref<4x208x64xf32, #tpu.memory_space<vmem>> -> memref<1x200x64xf32, #tpu.memory_space<vmem>>
      %dma_wait3A_518 = tpu.memref_squeeze %dma_wait3A_517 : memref<1x200x64xf32, #tpu.memory_space<vmem>> -> memref<200x64xf32, #tpu.memory_space<vmem>>
      %dma_wait3A_519 = arith.constant 0 : i32
      %dma_wait3A_520 = arith.constant 0 : i32
      %dma_wait3A_521 = tpu.memref_slice %arg4[%dma_wait3A_519, %dma_wait3A_520] : memref<1000000x64xf32, #tpu.memory_space<hbm>> -> memref<200x64xf32, #tpu.memory_space<hbm>>
      %dma_wait3A_522 = arith.constant 0 : i32
      %dma_wait3A_523 = arith.constant 0 : i32
      %dma_wait3A_524 = tpu.memref_slice %arg9[%dma_wait3A_514, %dma_wait3A_522, %dma_wait3A_523] : memref<4x208x64xf32, #tpu.memory_space<vmem>> -> memref<1x200x64xf32, #tpu.memory_space<vmem>>
      %dma_wait3A_525 = tpu.memref_squeeze %dma_wait3A_524 : memref<1x200x64xf32, #tpu.memory_space<vmem>> -> memref<200x64xf32, #tpu.memory_space<vmem>>
      %dma_wait3A_526 = arith.constant 0 : i32
      %dma_wait3A_527 = arith.constant 0 : i32
      %dma_wait3A_528 = tpu.memref_slice %arg4[%dma_wait3A_526, %dma_wait3A_527] : memref<1000000x64xf32, #tpu.memory_space<hbm>> -> memref<200x64xf32, #tpu.memory_space<hbm>>
      tpu.wait_dma2 semaphore(%arg13 : memref<!tpu.dma_semaphore, #tpu.memory_space<semaphore_mem>>) src(%dma_wait3A_528 : memref<200x64xf32, #tpu.memory_space<hbm>>) dst(%dma_wait3A_525 : memref<200x64xf32, #tpu.memory_space<vmem>>)
      %scan3A_529 = arith.constant 0 : i32
      %scan3A_530 = arith.constant 200 : i32
      %scan3A_531 = arith.addi %scan3A_529, %scan3A_530 : i32
      %scan3A_532 = arith.constant 8 : i32
      %scan3A_533:4 = scf.for %scan3A_751 = %scan3A_529 to %scan3A_531 step %scan3A_532 iter_args(%scan3A_752 = %broadcast_in_dim3A_3, %scan3A_753 = %broadcast_in_dim3A_3, %scan3A_754 = %broadcast_in_dim3A_3, %scan3A_755 = %broadcast_in_dim3A_3) -> (vector<16xf32>, vector<16xf32>, vector<16xf32>, vector<16xf32>)  : i32 {
        %jit3A_756 = arith.constant 4 : i32
        %eq3A_757 = arith.constant 0 : i32
        %eq3A_758 = arith.cmpi eq, %jit3A_756, %eq3A_757 : i32
        %jit3A_759 = arith.constant 1 : i32
        %select_n3A_760 = arith.select %eq3A_758, %jit3A_759, %jit3A_756 : i32
        %rem3A_761 = arith.remsi %scan3A_337, %select_n3A_760 : i32
        %ne3A_762 = arith.constant 0 : i32
        %ne3A_763 = arith.cmpi ne, %rem3A_761, %ne3A_762 : i32
        %lt3A_764 = arith.constant 0 : i32
        %lt3A_765 = arith.cmpi slt, %rem3A_761, %lt3A_764 : i32
        %lt3A_766 = arith.constant 0 : i32
        %lt3A_767 = arith.cmpi slt, %select_n3A_760, %lt3A_766 : i32
        %ne3A_768 = arith.xori %lt3A_765, %lt3A_767 : i1
        %and3A_769 = arith.andi %ne3A_768, %ne3A_763 : i1
        %add3A_770 = arith.addi %rem3A_761, %select_n3A_760 : i32
        %select_n3A_771 = arith.select %and3A_769, %add3A_770, %rem3A_761 : i32
        %get3A_772 = arith.index_cast %select_n3A_771 : i32 to index
        %get3A_773 = arith.index_cast %scan3A_751 : i32 to index
        %get3A_774 = arith.constant 0 : index
        %get3A_775 = tpu.vector_load %arg9[%get3A_772, %get3A_773, %get3A_774] {strides = array<i32>} : memref<4x208x64xf32, #tpu.memory_space<vmem>>, vector<16xf32>,
        %add3A_776 = arith.addf %scan3A_752, %get3A_775 : vector<16xf32>
        %jit3A_777 = arith.constant 4 : i32
        %eq3A_778 = arith.constant 0 : i32
        %eq3A_779 = arith.cmpi eq, %jit3A_777, %eq3A_778 : i32
        %jit3A_780 = arith.constant 1 : i32
        %select_n3A_781 = arith.select %eq3A_779, %jit3A_780, %jit3A_777 : i32
        %rem3A_782 = arith.remsi %scan3A_337, %select_n3A_781 : i32
        %ne3A_783 = arith.constant 0 : i32
        %ne3A_784 = arith.cmpi ne, %rem3A_782, %ne3A_783 : i32
        %lt3A_785 = arith.constant 0 : i32
        %lt3A_786 = arith.cmpi slt, %rem3A_782, %lt3A_785 : i32
        %lt3A_787 = arith.constant 0 : i32
        %lt3A_788 = arith.cmpi slt, %select_n3A_781, %lt3A_787 : i32
        %ne3A_789 = arith.xori %lt3A_786, %lt3A_788 : i1
        %and3A_790 = arith.andi %ne3A_789, %ne3A_784 : i1
        %add3A_791 = arith.addi %rem3A_782, %select_n3A_781 : i32
        %select_n3A_792 = arith.select %and3A_790, %add3A_791, %rem3A_782 : i32
        %get3A_793 = arith.index_cast %select_n3A_792 : i32 to index
        %get3A_794 = arith.index_cast %scan3A_751 : i32 to index
        %get3A_795 = arith.constant 16 : index
        %get3A_796 = tpu.vector_load %arg9[%get3A_793, %get3A_794, %get3A_795] {strides = array<i32>} : memref<4x208x64xf32, #tpu.memory_space<vmem>>, vector<16xf32>,
        %add3A_797 = arith.addf %scan3A_753, %get3A_796 : vector<16xf32>
        %jit3A_798 = arith.constant 4 : i32
        %eq3A_799 = arith.constant 0 : i32
        %eq3A_800 = arith.cmpi eq, %jit3A_798, %eq3A_799 : i32
        %jit3A_801 = arith.constant 1 : i32
        %select_n3A_802 = arith.select %eq3A_800, %jit3A_801, %jit3A_798 : i32
        %rem3A_803 = arith.remsi %scan3A_337, %select_n3A_802 : i32
        %ne3A_804 = arith.constant 0 : i32
        %ne3A_805 = arith.cmpi ne, %rem3A_803, %ne3A_804 : i32
        %lt3A_806 = arith.constant 0 : i32
        %lt3A_807 = arith.cmpi slt, %rem3A_803, %lt3A_806 : i32
        %lt3A_808 = arith.constant 0 : i32
        %lt3A_809 = arith.cmpi slt, %select_n3A_802, %lt3A_808 : i32
        %ne3A_810 = arith.xori %lt3A_807, %lt3A_809 : i1
        %and3A_811 = arith.andi %ne3A_810, %ne3A_805 : i1
        %add3A_812 = arith.addi %rem3A_803, %select_n3A_802 : i32
        %select_n3A_813 = arith.select %and3A_811, %add3A_812, %rem3A_803 : i32
        %get3A_814 = arith.index_cast %select_n3A_813 : i32 to index
        %get3A_815 = arith.index_cast %scan3A_751 : i32 to index
        %get3A_816 = arith.constant 32 : index
        %get3A_817 = tpu.vector_load %arg9[%get3A_814, %get3A_815, %get3A_816] {strides = array<i32>} : memref<4x208x64xf32, #tpu.memory_space<vmem>>, vector<16xf32>,
        %add3A_818 = arith.addf %scan3A_754, %get3A_817 : vector<16xf32>
        %jit3A_819 = arith.constant 4 : i32
        %eq3A_820 = arith.constant 0 : i32
        %eq3A_821 = arith.cmpi eq, %jit3A_819, %eq3A_820 : i32
        %jit3A_822 = arith.constant 1 : i32
        %select_n3A_823 = arith.select %eq3A_821, %jit3A_822, %jit3A_819 : i32
        %rem3A_824 = arith.remsi %scan3A_337, %select_n3A_823 : i32
        %ne3A_825 = arith.constant 0 : i32
        %ne3A_826 = arith.cmpi ne, %rem3A_824, %ne3A_825 : i32
        %lt3A_827 = arith.constant 0 : i32
        %lt3A_828 = arith.cmpi slt, %rem3A_824, %lt3A_827 : i32
        %lt3A_829 = arith.constant 0 : i32
        %lt3A_830 = arith.cmpi slt, %select_n3A_823, %lt3A_829 : i32
        %ne3A_831 = arith.xori %lt3A_828, %lt3A_830 : i1
        %and3A_832 = arith.andi %ne3A_831, %ne3A_826 : i1
        %add3A_833 = arith.addi %rem3A_824, %select_n3A_823 : i32
        %select_n3A_834 = arith.select %and3A_832, %add3A_833, %rem3A_824 : i32
        %get3A_835 = arith.index_cast %select_n3A_834 : i32 to index
        %get3A_836 = arith.index_cast %scan3A_751 : i32 to index
        %get3A_837 = arith.constant 48 : index
        %get3A_838 = tpu.vector_load %arg9[%get3A_835, %get3A_836, %get3A_837] {strides = array<i32>} : memref<4x208x64xf32, #tpu.memory_space<vmem>>, vector<16xf32>,
        %add3A_839 = arith.addf %scan3A_755, %get3A_838 : vector<16xf32>
        %scan3A_840 = arith.constant 1 : i32
        %scan3A_841 = arith.addi %scan3A_751, %scan3A_840 : i32
        %jit3A_842 = arith.constant 4 : i32
        %eq3A_843 = arith.constant 0 : i32
        %eq3A_844 = arith.cmpi eq, %jit3A_842, %eq3A_843 : i32
        %jit3A_845 = arith.constant 1 : i32
        %select_n3A_846 = arith.select %eq3A_844, %jit3A_845, %jit3A_842 : i32
        %rem3A_847 = arith.remsi %scan3A_337, %select_n3A_846 : i32
        %ne3A_848 = arith.constant 0 : i32
        %ne3A_849 = arith.cmpi ne, %rem3A_847, %ne3A_848 : i32
        %lt3A_850 = arith.constant 0 : i32
        %lt3A_851 = arith.cmpi slt, %rem3A_847, %lt3A_850 : i32
        %lt3A_852 = arith.constant 0 : i32
        %lt3A_853 = arith.cmpi slt, %select_n3A_846, %lt3A_852 : i32
        %ne3A_854 = arith.xori %lt3A_851, %lt3A_853 : i1
        %and3A_855 = arith.andi %ne3A_854, %ne3A_849 : i1
        %add3A_856 = arith.addi %rem3A_847, %select_n3A_846 : i32
        %select_n3A_857 = arith.select %and3A_855, %add3A_856, %rem3A_847 : i32
        %get3A_858 = arith.index_cast %select_n3A_857 : i32 to index
        %get3A_859 = arith.index_cast %scan3A_841 : i32 to index
        %get3A_860 = arith.constant 0 : index
        %get3A_861 = tpu.vector_load %arg9[%get3A_858, %get3A_859, %get3A_860] {strides = array<i32>} : memref<4x208x64xf32, #tpu.memory_space<vmem>>, vector<16xf32>,
        %add3A_862 = arith.addf %add3A_776, %get3A_861 : vector<16xf32>
        %jit3A_863 = arith.constant 4 : i32
        %eq3A_864 = arith.constant 0 : i32
        %eq3A_865 = arith.cmpi eq, %jit3A_863, %eq3A_864 : i32
        %jit3A_866 = arith.constant 1 : i32
        %select_n3A_867 = arith.select %eq3A_865, %jit3A_866, %jit3A_863 : i32
        %rem3A_868 = arith.remsi %scan3A_337, %select_n3A_867 : i32
        %ne3A_869 = arith.constant 0 : i32
        %ne3A_870 = arith.cmpi ne, %rem3A_868, %ne3A_869 : i32
        %lt3A_871 = arith.constant 0 : i32
        %lt3A_872 = arith.cmpi slt, %rem3A_868, %lt3A_871 : i32
        %lt3A_873 = arith.constant 0 : i32
        %lt3A_874 = arith.cmpi slt, %select_n3A_867, %lt3A_873 : i32
        %ne3A_875 = arith.xori %lt3A_872, %lt3A_874 : i1
        %and3A_876 = arith.andi %ne3A_875, %ne3A_870 : i1
        %add3A_877 = arith.addi %rem3A_868, %select_n3A_867 : i32
        %select_n3A_878 = arith.select %and3A_876, %add3A_877, %rem3A_868 : i32
        %get3A_879 = arith.index_cast %select_n3A_878 : i32 to index
        %get3A_880 = arith.index_cast %scan3A_841 : i32 to index
        %get3A_881 = arith.constant 16 : index
        %get3A_882 = tpu.vector_load %arg9[%get3A_879, %get3A_880, %get3A_881] {strides = array<i32>} : memref<4x208x64xf32, #tpu.memory_space<vmem>>, vector<16xf32>,
        %add3A_883 = arith.addf %add3A_797, %get3A_882 : vector<16xf32>
        %jit3A_884 = arith.constant 4 : i32
        %eq3A_885 = arith.constant 0 : i32
        %eq3A_886 = arith.cmpi eq, %jit3A_884, %eq3A_885 : i32
        %jit3A_887 = arith.constant 1 : i32
        %select_n3A_888 = arith.select %eq3A_886, %jit3A_887, %jit3A_884 : i32
        %rem3A_889 = arith.remsi %scan3A_337, %select_n3A_888 : i32
        %ne3A_890 = arith.constant 0 : i32
        %ne3A_891 = arith.cmpi ne, %rem3A_889, %ne3A_890 : i32
        %lt3A_892 = arith.constant 0 : i32
        %lt3A_893 = arith.cmpi slt, %rem3A_889, %lt3A_892 : i32
        %lt3A_894 = arith.constant 0 : i32
        %lt3A_895 = arith.cmpi slt, %select_n3A_888, %lt3A_894 : i32
        %ne3A_896 = arith.xori %lt3A_893, %lt3A_895 : i1
        %and3A_897 = arith.andi %ne3A_896, %ne3A_891 : i1
        %add3A_898 = arith.addi %rem3A_889, %select_n3A_888 : i32
        %select_n3A_899 = arith.select %and3A_897, %add3A_898, %rem3A_889 : i32
        %get3A_900 = arith.index_cast %select_n3A_899 : i32 to index
        %get3A_901 = arith.index_cast %scan3A_841 : i32 to index
        %get3A_902 = arith.constant 32 : index
        %get3A_903 = tpu.vector_load %arg9[%get3A_900, %get3A_901, %get3A_902] {strides = array<i32>} : memref<4x208x64xf32, #tpu.memory_space<vmem>>, vector<16xf32>,
        %add3A_904 = arith.addf %add3A_818, %get3A_903 : vector<16xf32>
        %jit3A_905 = arith.constant 4 : i32
        %eq3A_906 = arith.constant 0 : i32
        %eq3A_907 = arith.cmpi eq, %jit3A_905, %eq3A_906 : i32
        %jit3A_908 = arith.constant 1 : i32
        %select_n3A_909 = arith.select %eq3A_907, %jit3A_908, %jit3A_905 : i32
        %rem3A_910 = arith.remsi %scan3A_337, %select_n3A_909 : i32
        %ne3A_911 = arith.constant 0 : i32
        %ne3A_912 = arith.cmpi ne, %rem3A_910, %ne3A_911 : i32
        %lt3A_913 = arith.constant 0 : i32
        %lt3A_914 = arith.cmpi slt, %rem3A_910, %lt3A_913 : i32
        %lt3A_915 = arith.constant 0 : i32
        %lt3A_916 = arith.cmpi slt, %select_n3A_909, %lt3A_915 : i32
        %ne3A_917 = arith.xori %lt3A_914, %lt3A_916 : i1
        %and3A_918 = arith.andi %ne3A_917, %ne3A_912 : i1
        %add3A_919 = arith.addi %rem3A_910, %select_n3A_909 : i32
        %select_n3A_920 = arith.select %and3A_918, %add3A_919, %rem3A_910 : i32
        %get3A_921 = arith.index_cast %select_n3A_920 : i32 to index
        %get3A_922 = arith.index_cast %scan3A_841 : i32 to index
        %get3A_923 = arith.constant 48 : index
        %get3A_924 = tpu.vector_load %arg9[%get3A_921, %get3A_922, %get3A_923] {strides = array<i32>} : memref<4x208x64xf32, #tpu.memory_space<vmem>>, vector<16xf32>,
        %add3A_925 = arith.addf %add3A_839, %get3A_924 : vector<16xf32>
        %scan3A_926 = arith.constant 2 : i32
        %scan3A_927 = arith.addi %scan3A_751, %scan3A_926 : i32
        %jit3A_928 = arith.constant 4 : i32
        %eq3A_929 = arith.constant 0 : i32
        %eq3A_930 = arith.cmpi eq, %jit3A_928, %eq3A_929 : i32
        %jit3A_931 = arith.constant 1 : i32
        %select_n3A_932 = arith.select %eq3A_930, %jit3A_931, %jit3A_928 : i32
        %rem3A_933 = arith.remsi %scan3A_337, %select_n3A_932 : i32
        %ne3A_934 = arith.constant 0 : i32
        %ne3A_935 = arith.cmpi ne, %rem3A_933, %ne3A_934 : i32
        %lt3A_936 = arith.constant 0 : i32
        %lt3A_937 = arith.cmpi slt, %rem3A_933, %lt3A_936 : i32
        %lt3A_938 = arith.constant 0 : i32
        %lt3A_939 = arith.cmpi slt, %select_n3A_932, %lt3A_938 : i32
        %ne3A_940 = arith.xori %lt3A_937, %lt3A_939 : i1
        %and3A_941 = arith.andi %ne3A_940, %ne3A_935 : i1
        %add3A_942 = arith.addi %rem3A_933, %select_n3A_932 : i32
        %select_n3A_943 = arith.select %and3A_941, %add3A_942, %rem3A_933 : i32
        %get3A_944 = arith.index_cast %select_n3A_943 : i32 to index
        %get3A_945 = arith.index_cast %scan3A_927 : i32 to index
        %get3A_946 = arith.constant 0 : index
        %get3A_947 = tpu.vector_load %arg9[%get3A_944, %get3A_945, %get3A_946] {strides = array<i32>} : memref<4x208x64xf32, #tpu.memory_space<vmem>>, vector<16xf32>,
        %add3A_948 = arith.addf %add3A_862, %get3A_947 : vector<16xf32>
        %jit3A_949 = arith.constant 4 : i32
        %eq3A_950 = arith.constant 0 : i32
        %eq3A_951 = arith.cmpi eq, %jit3A_949, %eq3A_950 : i32
        %jit3A_952 = arith.constant 1 : i32
        %select_n3A_953 = arith.select %eq3A_951, %jit3A_952, %jit3A_949 : i32
        %rem3A_954 = arith.remsi %scan3A_337, %select_n3A_953 : i32
        %ne3A_955 = arith.constant 0 : i32
        %ne3A_956 = arith.cmpi ne, %rem3A_954, %ne3A_955 : i32
        %lt3A_957 = arith.constant 0 : i32
        %lt3A_958 = arith.cmpi slt, %rem3A_954, %lt3A_957 : i32
        %lt3A_959 = arith.constant 0 : i32
        %lt3A_960 = arith.cmpi slt, %select_n3A_953, %lt3A_959 : i32
        %ne3A_961 = arith.xori %lt3A_958, %lt3A_960 : i1
        %and3A_962 = arith.andi %ne3A_961, %ne3A_956 : i1
        %add3A_963 = arith.addi %rem3A_954, %select_n3A_953 : i32
        %select_n3A_964 = arith.select %and3A_962, %add3A_963, %rem3A_954 : i32
        %get3A_965 = arith.index_cast %select_n3A_964 : i32 to index
        %get3A_966 = arith.index_cast %scan3A_927 : i32 to index
        %get3A_967 = arith.constant 16 : index
        %get3A_968 = tpu.vector_load %arg9[%get3A_965, %get3A_966, %get3A_967] {strides = array<i32>} : memref<4x208x64xf32, #tpu.memory_space<vmem>>, vector<16xf32>,
        %add3A_969 = arith.addf %add3A_883, %get3A_968 : vector<16xf32>
        %jit3A_970 = arith.constant 4 : i32
        %eq3A_971 = arith.constant 0 : i32
        %eq3A_972 = arith.cmpi eq, %jit3A_970, %eq3A_971 : i32
        %jit3A_973 = arith.constant 1 : i32
        %select_n3A_974 = arith.select %eq3A_972, %jit3A_973, %jit3A_970 : i32
        %rem3A_975 = arith.remsi %scan3A_337, %select_n3A_974 : i32
        %ne3A_976 = arith.constant 0 : i32
        %ne3A_977 = arith.cmpi ne, %rem3A_975, %ne3A_976 : i32
        %lt3A_978 = arith.constant 0 : i32
        %lt3A_979 = arith.cmpi slt, %rem3A_975, %lt3A_978 : i32
        %lt3A_980 = arith.constant 0 : i32
        %lt3A_981 = arith.cmpi slt, %select_n3A_974, %lt3A_980 : i32
        %ne3A_982 = arith.xori %lt3A_979, %lt3A_981 : i1
        %and3A_983 = arith.andi %ne3A_982, %ne3A_977 : i1
        %add3A_984 = arith.addi %rem3A_975, %select_n3A_974 : i32
        %select_n3A_985 = arith.select %and3A_983, %add3A_984, %rem3A_975 : i32
        %get3A_986 = arith.index_cast %select_n3A_985 : i32 to index
        %get3A_987 = arith.index_cast %scan3A_927 : i32 to index
        %get3A_988 = arith.constant 32 : index
        %get3A_989 = tpu.vector_load %arg9[%get3A_986, %get3A_987, %get3A_988] {strides = array<i32>} : memref<4x208x64xf32, #tpu.memory_space<vmem>>, vector<16xf32>,
        %add3A_990 = arith.addf %add3A_904, %get3A_989 : vector<16xf32>
        %jit3A_991 = arith.constant 4 : i32
        %eq3A_992 = arith.constant 0 : i32
        %eq3A_993 = arith.cmpi eq, %jit3A_991, %eq3A_992 : i32
        %jit3A_994 = arith.constant 1 : i32
        %select_n3A_995 = arith.select %eq3A_993, %jit3A_994, %jit3A_991 : i32
        %rem3A_996 = arith.remsi %scan3A_337, %select_n3A_995 : i32
        %ne3A_997 = arith.constant 0 : i32
        %ne3A_998 = arith.cmpi ne, %rem3A_996, %ne3A_997 : i32
        %lt3A_999 = arith.constant 0 : i32
        %lt3A_1000 = arith.cmpi slt, %rem3A_996, %lt3A_999 : i32
        %lt3A_1001 = arith.constant 0 : i32
        %lt3A_1002 = arith.cmpi slt, %select_n3A_995, %lt3A_1001 : i32
        %ne3A_1003 = arith.xori %lt3A_1000, %lt3A_1002 : i1
        %and3A_1004 = arith.andi %ne3A_1003, %ne3A_998 : i1
        %add3A_1005 = arith.addi %rem3A_996, %select_n3A_995 : i32
        %select_n3A_1006 = arith.select %and3A_1004, %add3A_1005, %rem3A_996 : i32
        %get3A_1007 = arith.index_cast %select_n3A_1006 : i32 to index
        %get3A_1008 = arith.index_cast %scan3A_927 : i32 to index
        %get3A_1009 = arith.constant 48 : index
        %get3A_1010 = tpu.vector_load %arg9[%get3A_1007, %get3A_1008, %get3A_1009] {strides = array<i32>} : memref<4x208x64xf32, #tpu.memory_space<vmem>>, vector<16xf32>,
        %add3A_1011 = arith.addf %add3A_925, %get3A_1010 : vector<16xf32>
        %scan3A_1012 = arith.constant 3 : i32
        %scan3A_1013 = arith.addi %scan3A_751, %scan3A_1012 : i32
        %jit3A_1014 = arith.constant 4 : i32
        %eq3A_1015 = arith.constant 0 : i32
        %eq3A_1016 = arith.cmpi eq, %jit3A_1014, %eq3A_1015 : i32
        %jit3A_1017 = arith.constant 1 : i32
        %select_n3A_1018 = arith.select %eq3A_1016, %jit3A_1017, %jit3A_1014 : i32
        %rem3A_1019 = arith.remsi %scan3A_337, %select_n3A_1018 : i32
        %ne3A_1020 = arith.constant 0 : i32
        %ne3A_1021 = arith.cmpi ne, %rem3A_1019, %ne3A_1020 : i32
        %lt3A_1022 = arith.constant 0 : i32
        %lt3A_1023 = arith.cmpi slt, %rem3A_1019, %lt3A_1022 : i32
        %lt3A_1024 = arith.constant 0 : i32
        %lt3A_1025 = arith.cmpi slt, %select_n3A_1018, %lt3A_1024 : i32
        %ne3A_1026 = arith.xori %lt3A_1023, %lt3A_1025 : i1
        %and3A_1027 = arith.andi %ne3A_1026, %ne3A_1021 : i1
        %add3A_1028 = arith.addi %rem3A_1019, %select_n3A_1018 : i32
        %select_n3A_1029 = arith.select %and3A_1027, %add3A_1028, %rem3A_1019 : i32
        %get3A_1030 = arith.index_cast %select_n3A_1029 : i32 to index
        %get3A_1031 = arith.index_cast %scan3A_1013 : i32 to index
        %get3A_1032 = arith.constant 0 : index
        %get3A_1033 = tpu.vector_load %arg9[%get3A_1030, %get3A_1031, %get3A_1032] {strides = array<i32>} : memref<4x208x64xf32, #tpu.memory_space<vmem>>, vector<16xf32>,
        %add3A_1034 = arith.addf %add3A_948, %get3A_1033 : vector<16xf32>
        %jit3A_1035 = arith.constant 4 : i32
        %eq3A_1036 = arith.constant 0 : i32
        %eq3A_1037 = arith.cmpi eq, %jit3A_1035, %eq3A_1036 : i32
        %jit3A_1038 = arith.constant 1 : i32
        %select_n3A_1039 = arith.select %eq3A_1037, %jit3A_1038, %jit3A_1035 : i32
        %rem3A_1040 = arith.remsi %scan3A_337, %select_n3A_1039 : i32
        %ne3A_1041 = arith.constant 0 : i32
        %ne3A_1042 = arith.cmpi ne, %rem3A_1040, %ne3A_1041 : i32
        %lt3A_1043 = arith.constant 0 : i32
        %lt3A_1044 = arith.cmpi slt, %rem3A_1040, %lt3A_1043 : i32
        %lt3A_1045 = arith.constant 0 : i32
        %lt3A_1046 = arith.cmpi slt, %select_n3A_1039, %lt3A_1045 : i32
        %ne3A_1047 = arith.xori %lt3A_1044, %lt3A_1046 : i1
        %and3A_1048 = arith.andi %ne3A_1047, %ne3A_1042 : i1
        %add3A_1049 = arith.addi %rem3A_1040, %select_n3A_1039 : i32
        %select_n3A_1050 = arith.select %and3A_1048, %add3A_1049, %rem3A_1040 : i32
        %get3A_1051 = arith.index_cast %select_n3A_1050 : i32 to index
        %get3A_1052 = arith.index_cast %scan3A_1013 : i32 to index
        %get3A_1053 = arith.constant 16 : index
        %get3A_1054 = tpu.vector_load %arg9[%get3A_1051, %get3A_1052, %get3A_1053] {strides = array<i32>} : memref<4x208x64xf32, #tpu.memory_space<vmem>>, vector<16xf32>,
        %add3A_1055 = arith.addf %add3A_969, %get3A_1054 : vector<16xf32>
        %jit3A_1056 = arith.constant 4 : i32
        %eq3A_1057 = arith.constant 0 : i32
        %eq3A_1058 = arith.cmpi eq, %jit3A_1056, %eq3A_1057 : i32
        %jit3A_1059 = arith.constant 1 : i32
        %select_n3A_1060 = arith.select %eq3A_1058, %jit3A_1059, %jit3A_1056 : i32
        %rem3A_1061 = arith.remsi %scan3A_337, %select_n3A_1060 : i32
        %ne3A_1062 = arith.constant 0 : i32
        %ne3A_1063 = arith.cmpi ne, %rem3A_1061, %ne3A_1062 : i32
        %lt3A_1064 = arith.constant 0 : i32
        %lt3A_1065 = arith.cmpi slt, %rem3A_1061, %lt3A_1064 : i32
        %lt3A_1066 = arith.constant 0 : i32
        %lt3A_1067 = arith.cmpi slt, %select_n3A_1060, %lt3A_1066 : i32
        %ne3A_1068 = arith.xori %lt3A_1065, %lt3A_1067 : i1
        %and3A_1069 = arith.andi %ne3A_1068, %ne3A_1063 : i1
        %add3A_1070 = arith.addi %rem3A_1061, %select_n3A_1060 : i32
        %select_n3A_1071 = arith.select %and3A_1069, %add3A_1070, %rem3A_1061 : i32
        %get3A_1072 = arith.index_cast %select_n3A_1071 : i32 to index
        %get3A_1073 = arith.index_cast %scan3A_1013 : i32 to index
        %get3A_1074 = arith.constant 32 : index
        %get3A_1075 = tpu.vector_load %arg9[%get3A_1072, %get3A_1073, %get3A_1074] {strides = array<i32>} : memref<4x208x64xf32, #tpu.memory_space<vmem>>, vector<16xf32>,
        %add3A_1076 = arith.addf %add3A_990, %get3A_1075 : vector<16xf32>
        %jit3A_1077 = arith.constant 4 : i32
        %eq3A_1078 = arith.constant 0 : i32
        %eq3A_1079 = arith.cmpi eq, %jit3A_1077, %eq3A_1078 : i32
        %jit3A_1080 = arith.constant 1 : i32
        %select_n3A_1081 = arith.select %eq3A_1079, %jit3A_1080, %jit3A_1077 : i32
        %rem3A_1082 = arith.remsi %scan3A_337, %select_n3A_1081 : i32
        %ne3A_1083 = arith.constant 0 : i32
        %ne3A_1084 = arith.cmpi ne, %rem3A_1082, %ne3A_1083 : i32
        %lt3A_1085 = arith.constant 0 : i32
        %lt3A_1086 = arith.cmpi slt, %rem3A_1082, %lt3A_1085 : i32
        %lt3A_1087 = arith.constant 0 : i32
        %lt3A_1088 = arith.cmpi slt, %select_n3A_1081, %lt3A_1087 : i32
        %ne3A_1089 = arith.xori %lt3A_1086, %lt3A_1088 : i1
        %and3A_1090 = arith.andi %ne3A_1089, %ne3A_1084 : i1
        %add3A_1091 = arith.addi %rem3A_1082, %select_n3A_1081 : i32
        %select_n3A_1092 = arith.select %and3A_1090, %add3A_1091, %rem3A_1082 : i32
        %get3A_1093 = arith.index_cast %select_n3A_1092 : i32 to index
        %get3A_1094 = arith.index_cast %scan3A_1013 : i32 to index
        %get3A_1095 = arith.constant 48 : index
        %get3A_1096 = tpu.vector_load %arg9[%get3A_1093, %get3A_1094, %get3A_1095] {strides = array<i32>} : memref<4x208x64xf32, #tpu.memory_space<vmem>>, vector<16xf32>,
        %add3A_1097 = arith.addf %add3A_1011, %get3A_1096 : vector<16xf32>
        %scan3A_1098 = arith.constant 4 : i32
        %scan3A_1099 = arith.addi %scan3A_751, %scan3A_1098 : i32
        %jit3A_1100 = arith.constant 4 : i32
        %eq3A_1101 = arith.constant 0 : i32
        %eq3A_1102 = arith.cmpi eq, %jit3A_1100, %eq3A_1101 : i32
        %jit3A_1103 = arith.constant 1 : i32
        %select_n3A_1104 = arith.select %eq3A_1102, %jit3A_1103, %jit3A_1100 : i32
        %rem3A_1105 = arith.remsi %scan3A_337, %select_n3A_1104 : i32
        %ne3A_1106 = arith.constant 0 : i32
        %ne3A_1107 = arith.cmpi ne, %rem3A_1105, %ne3A_1106 : i32
        %lt3A_1108 = arith.constant 0 : i32
        %lt3A_1109 = arith.cmpi slt, %rem3A_1105, %lt3A_1108 : i32
        %lt3A_1110 = arith.constant 0 : i32
        %lt3A_1111 = arith.cmpi slt, %select_n3A_1104, %lt3A_1110 : i32
        %ne3A_1112 = arith.xori %lt3A_1109, %lt3A_1111 : i1
        %and3A_1113 = arith.andi %ne3A_1112, %ne3A_1107 : i1
        %add3A_1114 = arith.addi %rem3A_1105, %select_n3A_1104 : i32
        %select_n3A_1115 = arith.select %and3A_1113, %add3A_1114, %rem3A_1105 : i32
        %get3A_1116 = arith.index_cast %select_n3A_1115 : i32 to index
        %get3A_1117 = arith.index_cast %scan3A_1099 : i32 to index
        %get3A_1118 = arith.constant 0 : index
        %get3A_1119 = tpu.vector_load %arg9[%get3A_1116, %get3A_1117, %get3A_1118] {strides = array<i32>} : memref<4x208x64xf32, #tpu.memory_space<vmem>>, vector<16xf32>,
        %add3A_1120 = arith.addf %add3A_1034, %get3A_1119 : vector<16xf32>
        %jit3A_1121 = arith.constant 4 : i32
        %eq3A_1122 = arith.constant 0 : i32
        %eq3A_1123 = arith.cmpi eq, %jit3A_1121, %eq3A_1122 : i32
        %jit3A_1124 = arith.constant 1 : i32
        %select_n3A_1125 = arith.select %eq3A_1123, %jit3A_1124, %jit3A_1121 : i32
        %rem3A_1126 = arith.remsi %scan3A_337, %select_n3A_1125 : i32
        %ne3A_1127 = arith.constant 0 : i32
        %ne3A_1128 = arith.cmpi ne, %rem3A_1126, %ne3A_1127 : i32
        %lt3A_1129 = arith.constant 0 : i32
        %lt3A_1130 = arith.cmpi slt, %rem3A_1126, %lt3A_1129 : i32
        %lt3A_1131 = arith.constant 0 : i32
        %lt3A_1132 = arith.cmpi slt, %select_n3A_1125, %lt3A_1131 : i32
        %ne3A_1133 = arith.xori %lt3A_1130, %lt3A_1132 : i1
        %and3A_1134 = arith.andi %ne3A_1133, %ne3A_1128 : i1
        %add3A_1135 = arith.addi %rem3A_1126, %select_n3A_1125 : i32
        %select_n3A_1136 = arith.select %and3A_1134, %add3A_1135, %rem3A_1126 : i32
        %get3A_1137 = arith.index_cast %select_n3A_1136 : i32 to index
        %get3A_1138 = arith.index_cast %scan3A_1099 : i32 to index
        %get3A_1139 = arith.constant 16 : index
        %get3A_1140 = tpu.vector_load %arg9[%get3A_1137, %get3A_1138, %get3A_1139] {strides = array<i32>} : memref<4x208x64xf32, #tpu.memory_space<vmem>>, vector<16xf32>,
        %add3A_1141 = arith.addf %add3A_1055, %get3A_1140 : vector<16xf32>
        %jit3A_1142 = arith.constant 4 : i32
        %eq3A_1143 = arith.constant 0 : i32
        %eq3A_1144 = arith.cmpi eq, %jit3A_1142, %eq3A_1143 : i32
        %jit3A_1145 = arith.constant 1 : i32
        %select_n3A_1146 = arith.select %eq3A_1144, %jit3A_1145, %jit3A_1142 : i32
        %rem3A_1147 = arith.remsi %scan3A_337, %select_n3A_1146 : i32
        %ne3A_1148 = arith.constant 0 : i32
        %ne3A_1149 = arith.cmpi ne, %rem3A_1147, %ne3A_1148 : i32
        %lt3A_1150 = arith.constant 0 : i32
        %lt3A_1151 = arith.cmpi slt, %rem3A_1147, %lt3A_1150 : i32
        %lt3A_1152 = arith.constant 0 : i32
        %lt3A_1153 = arith.cmpi slt, %select_n3A_1146, %lt3A_1152 : i32
        %ne3A_1154 = arith.xori %lt3A_1151, %lt3A_1153 : i1
        %and3A_1155 = arith.andi %ne3A_1154, %ne3A_1149 : i1
        %add3A_1156 = arith.addi %rem3A_1147, %select_n3A_1146 : i32
        %select_n3A_1157 = arith.select %and3A_1155, %add3A_1156, %rem3A_1147 : i32
        %get3A_1158 = arith.index_cast %select_n3A_1157 : i32 to index
        %get3A_1159 = arith.index_cast %scan3A_1099 : i32 to index
        %get3A_1160 = arith.constant 32 : index
        %get3A_1161 = tpu.vector_load %arg9[%get3A_1158, %get3A_1159, %get3A_1160] {strides = array<i32>} : memref<4x208x64xf32, #tpu.memory_space<vmem>>, vector<16xf32>,
        %add3A_1162 = arith.addf %add3A_1076, %get3A_1161 : vector<16xf32>
        %jit3A_1163 = arith.constant 4 : i32
        %eq3A_1164 = arith.constant 0 : i32
        %eq3A_1165 = arith.cmpi eq, %jit3A_1163, %eq3A_1164 : i32
        %jit3A_1166 = arith.constant 1 : i32
        %select_n3A_1167 = arith.select %eq3A_1165, %jit3A_1166, %jit3A_1163 : i32
        %rem3A_1168 = arith.remsi %scan3A_337, %select_n3A_1167 : i32
        %ne3A_1169 = arith.constant 0 : i32
        %ne3A_1170 = arith.cmpi ne, %rem3A_1168, %ne3A_1169 : i32
        %lt3A_1171 = arith.constant 0 : i32
        %lt3A_1172 = arith.cmpi slt, %rem3A_1168, %lt3A_1171 : i32
        %lt3A_1173 = arith.constant 0 : i32
        %lt3A_1174 = arith.cmpi slt, %select_n3A_1167, %lt3A_1173 : i32
        %ne3A_1175 = arith.xori %lt3A_1172, %lt3A_1174 : i1
        %and3A_1176 = arith.andi %ne3A_1175, %ne3A_1170 : i1
        %add3A_1177 = arith.addi %rem3A_1168, %select_n3A_1167 : i32
        %select_n3A_1178 = arith.select %and3A_1176, %add3A_1177, %rem3A_1168 : i32
        %get3A_1179 = arith.index_cast %select_n3A_1178 : i32 to index
        %get3A_1180 = arith.index_cast %scan3A_1099 : i32 to index
        %get3A_1181 = arith.constant 48 : index
        %get3A_1182 = tpu.vector_load %arg9[%get3A_1179, %get3A_1180, %get3A_1181] {strides = array<i32>} : memref<4x208x64xf32, #tpu.memory_space<vmem>>, vector<16xf32>,
        %add3A_1183 = arith.addf %add3A_1097, %get3A_1182 : vector<16xf32>
        %scan3A_1184 = arith.constant 5 : i32
        %scan3A_1185 = arith.addi %scan3A_751, %scan3A_1184 : i32
        %jit3A_1186 = arith.constant 4 : i32
        %eq3A_1187 = arith.constant 0 : i32
        %eq3A_1188 = arith.cmpi eq, %jit3A_1186, %eq3A_1187 : i32
        %jit3A_1189 = arith.constant 1 : i32
        %select_n3A_1190 = arith.select %eq3A_1188, %jit3A_1189, %jit3A_1186 : i32
        %rem3A_1191 = arith.remsi %scan3A_337, %select_n3A_1190 : i32
        %ne3A_1192 = arith.constant 0 : i32
        %ne3A_1193 = arith.cmpi ne, %rem3A_1191, %ne3A_1192 : i32
        %lt3A_1194 = arith.constant 0 : i32
        %lt3A_1195 = arith.cmpi slt, %rem3A_1191, %lt3A_1194 : i32
        %lt3A_1196 = arith.constant 0 : i32
        %lt3A_1197 = arith.cmpi slt, %select_n3A_1190, %lt3A_1196 : i32
        %ne3A_1198 = arith.xori %lt3A_1195, %lt3A_1197 : i1
        %and3A_1199 = arith.andi %ne3A_1198, %ne3A_1193 : i1
        %add3A_1200 = arith.addi %rem3A_1191, %select_n3A_1190 : i32
        %select_n3A_1201 = arith.select %and3A_1199, %add3A_1200, %rem3A_1191 : i32
        %get3A_1202 = arith.index_cast %select_n3A_1201 : i32 to index
        %get3A_1203 = arith.index_cast %scan3A_1185 : i32 to index
        %get3A_1204 = arith.constant 0 : index
        %get3A_1205 = tpu.vector_load %arg9[%get3A_1202, %get3A_1203, %get3A_1204] {strides = array<i32>} : memref<4x208x64xf32, #tpu.memory_space<vmem>>, vector<16xf32>,
        %add3A_1206 = arith.addf %add3A_1120, %get3A_1205 : vector<16xf32>
        %jit3A_1207 = arith.constant 4 : i32
        %eq3A_1208 = arith.constant 0 : i32
        %eq3A_1209 = arith.cmpi eq, %jit3A_1207, %eq3A_1208 : i32
        %jit3A_1210 = arith.constant 1 : i32
        %select_n3A_1211 = arith.select %eq3A_1209, %jit3A_1210, %jit3A_1207 : i32
        %rem3A_1212 = arith.remsi %scan3A_337, %select_n3A_1211 : i32
        %ne3A_1213 = arith.constant 0 : i32
        %ne3A_1214 = arith.cmpi ne, %rem3A_1212, %ne3A_1213 : i32
        %lt3A_1215 = arith.constant 0 : i32
        %lt3A_1216 = arith.cmpi slt, %rem3A_1212, %lt3A_1215 : i32
        %lt3A_1217 = arith.constant 0 : i32
        %lt3A_1218 = arith.cmpi slt, %select_n3A_1211, %lt3A_1217 : i32
        %ne3A_1219 = arith.xori %lt3A_1216, %lt3A_1218 : i1
        %and3A_1220 = arith.andi %ne3A_1219, %ne3A_1214 : i1
        %add3A_1221 = arith.addi %rem3A_1212, %select_n3A_1211 : i32
        %select_n3A_1222 = arith.select %and3A_1220, %add3A_1221, %rem3A_1212 : i32
        %get3A_1223 = arith.index_cast %select_n3A_1222 : i32 to index
        %get3A_1224 = arith.index_cast %scan3A_1185 : i32 to index
        %get3A_1225 = arith.constant 16 : index
        %get3A_1226 = tpu.vector_load %arg9[%get3A_1223, %get3A_1224, %get3A_1225] {strides = array<i32>} : memref<4x208x64xf32, #tpu.memory_space<vmem>>, vector<16xf32>,
        %add3A_1227 = arith.addf %add3A_1141, %get3A_1226 : vector<16xf32>
        %jit3A_1228 = arith.constant 4 : i32
        %eq3A_1229 = arith.constant 0 : i32
        %eq3A_1230 = arith.cmpi eq, %jit3A_1228, %eq3A_1229 : i32
        %jit3A_1231 = arith.constant 1 : i32
        %select_n3A_1232 = arith.select %eq3A_1230, %jit3A_1231, %jit3A_1228 : i32
        %rem3A_1233 = arith.remsi %scan3A_337, %select_n3A_1232 : i32
        %ne3A_1234 = arith.constant 0 : i32
        %ne3A_1235 = arith.cmpi ne, %rem3A_1233, %ne3A_1234 : i32
        %lt3A_1236 = arith.constant 0 : i32
        %lt3A_1237 = arith.cmpi slt, %rem3A_1233, %lt3A_1236 : i32
        %lt3A_1238 = arith.constant 0 : i32
        %lt3A_1239 = arith.cmpi slt, %select_n3A_1232, %lt3A_1238 : i32
        %ne3A_1240 = arith.xori %lt3A_1237, %lt3A_1239 : i1
        %and3A_1241 = arith.andi %ne3A_1240, %ne3A_1235 : i1
        %add3A_1242 = arith.addi %rem3A_1233, %select_n3A_1232 : i32
        %select_n3A_1243 = arith.select %and3A_1241, %add3A_1242, %rem3A_1233 : i32
        %get3A_1244 = arith.index_cast %select_n3A_1243 : i32 to index
        %get3A_1245 = arith.index_cast %scan3A_1185 : i32 to index
        %get3A_1246 = arith.constant 32 : index
        %get3A_1247 = tpu.vector_load %arg9[%get3A_1244, %get3A_1245, %get3A_1246] {strides = array<i32>} : memref<4x208x64xf32, #tpu.memory_space<vmem>>, vector<16xf32>,
        %add3A_1248 = arith.addf %add3A_1162, %get3A_1247 : vector<16xf32>
        %jit3A_1249 = arith.constant 4 : i32
        %eq3A_1250 = arith.constant 0 : i32
        %eq3A_1251 = arith.cmpi eq, %jit3A_1249, %eq3A_1250 : i32
        %jit3A_1252 = arith.constant 1 : i32
        %select_n3A_1253 = arith.select %eq3A_1251, %jit3A_1252, %jit3A_1249 : i32
        %rem3A_1254 = arith.remsi %scan3A_337, %select_n3A_1253 : i32
        %ne3A_1255 = arith.constant 0 : i32
        %ne3A_1256 = arith.cmpi ne, %rem3A_1254, %ne3A_1255 : i32
        %lt3A_1257 = arith.constant 0 : i32
        %lt3A_1258 = arith.cmpi slt, %rem3A_1254, %lt3A_1257 : i32
        %lt3A_1259 = arith.constant 0 : i32
        %lt3A_1260 = arith.cmpi slt, %select_n3A_1253, %lt3A_1259 : i32
        %ne3A_1261 = arith.xori %lt3A_1258, %lt3A_1260 : i1
        %and3A_1262 = arith.andi %ne3A_1261, %ne3A_1256 : i1
        %add3A_1263 = arith.addi %rem3A_1254, %select_n3A_1253 : i32
        %select_n3A_1264 = arith.select %and3A_1262, %add3A_1263, %rem3A_1254 : i32
        %get3A_1265 = arith.index_cast %select_n3A_1264 : i32 to index
        %get3A_1266 = arith.index_cast %scan3A_1185 : i32 to index
        %get3A_1267 = arith.constant 48 : index
        %get3A_1268 = tpu.vector_load %arg9[%get3A_1265, %get3A_1266, %get3A_1267] {strides = array<i32>} : memref<4x208x64xf32, #tpu.memory_space<vmem>>, vector<16xf32>,
        %add3A_1269 = arith.addf %add3A_1183, %get3A_1268 : vector<16xf32>
        %scan3A_1270 = arith.constant 6 : i32
        %scan3A_1271 = arith.addi %scan3A_751, %scan3A_1270 : i32
        %jit3A_1272 = arith.constant 4 : i32
        %eq3A_1273 = arith.constant 0 : i32
        %eq3A_1274 = arith.cmpi eq, %jit3A_1272, %eq3A_1273 : i32
        %jit3A_1275 = arith.constant 1 : i32
        %select_n3A_1276 = arith.select %eq3A_1274, %jit3A_1275, %jit3A_1272 : i32
        %rem3A_1277 = arith.remsi %scan3A_337, %select_n3A_1276 : i32
        %ne3A_1278 = arith.constant 0 : i32
        %ne3A_1279 = arith.cmpi ne, %rem3A_1277, %ne3A_1278 : i32
        %lt3A_1280 = arith.constant 0 : i32
        %lt3A_1281 = arith.cmpi slt, %rem3A_1277, %lt3A_1280 : i32
        %lt3A_1282 = arith.constant 0 : i32
        %lt3A_1283 = arith.cmpi slt, %select_n3A_1276, %lt3A_1282 : i32
        %ne3A_1284 = arith.xori %lt3A_1281, %lt3A_1283 : i1
        %and3A_1285 = arith.andi %ne3A_1284, %ne3A_1279 : i1
        %add3A_1286 = arith.addi %rem3A_1277, %select_n3A_1276 : i32
        %select_n3A_1287 = arith.select %and3A_1285, %add3A_1286, %rem3A_1277 : i32
        %get3A_1288 = arith.index_cast %select_n3A_1287 : i32 to index
        %get3A_1289 = arith.index_cast %scan3A_1271 : i32 to index
        %get3A_1290 = arith.constant 0 : index
        %get3A_1291 = tpu.vector_load %arg9[%get3A_1288, %get3A_1289, %get3A_1290] {strides = array<i32>} : memref<4x208x64xf32, #tpu.memory_space<vmem>>, vector<16xf32>,
        %add3A_1292 = arith.addf %add3A_1206, %get3A_1291 : vector<16xf32>
        %jit3A_1293 = arith.constant 4 : i32
        %eq3A_1294 = arith.constant 0 : i32
        %eq3A_1295 = arith.cmpi eq, %jit3A_1293, %eq3A_1294 : i32
        %jit3A_1296 = arith.constant 1 : i32
        %select_n3A_1297 = arith.select %eq3A_1295, %jit3A_1296, %jit3A_1293 : i32
        %rem3A_1298 = arith.remsi %scan3A_337, %select_n3A_1297 : i32
        %ne3A_1299 = arith.constant 0 : i32
        %ne3A_1300 = arith.cmpi ne, %rem3A_1298, %ne3A_1299 : i32
        %lt3A_1301 = arith.constant 0 : i32
        %lt3A_1302 = arith.cmpi slt, %rem3A_1298, %lt3A_1301 : i32
        %lt3A_1303 = arith.constant 0 : i32
        %lt3A_1304 = arith.cmpi slt, %select_n3A_1297, %lt3A_1303 : i32
        %ne3A_1305 = arith.xori %lt3A_1302, %lt3A_1304 : i1
        %and3A_1306 = arith.andi %ne3A_1305, %ne3A_1300 : i1
        %add3A_1307 = arith.addi %rem3A_1298, %select_n3A_1297 : i32
        %select_n3A_1308 = arith.select %and3A_1306, %add3A_1307, %rem3A_1298 : i32
        %get3A_1309 = arith.index_cast %select_n3A_1308 : i32 to index
        %get3A_1310 = arith.index_cast %scan3A_1271 : i32 to index
        %get3A_1311 = arith.constant 16 : index
        %get3A_1312 = tpu.vector_load %arg9[%get3A_1309, %get3A_1310, %get3A_1311] {strides = array<i32>} : memref<4x208x64xf32, #tpu.memory_space<vmem>>, vector<16xf32>,
        %add3A_1313 = arith.addf %add3A_1227, %get3A_1312 : vector<16xf32>
        %jit3A_1314 = arith.constant 4 : i32
        %eq3A_1315 = arith.constant 0 : i32
        %eq3A_1316 = arith.cmpi eq, %jit3A_1314, %eq3A_1315 : i32
        %jit3A_1317 = arith.constant 1 : i32
        %select_n3A_1318 = arith.select %eq3A_1316, %jit3A_1317, %jit3A_1314 : i32
        %rem3A_1319 = arith.remsi %scan3A_337, %select_n3A_1318 : i32
        %ne3A_1320 = arith.constant 0 : i32
        %ne3A_1321 = arith.cmpi ne, %rem3A_1319, %ne3A_1320 : i32
        %lt3A_1322 = arith.constant 0 : i32
        %lt3A_1323 = arith.cmpi slt, %rem3A_1319, %lt3A_1322 : i32
        %lt3A_1324 = arith.constant 0 : i32
        %lt3A_1325 = arith.cmpi slt, %select_n3A_1318, %lt3A_1324 : i32
        %ne3A_1326 = arith.xori %lt3A_1323, %lt3A_1325 : i1
        %and3A_1327 = arith.andi %ne3A_1326, %ne3A_1321 : i1
        %add3A_1328 = arith.addi %rem3A_1319, %select_n3A_1318 : i32
        %select_n3A_1329 = arith.select %and3A_1327, %add3A_1328, %rem3A_1319 : i32
        %get3A_1330 = arith.index_cast %select_n3A_1329 : i32 to index
        %get3A_1331 = arith.index_cast %scan3A_1271 : i32 to index
        %get3A_1332 = arith.constant 32 : index
        %get3A_1333 = tpu.vector_load %arg9[%get3A_1330, %get3A_1331, %get3A_1332] {strides = array<i32>} : memref<4x208x64xf32, #tpu.memory_space<vmem>>, vector<16xf32>,
        %add3A_1334 = arith.addf %add3A_1248, %get3A_1333 : vector<16xf32>
        %jit3A_1335 = arith.constant 4 : i32
        %eq3A_1336 = arith.constant 0 : i32
        %eq3A_1337 = arith.cmpi eq, %jit3A_1335, %eq3A_1336 : i32
        %jit3A_1338 = arith.constant 1 : i32
        %select_n3A_1339 = arith.select %eq3A_1337, %jit3A_1338, %jit3A_1335 : i32
        %rem3A_1340 = arith.remsi %scan3A_337, %select_n3A_1339 : i32
        %ne3A_1341 = arith.constant 0 : i32
        %ne3A_1342 = arith.cmpi ne, %rem3A_1340, %ne3A_1341 : i32
        %lt3A_1343 = arith.constant 0 : i32
        %lt3A_1344 = arith.cmpi slt, %rem3A_1340, %lt3A_1343 : i32
        %lt3A_1345 = arith.constant 0 : i32
        %lt3A_1346 = arith.cmpi slt, %select_n3A_1339, %lt3A_1345 : i32
        %ne3A_1347 = arith.xori %lt3A_1344, %lt3A_1346 : i1
        %and3A_1348 = arith.andi %ne3A_1347, %ne3A_1342 : i1
        %add3A_1349 = arith.addi %rem3A_1340, %select_n3A_1339 : i32
        %select_n3A_1350 = arith.select %and3A_1348, %add3A_1349, %rem3A_1340 : i32
        %get3A_1351 = arith.index_cast %select_n3A_1350 : i32 to index
        %get3A_1352 = arith.index_cast %scan3A_1271 : i32 to index
        %get3A_1353 = arith.constant 48 : index
        %get3A_1354 = tpu.vector_load %arg9[%get3A_1351, %get3A_1352, %get3A_1353] {strides = array<i32>} : memref<4x208x64xf32, #tpu.memory_space<vmem>>, vector<16xf32>,
        %add3A_1355 = arith.addf %add3A_1269, %get3A_1354 : vector<16xf32>
        %scan3A_1356 = arith.constant 7 : i32
        %scan3A_1357 = arith.addi %scan3A_751, %scan3A_1356 : i32
        %jit3A_1358 = arith.constant 4 : i32
        %eq3A_1359 = arith.constant 0 : i32
        %eq3A_1360 = arith.cmpi eq, %jit3A_1358, %eq3A_1359 : i32
        %jit3A_1361 = arith.constant 1 : i32
        %select_n3A_1362 = arith.select %eq3A_1360, %jit3A_1361, %jit3A_1358 : i32
        %rem3A_1363 = arith.remsi %scan3A_337, %select_n3A_1362 : i32
        %ne3A_1364 = arith.constant 0 : i32
        %ne3A_1365 = arith.cmpi ne, %rem3A_1363, %ne3A_1364 : i32
        %lt3A_1366 = arith.constant 0 : i32
        %lt3A_1367 = arith.cmpi slt, %rem3A_1363, %lt3A_1366 : i32
        %lt3A_1368 = arith.constant 0 : i32
        %lt3A_1369 = arith.cmpi slt, %select_n3A_1362, %lt3A_1368 : i32
        %ne3A_1370 = arith.xori %lt3A_1367, %lt3A_1369 : i1
        %and3A_1371 = arith.andi %ne3A_1370, %ne3A_1365 : i1
        %add3A_1372 = arith.addi %rem3A_1363, %select_n3A_1362 : i32
        %select_n3A_1373 = arith.select %and3A_1371, %add3A_1372, %rem3A_1363 : i32
        %get3A_1374 = arith.index_cast %select_n3A_1373 : i32 to index
        %get3A_1375 = arith.index_cast %scan3A_1357 : i32 to index
        %get3A_1376 = arith.constant 0 : index
        %get3A_1377 = tpu.vector_load %arg9[%get3A_1374, %get3A_1375, %get3A_1376] {strides = array<i32>} : memref<4x208x64xf32, #tpu.memory_space<vmem>>, vector<16xf32>,
        %add3A_1378 = arith.addf %add3A_1292, %get3A_1377 : vector<16xf32>
        %jit3A_1379 = arith.constant 4 : i32
        %eq3A_1380 = arith.constant 0 : i32
        %eq3A_1381 = arith.cmpi eq, %jit3A_1379, %eq3A_1380 : i32
        %jit3A_1382 = arith.constant 1 : i32
        %select_n3A_1383 = arith.select %eq3A_1381, %jit3A_1382, %jit3A_1379 : i32
        %rem3A_1384 = arith.remsi %scan3A_337, %select_n3A_1383 : i32
        %ne3A_1385 = arith.constant 0 : i32
        %ne3A_1386 = arith.cmpi ne, %rem3A_1384, %ne3A_1385 : i32
        %lt3A_1387 = arith.constant 0 : i32
        %lt3A_1388 = arith.cmpi slt, %rem3A_1384, %lt3A_1387 : i32
        %lt3A_1389 = arith.constant 0 : i32
        %lt3A_1390 = arith.cmpi slt, %select_n3A_1383, %lt3A_1389 : i32
        %ne3A_1391 = arith.xori %lt3A_1388, %lt3A_1390 : i1
        %and3A_1392 = arith.andi %ne3A_1391, %ne3A_1386 : i1
        %add3A_1393 = arith.addi %rem3A_1384, %select_n3A_1383 : i32
        %select_n3A_1394 = arith.select %and3A_1392, %add3A_1393, %rem3A_1384 : i32
        %get3A_1395 = arith.index_cast %select_n3A_1394 : i32 to index
        %get3A_1396 = arith.index_cast %scan3A_1357 : i32 to index
        %get3A_1397 = arith.constant 16 : index
        %get3A_1398 = tpu.vector_load %arg9[%get3A_1395, %get3A_1396, %get3A_1397] {strides = array<i32>} : memref<4x208x64xf32, #tpu.memory_space<vmem>>, vector<16xf32>,
        %add3A_1399 = arith.addf %add3A_1313, %get3A_1398 : vector<16xf32>
        %jit3A_1400 = arith.constant 4 : i32
        %eq3A_1401 = arith.constant 0 : i32
        %eq3A_1402 = arith.cmpi eq, %jit3A_1400, %eq3A_1401 : i32
        %jit3A_1403 = arith.constant 1 : i32
        %select_n3A_1404 = arith.select %eq3A_1402, %jit3A_1403, %jit3A_1400 : i32
        %rem3A_1405 = arith.remsi %scan3A_337, %select_n3A_1404 : i32
        %ne3A_1406 = arith.constant 0 : i32
        %ne3A_1407 = arith.cmpi ne, %rem3A_1405, %ne3A_1406 : i32
        %lt3A_1408 = arith.constant 0 : i32
        %lt3A_1409 = arith.cmpi slt, %rem3A_1405, %lt3A_1408 : i32
        %lt3A_1410 = arith.constant 0 : i32
        %lt3A_1411 = arith.cmpi slt, %select_n3A_1404, %lt3A_1410 : i32
        %ne3A_1412 = arith.xori %lt3A_1409, %lt3A_1411 : i1
        %and3A_1413 = arith.andi %ne3A_1412, %ne3A_1407 : i1
        %add3A_1414 = arith.addi %rem3A_1405, %select_n3A_1404 : i32
        %select_n3A_1415 = arith.select %and3A_1413, %add3A_1414, %rem3A_1405 : i32
        %get3A_1416 = arith.index_cast %select_n3A_1415 : i32 to index
        %get3A_1417 = arith.index_cast %scan3A_1357 : i32 to index
        %get3A_1418 = arith.constant 32 : index
        %get3A_1419 = tpu.vector_load %arg9[%get3A_1416, %get3A_1417, %get3A_1418] {strides = array<i32>} : memref<4x208x64xf32, #tpu.memory_space<vmem>>, vector<16xf32>,
        %add3A_1420 = arith.addf %add3A_1334, %get3A_1419 : vector<16xf32>
        %jit3A_1421 = arith.constant 4 : i32
        %eq3A_1422 = arith.constant 0 : i32
        %eq3A_1423 = arith.cmpi eq, %jit3A_1421, %eq3A_1422 : i32
        %jit3A_1424 = arith.constant 1 : i32
        %select_n3A_1425 = arith.select %eq3A_1423, %jit3A_1424, %jit3A_1421 : i32
        %rem3A_1426 = arith.remsi %scan3A_337, %select_n3A_1425 : i32
        %ne3A_1427 = arith.constant 0 : i32
        %ne3A_1428 = arith.cmpi ne, %rem3A_1426, %ne3A_1427 : i32
        %lt3A_1429 = arith.constant 0 : i32
        %lt3A_1430 = arith.cmpi slt, %rem3A_1426, %lt3A_1429 : i32
        %lt3A_1431 = arith.constant 0 : i32
        %lt3A_1432 = arith.cmpi slt, %select_n3A_1425, %lt3A_1431 : i32
        %ne3A_1433 = arith.xori %lt3A_1430, %lt3A_1432 : i1
        %and3A_1434 = arith.andi %ne3A_1433, %ne3A_1428 : i1
        %add3A_1435 = arith.addi %rem3A_1426, %select_n3A_1425 : i32
        %select_n3A_1436 = arith.select %and3A_1434, %add3A_1435, %rem3A_1426 : i32
        %get3A_1437 = arith.index_cast %select_n3A_1436 : i32 to index
        %get3A_1438 = arith.index_cast %scan3A_1357 : i32 to index
        %get3A_1439 = arith.constant 48 : index
        %get3A_1440 = tpu.vector_load %arg9[%get3A_1437, %get3A_1438, %get3A_1439] {strides = array<i32>} : memref<4x208x64xf32, #tpu.memory_space<vmem>>, vector<16xf32>,
        %add3A_1441 = arith.addf %add3A_1355, %get3A_1440 : vector<16xf32>
        scf.yield %add3A_1378, %add3A_1399, %add3A_1420, %add3A_1441 : vector<16xf32>, vector<16xf32>, vector<16xf32>, vector<16xf32>
      }
      %scan3A_534 = arith.constant 200 : i32
      %iota3A = tpu.iota {dimensions = array<i32: 0>} : vector<16xi32>
      %swap3A_535 = arith.constant 0 : index
      %swap3A_536 = tpu.vector_load %arg12[%swap3A_535] {strides = array<i32>} : memref<16xf32, #tpu.memory_space<vmem>>, vector<16xf32>,
      tpu.vector_store %arg12[%swap3A_535], %add3A_513 {strides = array<i32>} : memref<16xf32, #tpu.memory_space<vmem>>, vector<16xf32>,
      %xor3A = arith.constant 8 : i32
      %xor3A_537 = vector.broadcast %xor3A : i32 to vector<16xi32>
      %xor3A_538 = arith.xori %iota3A, %xor3A_537 : vector<16xi32>
      %gather3A = tpu.vector_load_idx %arg12[%xor3A_538] : memref<16xf32, #tpu.memory_space<vmem>>[vector<16xi32>], vector<16xf32>,
      %add3A_539 = arith.addf %add3A_513, %gather3A : vector<16xf32>
      %swap3A_540 = arith.constant 0 : index
      %swap3A_541 = tpu.vector_load %arg12[%swap3A_540] {strides = array<i32>} : memref<16xf32, #tpu.memory_space<vmem>>, vector<16xf32>,
      tpu.vector_store %arg12[%swap3A_540], %add3A_539 {strides = array<i32>} : memref<16xf32, #tpu.memory_space<vmem>>, vector<16xf32>,
      %xor3A_542 = arith.constant 4 : i32
      %xor3A_543 = vector.broadcast %xor3A_542 : i32 to vector<16xi32>
      %xor3A_544 = arith.xori %iota3A, %xor3A_543 : vector<16xi32>
      %gather3A_545 = tpu.vector_load_idx %arg12[%xor3A_544] : memref<16xf32, #tpu.memory_space<vmem>>[vector<16xi32>], vector<16xf32>,
      %add3A_546 = arith.addf %add3A_539, %gather3A_545 : vector<16xf32>
      %swap3A_547 = arith.constant 0 : index
      %swap3A_548 = tpu.vector_load %arg12[%swap3A_547] {strides = array<i32>} : memref<16xf32, #tpu.memory_space<vmem>>, vector<16xf32>,
      tpu.vector_store %arg12[%swap3A_547], %add3A_546 {strides = array<i32>} : memref<16xf32, #tpu.memory_space<vmem>>, vector<16xf32>,
      %xor3A_549 = arith.constant 2 : i32
      %xor3A_550 = vector.broadcast %xor3A_549 : i32 to vector<16xi32>
      %xor3A_551 = arith.xori %iota3A, %xor3A_550 : vector<16xi32>
      %gather3A_552 = tpu.vector_load_idx %arg12[%xor3A_551] : memref<16xf32, #tpu.memory_space<vmem>>[vector<16xi32>], vector<16xf32>,
      %add3A_553 = arith.addf %add3A_546, %gather3A_552 : vector<16xf32>
      %swap3A_554 = arith.constant 0 : index
      %swap3A_555 = tpu.vector_load %arg12[%swap3A_554] {strides = array<i32>} : memref<16xf32, #tpu.memory_space<vmem>>, vector<16xf32>,
      tpu.vector_store %arg12[%swap3A_554], %add3A_553 {strides = array<i32>} : memref<16xf32, #tpu.memory_space<vmem>>, vector<16xf32>,
      %xor3A_556 = arith.constant 1 : i32
      %xor3A_557 = vector.broadcast %xor3A_556 : i32 to vector<16xi32>
      %xor3A_558 = arith.xori %iota3A, %xor3A_557 : vector<16xi32>
      %gather3A_559 = tpu.vector_load_idx %arg12[%xor3A_558] : memref<16xf32, #tpu.memory_space<vmem>>[vector<16xi32>], vector<16xf32>,
      %add3A_560 = arith.addf %add3A_553, %gather3A_559 : vector<16xf32>
      %max3A = arith.constant 9.99999971E-10 : f32
      %max3A_561 = vector.broadcast %max3A : f32 to vector<16xf32>
      %max3A_562 = arith.maximumf %add3A_560, %max3A_561 : vector<16xf32>
      %div3A = arith.divf %scan3A_533#0, %max3A_562 : vector<16xf32>
      %div3A_563 = arith.divf %scan3A_533#1, %max3A_562 : vector<16xf32>
      %div3A_564 = arith.divf %scan3A_533#2, %max3A_562 : vector<16xf32>
      %div3A_565 = arith.divf %scan3A_533#3, %max3A_562 : vector<16xf32>
      %add3A_566 = arith.constant 128 : i32
      %add3A_567 = arith.addi %add3A_566, %scan3A_337 : i32
      %swap3A_568 = arith.index_cast %add3A_567 : i32 to index
      %swap3A_569 = arith.constant 0 : index
      %swap3A_570 = tpu.vector_load %arg10[%swap3A_568, %swap3A_569] {strides = array<i32>} : memref<256x64xf32, #tpu.memory_space<vmem>>, vector<16xf32>,
      tpu.vector_store %arg10[%swap3A_568, %swap3A_569], %div3A {strides = array<i32>} : memref<256x64xf32, #tpu.memory_space<vmem>>, vector<16xf32>,
      %add3A_571 = arith.constant 128 : i32
      %add3A_572 = arith.addi %add3A_571, %scan3A_337 : i32
      %swap3A_573 = arith.index_cast %add3A_572 : i32 to index
      %swap3A_574 = arith.constant 16 : index
      %swap3A_575 = tpu.vector_load %arg10[%swap3A_573, %swap3A_574] {strides = array<i32>} : memref<256x64xf32, #tpu.memory_space<vmem>>, vector<16xf32>,
      tpu.vector_store %arg10[%swap3A_573, %swap3A_574], %div3A_563 {strides = array<i32>} : memref<256x64xf32, #tpu.memory_space<vmem>>, vector<16xf32>,
      %add3A_576 = arith.constant 128 : i32
      %add3A_577 = arith.addi %add3A_576, %scan3A_337 : i32
      %swap3A_578 = arith.index_cast %add3A_577 : i32 to index
      %swap3A_579 = arith.constant 32 : index
      %swap3A_580 = tpu.vector_load %arg10[%swap3A_578, %swap3A_579] {strides = array<i32>} : memref<256x64xf32, #tpu.memory_space<vmem>>, vector<16xf32>,
      tpu.vector_store %arg10[%swap3A_578, %swap3A_579], %div3A_564 {strides = array<i32>} : memref<256x64xf32, #tpu.memory_space<vmem>>, vector<16xf32>,
      %add3A_581 = arith.constant 128 : i32
      %add3A_582 = arith.addi %add3A_581, %scan3A_337 : i32
      %swap3A_583 = arith.index_cast %add3A_582 : i32 to index
      %swap3A_584 = arith.constant 48 : index
      %swap3A_585 = tpu.vector_load %arg10[%swap3A_583, %swap3A_584] {strides = array<i32>} : memref<256x64xf32, #tpu.memory_space<vmem>>, vector<16xf32>,
      tpu.vector_store %arg10[%swap3A_583, %swap3A_584], %div3A_565 {strides = array<i32>} : memref<256x64xf32, #tpu.memory_space<vmem>>, vector<16xf32>,
      %get3A_586 = arith.index_cast %scan3A_337 : i32 to index
      %get3A_587 = arith.constant 0 : index
      %get3A_588 = tpu.vector_load %arg10[%get3A_586, %get3A_587] {strides = array<i32>} : memref<256x64xf32, #tpu.memory_space<vmem>>, vector<16xf32>,
      %mul3A_589 = arith.mulf %get3A_588, %div3A : vector<16xf32>
      %add3A_590 = arith.addf %broadcast_in_dim3A_3, %mul3A_589 : vector<16xf32>
      %mul3A_591 = arith.mulf %get3A_588, %get3A_588 : vector<16xf32>
      %add3A_592 = arith.addf %broadcast_in_dim3A_3, %mul3A_591 : vector<16xf32>
      %mul3A_593 = arith.mulf %div3A, %div3A : vector<16xf32>
      %add3A_594 = arith.addf %broadcast_in_dim3A_3, %mul3A_593 : vector<16xf32>
      %get3A_595 = arith.index_cast %scan3A_337 : i32 to index
      %get3A_596 = arith.constant 16 : index
      %get3A_597 = tpu.vector_load %arg10[%get3A_595, %get3A_596] {strides = array<i32>} : memref<256x64xf32, #tpu.memory_space<vmem>>, vector<16xf32>,
      %mul3A_598 = arith.mulf %get3A_597, %div3A_563 : vector<16xf32>
      %add3A_599 = arith.addf %add3A_590, %mul3A_598 : vector<16xf32>
      %mul3A_600 = arith.mulf %get3A_597, %get3A_597 : vector<16xf32>
      %add3A_601 = arith.addf %add3A_592, %mul3A_600 : vector<16xf32>
      %mul3A_602 = arith.mulf %div3A_563, %div3A_563 : vector<16xf32>
      %add3A_603 = arith.addf %add3A_594, %mul3A_602 : vector<16xf32>
      %get3A_604 = arith.index_cast %scan3A_337 : i32 to index
      %get3A_605 = arith.constant 32 : index
      %get3A_606 = tpu.vector_load %arg10[%get3A_604, %get3A_605] {strides = array<i32>} : memref<256x64xf32, #tpu.memory_space<vmem>>, vector<16xf32>,
      %mul3A_607 = arith.mulf %get3A_606, %div3A_564 : vector<16xf32>
      %add3A_608 = arith.addf %add3A_599, %mul3A_607 : vector<16xf32>
      %mul3A_609 = arith.mulf %get3A_606, %get3A_606 : vector<16xf32>
      %add3A_610 = arith.addf %add3A_601, %mul3A_609 : vector<16xf32>
      %mul3A_611 = arith.mulf %div3A_564, %div3A_564 : vector<16xf32>
      %add3A_612 = arith.addf %add3A_603, %mul3A_611 : vector<16xf32>
      %get3A_613 = arith.index_cast %scan3A_337 : i32 to index
      %get3A_614 = arith.constant 48 : index
      %get3A_615 = tpu.vector_load %arg10[%get3A_613, %get3A_614] {strides = array<i32>} : memref<256x64xf32, #tpu.memory_space<vmem>>, vector<16xf32>,
      %mul3A_616 = arith.mulf %get3A_615, %div3A_565 : vector<16xf32>
      %add3A_617 = arith.addf %add3A_608, %mul3A_616 : vector<16xf32>
      %mul3A_618 = arith.mulf %get3A_615, %get3A_615 : vector<16xf32>
      %add3A_619 = arith.addf %add3A_610, %mul3A_618 : vector<16xf32>
      %mul3A_620 = arith.mulf %div3A_565, %div3A_565 : vector<16xf32>
      %add3A_621 = arith.addf %add3A_612, %mul3A_620 : vector<16xf32>
      %iota3A_622 = tpu.iota {dimensions = array<i32: 0>} : vector<16xi32>
      %swap3A_623 = arith.constant 0 : index
      %swap3A_624 = tpu.vector_load %arg12[%swap3A_623] {strides = array<i32>} : memref<16xf32, #tpu.memory_space<vmem>>, vector<16xf32>,
      tpu.vector_store %arg12[%swap3A_623], %add3A_619 {strides = array<i32>} : memref<16xf32, #tpu.memory_space<vmem>>, vector<16xf32>,
      %xor3A_625 = arith.constant 8 : i32
      %xor3A_626 = vector.broadcast %xor3A_625 : i32 to vector<16xi32>
      %xor3A_627 = arith.xori %iota3A_622, %xor3A_626 : vector<16xi32>
      %gather3A_628 = tpu.vector_load_idx %arg12[%xor3A_627] : memref<16xf32, #tpu.memory_space<vmem>>[vector<16xi32>], vector<16xf32>,
      %add3A_629 = arith.addf %add3A_619, %gather3A_628 : vector<16xf32>
      %swap3A_630 = arith.constant 0 : index
      %swap3A_631 = tpu.vector_load %arg12[%swap3A_630] {strides = array<i32>} : memref<16xf32, #tpu.memory_space<vmem>>, vector<16xf32>,
      tpu.vector_store %arg12[%swap3A_630], %add3A_629 {strides = array<i32>} : memref<16xf32, #tpu.memory_space<vmem>>, vector<16xf32>,
      %xor3A_632 = arith.constant 4 : i32
      %xor3A_633 = vector.broadcast %xor3A_632 : i32 to vector<16xi32>
      %xor3A_634 = arith.xori %iota3A_622, %xor3A_633 : vector<16xi32>
      %gather3A_635 = tpu.vector_load_idx %arg12[%xor3A_634] : memref<16xf32, #tpu.memory_space<vmem>>[vector<16xi32>], vector<16xf32>,
      %add3A_636 = arith.addf %add3A_629, %gather3A_635 : vector<16xf32>
      %swap3A_637 = arith.constant 0 : index
      %swap3A_638 = tpu.vector_load %arg12[%swap3A_637] {strides = array<i32>} : memref<16xf32, #tpu.memory_space<vmem>>, vector<16xf32>,
      tpu.vector_store %arg12[%swap3A_637], %add3A_636 {strides = array<i32>} : memref<16xf32, #tpu.memory_space<vmem>>, vector<16xf32>,
      %xor3A_639 = arith.constant 2 : i32
      %xor3A_640 = vector.broadcast %xor3A_639 : i32 to vector<16xi32>
      %xor3A_641 = arith.xori %iota3A_622, %xor3A_640 : vector<16xi32>
      %gather3A_642 = tpu.vector_load_idx %arg12[%xor3A_641] : memref<16xf32, #tpu.memory_space<vmem>>[vector<16xi32>], vector<16xf32>,
      %add3A_643 = arith.addf %add3A_636, %gather3A_642 : vector<16xf32>
      %swap3A_644 = arith.constant 0 : index
      %swap3A_645 = tpu.vector_load %arg12[%swap3A_644] {strides = array<i32>} : memref<16xf32, #tpu.memory_space<vmem>>, vector<16xf32>,
      tpu.vector_store %arg12[%swap3A_644], %add3A_643 {strides = array<i32>} : memref<16xf32, #tpu.memory_space<vmem>>, vector<16xf32>,
      %xor3A_646 = arith.constant 1 : i32
      %xor3A_647 = vector.broadcast %xor3A_646 : i32 to vector<16xi32>
      %xor3A_648 = arith.xori %iota3A_622, %xor3A_647 : vector<16xi32>
      %gather3A_649 = tpu.vector_load_idx %arg12[%xor3A_648] : memref<16xf32, #tpu.memory_space<vmem>>[vector<16xi32>], vector<16xf32>,
      %add3A_650 = arith.addf %add3A_643, %gather3A_649 : vector<16xf32>
      %iota3A_651 = tpu.iota {dimensions = array<i32: 0>} : vector<16xi32>
      %swap3A_652 = arith.constant 0 : index
      %swap3A_653 = tpu.vector_load %arg12[%swap3A_652] {strides = array<i32>} : memref<16xf32, #tpu.memory_space<vmem>>, vector<16xf32>,
      tpu.vector_store %arg12[%swap3A_652], %add3A_621 {strides = array<i32>} : memref<16xf32, #tpu.memory_space<vmem>>, vector<16xf32>,
      %xor3A_654 = arith.constant 8 : i32
      %xor3A_655 = vector.broadcast %xor3A_654 : i32 to vector<16xi32>
      %xor3A_656 = arith.xori %iota3A_651, %xor3A_655 : vector<16xi32>
      %gather3A_657 = tpu.vector_load_idx %arg12[%xor3A_656] : memref<16xf32, #tpu.memory_space<vmem>>[vector<16xi32>], vector<16xf32>,
      %add3A_658 = arith.addf %add3A_621, %gather3A_657 : vector<16xf32>
      %swap3A_659 = arith.constant 0 : index
      %swap3A_660 = tpu.vector_load %arg12[%swap3A_659] {strides = array<i32>} : memref<16xf32, #tpu.memory_space<vmem>>, vector<16xf32>,
      tpu.vector_store %arg12[%swap3A_659], %add3A_658 {strides = array<i32>} : memref<16xf32, #tpu.memory_space<vmem>>, vector<16xf32>,
      %xor3A_661 = arith.constant 4 : i32
      %xor3A_662 = vector.broadcast %xor3A_661 : i32 to vector<16xi32>
      %xor3A_663 = arith.xori %iota3A_651, %xor3A_662 : vector<16xi32>
      %gather3A_664 = tpu.vector_load_idx %arg12[%xor3A_663] : memref<16xf32, #tpu.memory_space<vmem>>[vector<16xi32>], vector<16xf32>,
      %add3A_665 = arith.addf %add3A_658, %gather3A_664 : vector<16xf32>
      %swap3A_666 = arith.constant 0 : index
      %swap3A_667 = tpu.vector_load %arg12[%swap3A_666] {strides = array<i32>} : memref<16xf32, #tpu.memory_space<vmem>>, vector<16xf32>,
      tpu.vector_store %arg12[%swap3A_666], %add3A_665 {strides = array<i32>} : memref<16xf32, #tpu.memory_space<vmem>>, vector<16xf32>,
      %xor3A_668 = arith.constant 2 : i32
      %xor3A_669 = vector.broadcast %xor3A_668 : i32 to vector<16xi32>
      %xor3A_670 = arith.xori %iota3A_651, %xor3A_669 : vector<16xi32>
      %gather3A_671 = tpu.vector_load_idx %arg12[%xor3A_670] : memref<16xf32, #tpu.memory_space<vmem>>[vector<16xi32>], vector<16xf32>,
      %add3A_672 = arith.addf %add3A_665, %gather3A_671 : vector<16xf32>
      %swap3A_673 = arith.constant 0 : index
      %swap3A_674 = tpu.vector_load %arg12[%swap3A_673] {strides = array<i32>} : memref<16xf32, #tpu.memory_space<vmem>>, vector<16xf32>,
      tpu.vector_store %arg12[%swap3A_673], %add3A_672 {strides = array<i32>} : memref<16xf32, #tpu.memory_space<vmem>>, vector<16xf32>,
      %xor3A_675 = arith.constant 1 : i32
      %xor3A_676 = vector.broadcast %xor3A_675 : i32 to vector<16xi32>
      %xor3A_677 = arith.xori %iota3A_651, %xor3A_676 : vector<16xi32>
      %gather3A_678 = tpu.vector_load_idx %arg12[%xor3A_677] : memref<16xf32, #tpu.memory_space<vmem>>[vector<16xi32>], vector<16xf32>,
      %add3A_679 = arith.addf %add3A_672, %gather3A_678 : vector<16xf32>
      %mul3A_680 = arith.mulf %add3A_650, %add3A_679 : vector<16xf32>
      %max3A_681 = arith.constant 1.000000e-16 : f32
      %max3A_682 = vector.broadcast %max3A_681 : f32 to vector<16xf32>
      %max3A_683 = arith.maximumf %mul3A_680, %max3A_682 : vector<16xf32>
      %iota3A_684 = tpu.iota {dimensions = array<i32: 0>} : vector<16xi32>
      %swap3A_685 = arith.constant 0 : index
      %swap3A_686 = tpu.vector_load %arg12[%swap3A_685] {strides = array<i32>} : memref<16xf32, #tpu.memory_space<vmem>>, vector<16xf32>,
      tpu.vector_store %arg12[%swap3A_685], %add3A_617 {strides = array<i32>} : memref<16xf32, #tpu.memory_space<vmem>>, vector<16xf32>,
      %xor3A_687 = arith.constant 8 : i32
      %xor3A_688 = vector.broadcast %xor3A_687 : i32 to vector<16xi32>
      %xor3A_689 = arith.xori %iota3A_684, %xor3A_688 : vector<16xi32>
      %gather3A_690 = tpu.vector_load_idx %arg12[%xor3A_689] : memref<16xf32, #tpu.memory_space<vmem>>[vector<16xi32>], vector<16xf32>,
      %add3A_691 = arith.addf %add3A_617, %gather3A_690 : vector<16xf32>
      %swap3A_692 = arith.constant 0 : index
      %swap3A_693 = tpu.vector_load %arg12[%swap3A_692] {strides = array<i32>} : memref<16xf32, #tpu.memory_space<vmem>>, vector<16xf32>,
      tpu.vector_store %arg12[%swap3A_692], %add3A_691 {strides = array<i32>} : memref<16xf32, #tpu.memory_space<vmem>>, vector<16xf32>,
      %xor3A_694 = arith.constant 4 : i32
      %xor3A_695 = vector.broadcast %xor3A_694 : i32 to vector<16xi32>
      %xor3A_696 = arith.xori %iota3A_684, %xor3A_695 : vector<16xi32>
      %gather3A_697 = tpu.vector_load_idx %arg12[%xor3A_696] : memref<16xf32, #tpu.memory_space<vmem>>[vector<16xi32>], vector<16xf32>,
      %add3A_698 = arith.addf %add3A_691, %gather3A_697 : vector<16xf32>
      %swap3A_699 = arith.constant 0 : index
      %swap3A_700 = tpu.vector_load %arg12[%swap3A_699] {strides = array<i32>} : memref<16xf32, #tpu.memory_space<vmem>>, vector<16xf32>,
      tpu.vector_store %arg12[%swap3A_699], %add3A_698 {strides = array<i32>} : memref<16xf32, #tpu.memory_space<vmem>>, vector<16xf32>,
      %xor3A_701 = arith.constant 2 : i32
      %xor3A_702 = vector.broadcast %xor3A_701 : i32 to vector<16xi32>
      %xor3A_703 = arith.xori %iota3A_684, %xor3A_702 : vector<16xi32>
      %gather3A_704 = tpu.vector_load_idx %arg12[%xor3A_703] : memref<16xf32, #tpu.memory_space<vmem>>[vector<16xi32>], vector<16xf32>,
      %add3A_705 = arith.addf %add3A_698, %gather3A_704 : vector<16xf32>
      %swap3A_706 = arith.constant 0 : index
      %swap3A_707 = tpu.vector_load %arg12[%swap3A_706] {strides = array<i32>} : memref<16xf32, #tpu.memory_space<vmem>>, vector<16xf32>,
      tpu.vector_store %arg12[%swap3A_706], %add3A_705 {strides = array<i32>} : memref<16xf32, #tpu.memory_space<vmem>>, vector<16xf32>,
      %xor3A_708 = arith.constant 1 : i32
      %xor3A_709 = vector.broadcast %xor3A_708 : i32 to vector<16xi32>
      %xor3A_710 = arith.xori %iota3A_684, %xor3A_709 : vector<16xi32>
      %gather3A_711 = tpu.vector_load_idx %arg12[%xor3A_710] : memref<16xf32, #tpu.memory_space<vmem>>[vector<16xi32>], vector<16xf32>,
      %add3A_712 = arith.addf %add3A_705, %gather3A_711 : vector<16xf32>
      %bitcast3A = vector.bitcast %max3A_683 : vector<16xf32> to vector<16xi32>
      %broadcast_in_dim3A_713 = arith.constant 1597463007 : i32
      %broadcast_in_dim3A_714 = vector.broadcast %broadcast_in_dim3A_713 : i32 to vector<16xi32>
      %shift_right_arithmetic3A = arith.constant 1 : i32
      %shift_right_arithmetic3A_715 = vector.broadcast %shift_right_arithmetic3A : i32 to vector<16xi32>
      %shift_right_arithmetic3A_716 = arith.shrsi %bitcast3A, %shift_right_arithmetic3A_715 : vector<16xi32>
      %sub3A = arith.subi %broadcast_in_dim3A_714, %shift_right_arithmetic3A_716 : vector<16xi32>
      %bitcast3A_717 = vector.bitcast %sub3A : vector<16xi32> to vector<16xf32>
      %mul3A_718 = arith.constant 5.000000e-01 : f32
      %mul3A_719 = vector.broadcast %mul3A_718 : f32 to vector<16xf32>
      %mul3A_720 = arith.mulf %mul3A_719, %max3A_683 : vector<16xf32>
      %mul3A_721 = arith.mulf %mul3A_720, %bitcast3A_717 : vector<16xf32>
      %mul3A_722 = arith.mulf %mul3A_721, %bitcast3A_717 : vector<16xf32>
      %sub3A_723 = arith.constant 1.500000e+00 : f32
      %sub3A_724 = vector.broadcast %sub3A_723 : f32 to vector<16xf32>
      %sub3A_725 = arith.subf %sub3A_724, %mul3A_722 : vector<16xf32>
      %mul3A_726 = arith.mulf %bitcast3A_717, %sub3A_725 : vector<16xf32>
      %mul3A_727 = arith.constant 5.000000e-01 : f32
      %mul3A_728 = vector.broadcast %mul3A_727 : f32 to vector<16xf32>
      %mul3A_729 = arith.mulf %mul3A_728, %max3A_683 : vector<16xf32>
      %mul3A_730 = arith.mulf %mul3A_729, %mul3A_726 : vector<16xf32>
      %mul3A_731 = arith.mulf %mul3A_730, %mul3A_726 : vector<16xf32>
      %sub3A_732 = arith.constant 1.500000e+00 : f32
      %sub3A_733 = vector.broadcast %sub3A_732 : f32 to vector<16xf32>
      %sub3A_734 = arith.subf %sub3A_733, %mul3A_731 : vector<16xf32>
      %mul3A_735 = arith.mulf %mul3A_726, %sub3A_734 : vector<16xf32>
      %mul3A_736 = arith.constant 5.000000e-01 : f32
      %mul3A_737 = vector.broadcast %mul3A_736 : f32 to vector<16xf32>
      %mul3A_738 = arith.mulf %mul3A_737, %max3A_683 : vector<16xf32>
      %mul3A_739 = arith.mulf %mul3A_738, %mul3A_735 : vector<16xf32>
      %mul3A_740 = arith.mulf %mul3A_739, %mul3A_735 : vector<16xf32>
      %sub3A_741 = arith.constant 1.500000e+00 : f32
      %sub3A_742 = vector.broadcast %sub3A_741 : f32 to vector<16xf32>
      %sub3A_743 = arith.subf %sub3A_742, %mul3A_740 : vector<16xf32>
      %mul3A_744 = arith.mulf %mul3A_735, %sub3A_743 : vector<16xf32>
      %mul3A_745 = arith.mulf %add3A_712, %mul3A_744 : vector<16xf32>
      %iota3A_746 = tpu.iota {dimensions = array<i32: 0>} : vector<16xi32>
      %broadcast_in_dim3A_747 = vector.broadcast %scan3A_337 : i32 to vector<16xi32>
      %eq3A_748 = arith.constant 0 : i32
      %eq3A_749 = vector.broadcast %eq3A_748 : i32 to vector<16xi32>
      %eq3A_750 = arith.cmpi eq, %iota3A_746, %eq3A_749 : vector<16xi32>
      tpu.vector_store_idx %arg11[%broadcast_in_dim3A_747], %mul3A_745 masked %eq3A_750 : memref<128xf32, #tpu.memory_space<vmem>>[vector<16xi32>], vector<16xf32>, vector<16xi1>
    }
    %scan3A_336 = arith.constant 128 : i32
    "tpu.region"() ({
      %run_scoped3A = tpu.sem_alloc : memref<!tpu.dma_semaphore, #tpu.memory_space<semaphore_mem>>
      %dma_start3A_337 = tpu.memref_slice %arg5[%mul3A_2] : memref<4096xf32, #tpu.memory_space<hbm>> -> memref<128xf32, #tpu.memory_space<hbm>>
      %dma_start3A_338 = tpu.memref_slice %arg5[%mul3A_2] : memref<4096xf32, #tpu.memory_space<hbm>> -> memref<128xf32, #tpu.memory_space<hbm>>
      tpu.enqueue_dma source(%arg11 : memref<128xf32, #tpu.memory_space<vmem>>) target(%dma_start3A_338 : memref<128xf32, #tpu.memory_space<hbm>>) target_semaphore(%run_scoped3A : memref<!tpu.dma_semaphore, #tpu.memory_space<semaphore_mem>>)
      %dma_wait3A_339 = tpu.memref_slice %arg5[%mul3A_2] : memref<4096xf32, #tpu.memory_space<hbm>> -> memref<128xf32, #tpu.memory_space<hbm>>
      %dma_wait3A_340 = tpu.memref_slice %arg5[%mul3A_2] : memref<4096xf32, #tpu.memory_space<hbm>> -> memref<128xf32, #tpu.memory_space<hbm>>
      tpu.wait_dma2 semaphore(%run_scoped3A : memref<!tpu.dma_semaphore, #tpu.memory_space<semaphore_mem>>) src(%arg11 : memref<128xf32, #tpu.memory_space<vmem>>) dst(%dma_wait3A_340 : memref<128xf32, #tpu.memory_space<hbm>>)
      tpu.yield
    }) : () -> ()
    "tpu.region"() ({
      %run_scoped3A = tpu.sem_alloc : memref<!tpu.dma_semaphore, #tpu.memory_space<semaphore_mem>>
      %dma_start3A_337 = arith.constant 0 : i32
      %dma_start3A_338 = arith.constant 0 : i32
      %dma_start3A_339 = tpu.memref_slice %arg10[%dma_start3A_337, %dma_start3A_338] : memref<256x64xf32, #tpu.memory_space<vmem>> -> memref<128x64xf32, #tpu.memory_space<vmem>>
      %dma_start3A_340 = arith.constant 0 : i32
      %dma_start3A_341 = tpu.memref_slice %arg6[%mul3A_2, %dma_start3A_340] : memref<4096x64xf32, #tpu.memory_space<hbm>> -> memref<128x64xf32, #tpu.memory_space<hbm>>
      %dma_start3A_342 = arith.constant 0 : i32
      %dma_start3A_343 = tpu.memref_slice %arg6[%mul3A_2, %dma_start3A_342] : memref<4096x64xf32, #tpu.memory_space<hbm>> -> memref<128x64xf32, #tpu.memory_space<hbm>>
      %dma_start3A_344 = arith.constant 0 : i32
      %dma_start3A_345 = arith.constant 0 : i32
      %dma_start3A_346 = tpu.memref_slice %arg10[%dma_start3A_344, %dma_start3A_345] : memref<256x64xf32, #tpu.memory_space<vmem>> -> memref<128x64xf32, #tpu.memory_space<vmem>>
      tpu.enqueue_dma source(%dma_start3A_346 : memref<128x64xf32, #tpu.memory_space<vmem>>) target(%dma_start3A_343 : memref<128x64xf32, #tpu.memory_space<hbm>>) target_semaphore(%run_scoped3A : memref<!tpu.dma_semaphore, #tpu.memory_space<semaphore_mem>>)
      %dma_wait3A_347 = arith.constant 0 : i32
      %dma_wait3A_348 = arith.constant 0 : i32
      %dma_wait3A_349 = tpu.memref_slice %arg10[%dma_wait3A_347, %dma_wait3A_348] : memref<256x64xf32, #tpu.memory_space<vmem>> -> memref<128x64xf32, #tpu.memory_space<vmem>>
      %dma_wait3A_350 = arith.constant 0 : i32
      %dma_wait3A_351 = tpu.memref_slice %arg6[%mul3A_2, %dma_wait3A_350] : memref<4096x64xf32, #tpu.memory_space<hbm>> -> memref<128x64xf32, #tpu.memory_space<hbm>>
      %dma_wait3A_352 = arith.constant 0 : i32
      %dma_wait3A_353 = tpu.memref_slice %arg6[%mul3A_2, %dma_wait3A_352] : memref<4096x64xf32, #tpu.memory_space<hbm>> -> memref<128x64xf32, #tpu.memory_space<hbm>>
      %dma_wait3A_354 = arith.constant 0 : i32
      %dma_wait3A_355 = arith.constant 0 : i32
      %dma_wait3A_356 = tpu.memref_slice %arg10[%dma_wait3A_354, %dma_wait3A_355] : memref<256x64xf32, #tpu.memory_space<vmem>> -> memref<128x64xf32, #tpu.memory_space<vmem>>
      tpu.wait_dma2 semaphore(%run_scoped3A : memref<!tpu.dma_semaphore, #tpu.memory_space<semaphore_mem>>) src(%dma_wait3A_356 : memref<128x64xf32, #tpu.memory_space<vmem>>) dst(%dma_wait3A_353 : memref<128x64xf32, #tpu.memory_space<hbm>>)
      tpu.yield
    }) : () -> ()
    "tpu.region"() ({
      %run_scoped3A = tpu.sem_alloc : memref<!tpu.dma_semaphore, #tpu.memory_space<semaphore_mem>>
      %dma_start3A_337 = arith.constant 128 : i32
      %dma_start3A_338 = arith.constant 0 : i32
      %dma_start3A_339 = tpu.memref_slice %arg10[%dma_start3A_337, %dma_start3A_338] : memref<256x64xf32, #tpu.memory_space<vmem>> -> memref<128x64xf32, #tpu.memory_space<vmem>>
      %dma_start3A_340 = arith.constant 0 : i32
      %dma_start3A_341 = tpu.memref_slice %arg7[%mul3A_2, %dma_start3A_340] : memref<4096x64xf32, #tpu.memory_space<hbm>> -> memref<128x64xf32, #tpu.memory_space<hbm>>
      %dma_start3A_342 = arith.constant 0 : i32
      %dma_start3A_343 = tpu.memref_slice %arg7[%mul3A_2, %dma_start3A_342] : memref<4096x64xf32, #tpu.memory_space<hbm>> -> memref<128x64xf32, #tpu.memory_space<hbm>>
      %dma_start3A_344 = arith.constant 128 : i32
      %dma_start3A_345 = arith.constant 0 : i32
      %dma_start3A_346 = tpu.memref_slice %arg10[%dma_start3A_344, %dma_start3A_345] : memref<256x64xf32, #tpu.memory_space<vmem>> -> memref<128x64xf32, #tpu.memory_space<vmem>>
      tpu.enqueue_dma source(%dma_start3A_346 : memref<128x64xf32, #tpu.memory_space<vmem>>) target(%dma_start3A_343 : memref<128x64xf32, #tpu.memory_space<hbm>>) target_semaphore(%run_scoped3A : memref<!tpu.dma_semaphore, #tpu.memory_space<semaphore_mem>>)
      %dma_wait3A_347 = arith.constant 128 : i32
      %dma_wait3A_348 = arith.constant 0 : i32
      %dma_wait3A_349 = tpu.memref_slice %arg10[%dma_wait3A_347, %dma_wait3A_348] : memref<256x64xf32, #tpu.memory_space<vmem>> -> memref<128x64xf32, #tpu.memory_space<vmem>>
      %dma_wait3A_350 = arith.constant 0 : i32
      %dma_wait3A_351 = tpu.memref_slice %arg7[%mul3A_2, %dma_wait3A_350] : memref<4096x64xf32, #tpu.memory_space<hbm>> -> memref<128x64xf32, #tpu.memory_space<hbm>>
      %dma_wait3A_352 = arith.constant 0 : i32
      %dma_wait3A_353 = tpu.memref_slice %arg7[%mul3A_2, %dma_wait3A_352] : memref<4096x64xf32, #tpu.memory_space<hbm>> -> memref<128x64xf32, #tpu.memory_space<hbm>>
      %dma_wait3A_354 = arith.constant 128 : i32
      %dma_wait3A_355 = arith.constant 0 : i32
      %dma_wait3A_356 = tpu.memref_slice %arg10[%dma_wait3A_354, %dma_wait3A_355] : memref<256x64xf32, #tpu.memory_space<vmem>> -> memref<128x64xf32, #tpu.memory_space<vmem>>
      tpu.wait_dma2 semaphore(%run_scoped3A : memref<!tpu.dma_semaphore, #tpu.memory_space<semaphore_mem>>) src(%dma_wait3A_356 : memref<128x64xf32, #tpu.memory_space<vmem>>) dst(%dma_wait3A_353 : memref<128x64xf32, #tpu.memory_space<hbm>>)
      tpu.yield
    }) : () -> ()
    return
  }
}

</mosaic_0001>

<sc_bundles>
// kernel: kernel.3.cloned.1.call-start
scs
__scs_entry_jumppad:
0x0: {  	(pc) =	sbr.rel $0x88, $3  }
0x1: {  	(tag) =	ssettag $0x0;
	lr =	simm.s32 $0x1  }
0x2: {  	[smem:$0x3F9E] =	sst lr;
	_ =	strace $0xD0000000  }
0x3: {  	_ = 	snop  }
0x4: {  	_ = 	snop  }
0x5: {  	_ = 	snop  }
0x6: {  	_ = 	snop  }
0x7: {  	_ = 	snop  }
__scs_overlays_trampoline_lowered:
0x8: {  	[smem:$0x3FAD] =	sst s0  }
0x9: {  	[smem:$0x3FAE] =	sst s1  }
0xa: {  	[smem:$0x3FAF] =	sst s2  }
0xb: {  	[smem:$0x3FB0] =	sst s3  }
0xc: {  	[smem:$0x3FB1] =	sst s4  }
0xd: {  	[smem:$0x3FB2] =	sst s5  }
0xe: {  	[smem:$0x3FB3] =	sst s6  }
0xf: {  	[smem:$0x3FB4] =	sst s7  }
0x10: {  	[smem:$0x3FB5] =	sst s8  }
0x11: {  	[smem:$0x3FB6] =	sst s9;
	s0 =	simm.s32 @!p0 $0x0  }
0x12: {  	s1 =	sld [smem:$0x3F9C];
	s0 =	simm.s32 @p0 $0x1  }
0x13: {  	[smem:$0x3FB7] =	sst s0;
	s0 =	simm.s32 @!p1 $0x0  }
0x14: {  	s2 =	sld [smem:$0x3F9B];
	s0 =	simm.s32 @p1 $0x1  }
0x15: {  	[smem:$0x3FB8] =	sst s0;
	s0 =	simm.s32 @!p2 $0x0  }
0x16: {  	s3 =	sld [smem:$0x3FDB];
	s0 =	simm.s32 @p2 $0x1  }
0x17: {  	s4 =	simm.s32 $0x1BF5;
	[smem:$0x3FBA] =	sst s0  }
0x18: {  	s0 =	sld [smem:$0x3F9D];
	_ =	swait.ge [sflag:s4], $0x0  }
0x19: {  	s7 =	sld [smem:$0x3F9E]  }
0x1a: {  	s8 =	sadd.s32 $0xFFFFE003, lr  }
0x1b: {  	s9 =	sadd.s32 $0xFFFFFEF7, lr;
	s5 =	simm.s32 $0xFFFFFFFF;
	p2 =	slt.u32 s8, $0xFFFFF086  }
0x1c: {  	p1 =	slt.u32 s9, $0xF7A;
	s5 =	simm.s32 @!p2 $0x0  }
0x1d: {  	s5 =	simm.s32 @p1 $0x1;
	p0 =	seq.s32 s7, s2  }
0x1e: {  	s7 =	smul.u32 @!p0 $0xF7A, s2;
	p2 =	seq.s32 @!p0 s5, $0x0  }
0x1f: {  	s9 =	smul.u32 $0xF7A, s1;
	s8 =	simm.s32 @!p0 $0x1BF5;
	p2 =	por !p2, p0  }
0x20: {  	[sflag:s8] =	ssyncset.s32 @!p0 $0xFFFFF086;
	s6 =	sadd.s32 @!p0 s3, s7;
	s7 =	simm.s32 @!p0 $0x108  }
0x21: {  	s3 =	sadd.s32 s3, s9;
	s6 =	sadd.s32 @!p0 $0x88, s6;
	s7 =	simm.s32 @p2 $0x1082  }
0x22: {  	[simem:s7], [sflag:s8] =	dma.local @!p0 [hbm:s6], $0xF7A  }
0x23: {  	s9 =	sor.u32 $0xD0000000, s2;
	s6 =	simm.s32 $0x108;
	_ =	swait.ge @!p0 [sflag:s8], $0x0  }
0x24: {  	s3 =	sadd.s32 $0x88, s3;
	s6 =	simm.s32 @!p1 $0x1082;
	[sflag:s4] =	ssyncset.s32 $0xFFFFF086  }
0x25: {  	[simem:s6], [sflag:s4] =	dma.local [hbm:s3], $0xF7A  }
0x26: {  	[smem:$0x3F9E] =	sst s1;
	(tag) =	ssettag s2;
	_ =	strace s9  }
0x27: {  	s1 =	sld [smem:$0x3FAE]  }
0x28: {  	s2 =	sld [smem:$0x3FAF]  }
0x29: {  	s4 =	sld [smem:$0x3FB1]  }
0x2a: {  	p0 =	seq.s32 s5, $0x0;
	s5 =	sld [smem:$0x3FB2]  }
0x2b: {  	s6 =	sld [smem:$0x3FB3]  }
0x2c: {  	s7 =	sld [smem:$0x3FB4]  }
0x2d: {  	s3 =	simm.s32 $0x108;
	s8 =	sld [smem:$0x3FB5]  }
0x2e: {  	s3 =	simm.s32 @!p0 $0x1082;
	s9 =	sld [smem:$0x3FB6]  }
0x2f: {  	lr =	sadd.s32 s0, s3;
	s0 =	sld [smem:$0x3FAD]  }
0x30: {  	s3 =	sld [smem:$0x3FB0]  }
0x31: {  	[smem:$0x3FB9] =	sst s10  }
0x32: {  	s10 =	sld [smem:$0x3FB7];
	_ =	sdelay $0x3  }
0x33: {  	p0 =	seq.s32 s10, $0x1;
	s10 =	sld [smem:$0x3FB9];
	_ =	sdelay $0x3  }
0x34: {  	[smem:$0x3FB9] =	sst s10  }
0x35: {  	s10 =	sld [smem:$0x3FB8];
	_ =	sdelay $0x3  }
0x36: {  	p1 =	seq.s32 s10, $0x1;
	s10 =	sld [smem:$0x3FB9];
	_ =	sdelay $0x3  }
0x37: {  	[smem:$0x3FB9] =	sst s10  }
0x38: {  	s10 =	sld [smem:$0x3FBA]  }
0x39: {  	_ = 	snop;
	(pc) =	sbr.ind lr, $3  }
0x3a: {  	_ = 	snop  }
0x3b: {  	_ = 	snop  }
0x3c: {  	p2 =	seq.s32 s10, $0x1;
	s10 =	sld [smem:$0x3FB9]  }
0x3d: {  	_ =	shalt  }
0x3e: {  	_ =	shalt  }
0x3f: {  	_ =	shalt  }
0x40: {  	_ =	shalt  }
0x41: {  	_ =	shalt  }
0x42: {  	_ =	shalt  }
0x43: {  	_ =	shalt  }
0x44: {  	_ =	shalt  }
0x45: {  	_ =	shalt  }
0x46: {  	_ =	shalt  }
0x47: {  	_ =	shalt  }
0x48: {  	_ =	shalt  }
0x49: {  	_ =	shalt  }
0x4a: {  	_ =	shalt  }
0x4b: {  	_ =	shalt  }
0x4c: {  	_ =	shalt  }
0x4d: {  	_ =	shalt  }
0x4e: {  	_ =	shalt  }
0x4f: {  	_ =	shalt  }
0x50: {  	_ =	shalt  }
0x51: {  	_ =	shalt  }
0x52: {  	_ =	shalt  }
0x53: {  	_ =	shalt  }
0x54: {  	_ =	shalt  }
0x55: {  	_ =	shalt  }
0x56: {  	_ =	shalt  }
0x57: {  	_ =	shalt  }
0x58: {  	_ =	shalt  }
0x59: {  	_ =	shalt  }
0x5a: {  	_ =	shalt  }
0x5b: {  	_ =	shalt  }
0x5c: {  	_ =	shalt  }
0x5d: {  	_ =	shalt  }
0x5e: {  	_ =	shalt  }
0x5f: {  	_ =	shalt  }
0x60: {  	_ =	shalt  }
0x61: {  	_ =	shalt  }
0x62: {  	_ =	shalt  }
0x63: {  	_ =	shalt  }
0x64: {  	_ =	shalt  }
0x65: {  	_ =	shalt  }
0x66: {  	_ =	shalt  }
0x67: {  	_ =	shalt  }
0x68: {  	_ =	shalt  }
0x69: {  	_ =	shalt  }
0x6a: {  	_ =	shalt  }
0x6b: {  	_ =	shalt  }
0x6c: {  	_ =	shalt  }
0x6d: {  	_ =	shalt  }
0x6e: {  	_ =	shalt  }
0x6f: {  	_ =	shalt  }
0x70: {  	_ =	shalt  }
0x71: {  	_ =	shalt  }
0x72: {  	_ =	shalt  }
0x73: {  	_ =	shalt  }
0x74: {  	_ =	shalt  }
0x75: {  	_ =	shalt  }
0x76: {  	_ =	shalt  }
0x77: {  	_ =	shalt  }
0x78: {  	_ =	shalt  }
0x79: {  	_ =	shalt  }
0x7a: {  	_ =	shalt  }
0x7b: {  	_ =	shalt  }
0x7c: {  	_ =	shalt  }
0x7d: {  	_ =	shalt  }
0x7e: {  	_ =	shalt  }
0x7f: {  	_ =	shalt  }
0x80: {  	_ =	shalt  }
0x81: {  	_ =	shalt  }
0x82: {  	_ =	shalt  }
0x83: {  	_ =	shalt  }
0x84: {  	_ =	shalt  }
0x85: {  	_ =	shalt  }
0x86: {  	_ =	shalt  }
0x87: {  	_ =	shalt  }
.Lfunc_end0:
.L_simem_size_0:
called_computation_lowered:
.L_overlay_start_0:
0x88: {  	s2 =	sld [smem:$0x3FD9]  }
0x89: {  	s3 =	sld [smem:$0x3FFE];
	_ =	sdelay $0x1  }
0x8a: {  	s1 =	srdreg.scid  }
0x8b: {  	s0 =	sand.u32 $0x1, s1  }
0x8c: {  	s14 =	sshll.u32 s0, $0xA;
	s2 =	sadd.s32 s3, s2  }
0x8d: {  	s2 =	sadd.s32 s2, s14  }
0x8e: {  	[smem:$0x3FC5] =	sst s2  }
0x8f: {  	_ = 	snop  }
0x90: {  	s2 =	sld [smem:$0x3FD0];
	_ =	sdelay $0x2  }
0x91: {  	s15 =	simm.s32 $0xA;
	s4 =	simm.s32 $0x10  }
0x92: {  	[smem:s4], [sflag:s15] =	dma.local [hbm:s2], $0x1  }
0x93: {  	_ =	swait.eq [sflag:s15], $0x1  }
0x94: {  	[sflag:s15] =	ssyncset.done $0x0  }
0x95: {  	s16 =	sld [smem:$0x10];
	[sflag:s15] =	ssyncadd.s32 $0xFFFFFFFF  }
0x96: {  	s17 =	sld [smem:$0x12];
	(tm) =	ssettm $0x1  }
0x97: {  	s18 =	sld [smem:$0x3FFB];
	_ =	sdelay $0x3  }
0x98: {  	_ =	strace s18  }
0x99: {  	s4 =	sld [smem:$0x3FFC];
	_ =	sdelay $0x3  }
0x9a: {  	_ =	strace s4  }
0x9b: {  	s4 =	sld [smem:$0x3FFD];
	_ =	sdelay $0x3  }
0x9c: {  	_ =	strace s4  }
0x9d: {  	_ =	strace $0x8FFFFFFF  }
0x9e: {  	s19 =	sld [smem:$0x3FDB];
	_ =	sdelay $0x1  }
0x9f: {  	s5 =	simm.s32 $_scs_section_size  }
0xa0: {  	s6 =	simm.s32 $_size__tile_overlayer_lowered;
	s7 =	simm.s32 $_tile_overlayer_lowered  }
0xa1: {  	s22 =	simm.s32 $0x1BFF;
	s21 =	sshll.u32 s7, $0x1;
	s4 =	sadd.s32 s5, s19  }
0xa2: {  	s8 =	simm.s32 $0x0;
	s20 =	sshll.u32 s6, $0x1;
	s6 =	sadd.s32 s21, s4  }
0xa3: {  	[timem:s8], [sflag:s22] =	dma.local [hbm:s6], s20  }
0xa4: {  	_ =	swait.ge [sflag:s22], s20  }
0xa5: {  	s5 =	ssub.s32 $0x0, s20;
	[sflag:s22] =	ssyncset.done $0x0  }
0xa6: {  	[sflag:s22] =	ssyncadd.s32 s5;
	_ =	sdelay $0x1  }
0xa7: {  	s23 =	simm.s32 $0x1B8B  }
0xa8: {  	_ =	swait.ge [sflag:s23], $0x1  }
0xa9: {  	[sflag:s23] =	ssyncset.done $0x0  }
0xaa: {  	s25 =	simm.s32 $0x1B8E;
	s24 =	sld [smem:$0x3FFE];
	[sflag:s23] =	ssyncadd.s32 $0xFFFFFFFF  }
0xab: {  	s26 =	simm.s32 $execute0_lowered;
	[smem:$0x3FD2] =	sst s25  }
0xac: {  	s6 =	sshll.u32 s26, $0x1;
	_ =	strace $0x80000046;
	[dreg:$0x1] =	wrdreg $0xFFFFFFFF  }
0xad: {  	s28 =	simm.s32 $_size_execute0_lowered;
	s4 =	sadd.s32 s4, s6;
	[dreg:$0x0] =	wrdreg $0x0  }
0xae: {  	s6 =	sshll.u32 s28, $0x1;
	[dreg:$0x2] =	wrdreg s4  }
0xaf: {  	[dreg:$0x3] =	wrdreg s6  }
0xb0: {  	[dreg:$0x4] =	wrdreg $0xC0  }
0xb1: {  	_ =	task [dreg:s8], $0x5FFFF  }
0xb2: {  	[dreg:$0x1] =	wrdreg $0xFFFFFFFF  }
0xb3: {  	[dreg:$0x0] =	wrdreg $0x60  }
0xb4: {  	[dreg:$0x2] =	wrdreg s24  }
0xb5: {  	[dreg:$0x3] =	wrdreg s16  }
0xb6: {  	[dreg:$0x4] =	wrdreg s17  }
0xb7: {  	[dreg:$0x5] =	wrdreg $0x9  }
0xb8: {  	_ =	task.clear_ibuf [dreg:s8], $0x6FFFF;
	_ =	strace $0x90000046  }
0xb9: {  	s29 =	simm.s32 $0x9;
	_ =	strace $0x80000048  }
0xba: {  	_ =	swait.ge [sflag:s29], $0x1  }
0xbb: {  	[sflag:s29] =	ssyncadd.s32 $0xFFFFFFFF  }
0xbc: {  	_ =	strace $0x90000048  }
0xbd: {  	_ =	sfence  }
0xbe: {  	s30 =	sld [smem:$0x0];
	_ =	sdelay $0x2  }
0xbf: {  	s31 =	sshll.u32 s1, $0xD;
	s1 =	sshrl.u32 s1, $0x2  }
0xc0: {  	s3 =	sand.u32 $0x4000, s31;
	s1 =	sadd.s32 s1, s30  }
0xc1: {  	s0 =	sor.u32 s3, s0;
	s1 =	sshll.u32 s1, $0x11  }
0xc2: {  	s0 =	sor.u32 s1, s0  }
0xc3: {  	s0 =	sadd.s32 $0x8F2B, s0  }
0xc4: {  	[sflag:s0] =	ssyncadd.remote.s32 $0x1  }
0xc5: {  	_ =	sfence.sel $0xFFFF  }
0xc6: {  	[dreg:$0x0] =	wrdreg $0xFFFFFFFF;
	(pc) =	sbr.abs _section_cstart, $3  }
0xc7: {  	[dreg:$0x1] =	wrdreg $0xFFFFFFFF  }
0xc8: {  	_ =	task.clear_ibuf [dreg:s8], $0x2FFFF;
	_ =	strace $0x9FFFFFFF  }
0xc9: {  	(tm) =	ssettm $0x7FFFFFFF  }
tec
execute0_lowered:
.L_overlay_start_1:
0x0: {  	(tag) =	ssettag $0x1  }
0x1: {  	s0 =	rddreg [dreg:$0x0]  }
0x2: {  	s1 =	rddreg [dreg:$0x1]  }
0x3: {  	s7 =	rddreg [dreg:$0x2];
	s2 =	simm.s32 $0x0;
	s4 =	srdreg.scid  }
0x4: {  	s6 =	stileid.u32;
	s28 =	simm.s32 $0x680;
	s29 =	simm.s32 $0x3A80  }
0x5: {  	s30 =	simm.s32 $0x6E80;
	s31 =	simm.s32 $0x1;
	[smem:$0x7FF] =	sst s2  }
0x6: {  	s3 =	sadd.s32 $0x19E00, s0;
	s5 =	sand.u32 $0x1, s4;
	s6 =	sshll.u32 s6, $0x1  }
0x7: {  	s4 =	sadd.s32 $0xE00, s0;
	_ =	strace $0x80000047;
	s8 =	sor.u32 s5, s6  }
0x8: {  	s20 =	ssub.s32 $0x2, s5;
	s5 =	sadd.s32 $0xF43200, s0;
	s9 =	sshll.u32 s8, $0xA  }
0x9: {  	s10 =	sshrl.u32 s20, $0x1;
	s11 =	smul.u32 $0xC80, s8;
	s6 =	sshll.u32 s8, $0x7  }
0xa: {  	v0 =	vimm.s32 $0xFEDCBA98;
	v1 =	vimm.s32 $0x76543210;
	s8 =	sshll.u32 s8, $0x4;
	s0 =	sadd.s32 s9, s0;
	s10 =	ssub.s32 s20, s10  }
0xb: {  	v2 =	vimm.s32 $0xBA98FEDC;
	v3 =	vimm.s32 $0x32107654;
	s17 =	sadd.s32 s1, s8;
	s18 =	sadd.s32 s7, s9;
	s1 =	simm.s32 $0x11680  }
0xc: {  	v4 =	vimm.s32 $0xDCFE98BA;
	v5 =	vimm.s32 $0x54761032;
	v6 =	vimm.s32 $0xEFCDAB89;
	s7 =	simm.s32 $0x3;
	s8 =	simm.s32 $0x0;
	s12 =	sadd.s32 s3, s11  }
0xd: {  	v7 =	vimm.s32 $0x67452301;
	s21 =	sor.u32 $0x19, s11;
	s14 =	sor.u32 $0x32, s11;
	s15 =	sor.u32 $0x4B, s11  }
0xe: {  	v0 =	vunpack.c.l.s4.s8 v0;
	v1 =	vunpack.c.l.s4.s8 v1;
	v2 =	vunpack.c.l.s4.s8 v2;
	s16 =	sor.u32 $0x64, s11;
	s11 =	sadd.s32 s4, s11;
	[dreg:$0x4] =	wrdreg s12  }
0xf: {  	v3 =	vunpack.c.l.s4.s8 v3;
	v4 =	vunpack.c.l.s4.s8 v4;
	v5 =	vunpack.c.l.s4.s8 v5;
	s19 =	sadd.s32 $0x32E00, s0;
	s13 =	sadd.s32 s3, s21;
	[dreg:$0x9] =	wrdreg s11  }
0x10: {  	v6 =	vunpack.c.l.s4.s8 v6;
	v7 =	vunpack.c.l.s4.s8 v7;
	v0 =	vunpack.c.0.s8.s32 v0;
	s20 =	smax.u32 s10, $0x1;
	s22 =	sadd.s32 s3, s14;
	[dreg:$0x5] =	wrdreg s13  }
0x11: {  	v2 =	vunpack.c.0.s8.s32 v2;
	v3 =	vunpack.c.0.s8.s32 v3;
	v4 =	vunpack.c.0.s8.s32 v4;
	s0 =	simm.s32 $0x11700;
	s23 =	sadd.s32 s3, s15;
	[dreg:$0x6] =	wrdreg s22  }
0x12: {  	v5 =	vunpack.c.0.s8.s32 v5;
	v6 =	vunpack.c.0.s8.s32 v6;
	v7 =	vunpack.c.0.s8.s32 v7;
	s24 =	sadd.s32 s3, s16;
	s25 =	sadd.s32 s4, s21;
	[dreg:$0x7] =	wrdreg s23  }
0x13: {  	v3 =	vcombine.low v3, v2;
	v2 =	vunpack.c.0.s8.s32 v1;
	s26 =	sadd.s32 s4, s14;
	s15 =	sadd.s32 s4, s15;
	[dreg:$0x8] =	wrdreg s24  }
0x14: {  	v8 =	vand.u32 $0xF, v0;
	v4 =	vcombine.low v5, v4;
	v5 =	vcombine.low v7, v6;
	s16 =	sadd.s32 s4, s16;
	s21 =	simm.s32 $0xD0;
	[dreg:$0xa] =	wrdreg s25  }
0x15: {  	v0 =	vimm.s32 $0x0;
	v1 =	vimm.f32 $1.000000000e+00;
	[dreg:$0xb] =	wrdreg s26;
	s22 =	simm.s32 $0x1A0;
	s23 =	simm.s32 $0x270;
	v2 =	vcombine.low v8, v2  }
0x16: {  	s24 =	simm.s32 $0x340;
	s25 =	simm.s32 $0x2;
	s26 =	simm.s32 $0xC8;
	v3 =	vand.u32 $0xF, v3;
	v4 =	vand.u32 $0xF, v4;
	v5 =	vand.u32 $0xF, v5  }
.LBB2_1:
0x17: {  	[tilespmem:$0xC0] =	vst v0  }
0x18: {  	[tilespmem:$0x190] =	vst v0  }
0x19: {  	[tilespmem:$0x260] =	vst v0  }
0x1a: {  	[tilespmem:$0x330] =	vst v0  }
0x1b: {  	[tilespmem:$0x400] =	vst v0  }
0x1c: {  	[tilespmem:$0x4D0] =	vst v0  }
0x1d: {  	[tilespmem:$0x5A0] =	vst v0  }
0x1e: {  	[tilespmem:$0x670] =	vst v0;
	s9 =	rddreg [dreg:$0x4]  }
0x1f: {  	[tilespmem:s2], [sflag:$0x2] =	stream.linear.gather [hbm4b:s9+s2], $0xC8, $0x38;
	[tilespmem:$0x11710] =	vst v63  }
0x20: {  	s11 =	rddreg [dreg:$0x5]  }
0x21: {  	[tilespmem:s21], [sflag:$0x2] =	stream.linear.gather [hbm4b:s11+s2], $0xC8, $0x38;
	[tilespmem:$0x11710] =	vst v63  }
0x22: {  	s12 =	rddreg [dreg:$0x6]  }
0x23: {  	[tilespmem:s22], [sflag:$0x2] =	stream.linear.gather [hbm4b:s12+s2], $0xC8, $0x38;
	[tilespmem:$0x11710] =	vst v63  }
0x24: {  	s13 =	rddreg [dreg:$0x7]  }
0x25: {  	[tilespmem:s23], [sflag:$0x2] =	stream.linear.gather [hbm4b:s13+s2], $0xC8, $0x38;
	[tilespmem:$0x11710] =	vst v63  }
0x26: {  	s14 =	rddreg [dreg:$0x8]  }
0x27: {  	[tilespmem:s24], [sflag:$0x2] =	stream.linear.gather [hbm4b:s14+s2], $0xC8, $0x38;
	[tilespmem:$0x11710] =	vst v63  }
0x28: {  	_ =	swait.ge [sflag:s25], $0xC8  }
0x29: {  	[sflag:s25] =	ssyncset.done $0x0  }
0x2a: {  	[sflag:s25] =	ssyncadd.s32 $0xFFFFFF38  }
0x2b: {  	[tilespmem:s28], [sflag:$0x1] =	stream.indirect.gather [hbm4b:s5+s26], $0x40, s2, s26, $0xb8;
	[tilespmem:$0x11710] =	vst v63  }
0x2c: {  	_ =	swait.ge [sflag:s25], $0xC8  }
0x2d: {  	[sflag:s25] =	ssyncset.done $0x0  }
0x2e: {  	[sflag:s25] =	ssyncadd.s32 $0xFFFFFF38  }
0x2f: {  	[tilespmem:s29], [sflag:$0x1] =	stream.indirect.gather [hbm4b:s5+s26], $0x40, s21, s26, $0xb8;
	[tilespmem:$0x11710] =	vst v63  }
0x30: {  	_ =	swait.ge [sflag:s25], $0xC8  }
0x31: {  	[sflag:s25] =	ssyncset.done $0x0  }
0x32: {  	s10 =	simm.s32 $0x0;
	s9 =	simm.s32 $0x0;
	[sflag:s25] =	ssyncadd.s32 $0xFFFFFF38  }
0x33: {  	[tilespmem:s30], [sflag:$0x1] =	stream.indirect.gather [hbm4b:s5+s26], $0x40, s22, s26, $0xb8;
	[tilespmem:$0x11710] =	vst v63  }
.LBB2_2:
0x34: {  	p0 =	sgt.u32 s10, $0x7C  }
0x35: {  	s11 =	sadd.s32 @!p0 $0x3, s10  }
0x36: {  	s12 =	simm.s32 @!p0 $0x2;
	s13 =	sand.u32 @!p0 $0x3, s11  }
0x37: {  	_ =	swait.ge @!p0 [sflag:s12], $0xC8;
	s11 =	sand.u32 @!p0 $0x7, s11;
	s13 =	smul.u32 @!p0 $0xD000, s13  }
0x38: {  	[sflag:s12] =	ssyncset.done @!p0 $0x0;
	s11 =	smul.u32 @!p0 $0x340, s11  }
0x39: {  	p1 =	sgt.u32 @!p0 s10, $0x7A;
	[sflag:s12] =	ssyncadd.s32 @!p0 $0xFFFFFF38;
	s12 =	sshrl.u32 @!p0 s13, $0x2  }
0x3a: {  	s11 =	sshrl.u32 @!p0 s11, $0x2;
	s13 =	simm.s32 @!p0 $0xC8;
	s12 =	sadd.s32 @!p0 $0x680, s12  }
0x3b: {  	[tilespmem:s12], [sflag:$0x1] =	stream.indirect.gather @!p0 [hbm4b:s5+s13], $0x40, s11, s13, $0xb8;
	[tilespmem:$0x11710] =	vst v63  }
0x3c: {  	p0 =	por p1, p0  }
0x3d: {  	s11 =	sadd.s32 @!p0 $0x5, s10  }
0x3e: {  	s12 =	sand.u32 @!p0 $0x7, s11  }
0x3f: {  	s11 =	sadd.s32 @!p0 s6, s11;
	s12 =	smul.u32 @!p0 $0x340, s12  }
0x40: {  	s11 =	smul.u32 @!p0 $0x19, s11  }
0x41: {  	s13 =	sand.u32 $0x7, s10;
	s14 =	simm.s32 @!p0 $0x0  }
0x42: {  	s13 =	smul.u32 $0x340, s13;
	s12 =	sshrl.u32 @!p0 s12, $0x2;
	s11 =	sadd.s32 @!p0 s3, s11  }
0x43: {  	[tilespmem:s12], [sflag:$0x2] =	stream.linear.gather @!p0 [hbm4b:s11+s14], $0xC8, $0x38;
	[tilespmem:$0x11710] =	vst v63  }
0x44: {  	s14 =	sshrl.u32 s13, $0x2  }
0x45: {  	v21 =	vld [tilespmem:s14+$0x0]  }
0x46: {  	v22 =	vld [tilespmem:s14+$0x10]  }
0x47: {  	v20 =	vld [tilespmem:s14+$0x20]  }
0x48: {  	v19 =	vld [tilespmem:s14+$0x30]  }
0x49: {  	v18 =	vld [tilespmem:s14+$0x40]  }
0x4a: {  	v17 =	vld [tilespmem:s14+$0x50]  }
0x4b: {  	v16 =	vld [tilespmem:s14+$0x60]  }
0x4c: {  	v15 =	vld [tilespmem:s14+$0x70]  }
0x4d: {  	v14 =	vld [tilespmem:s14+$0x80]  }
0x4e: {  	v13 =	vld [tilespmem:s14+$0x90]  }
0x4f: {  	s13 =	sand.u32 $0x3, s9;
	v12 =	vld [tilespmem:s14+$0xA0]  }
0x50: {  	v11 =	vld [tilespmem:s14+$0xB0];
	s12 =	smul.u32 $0xD000, s13  }
0x51: {  	v10 =	vld [tilespmem:s14+$0xC0];
	_ =	swait.ge [sflag:s31], $0x3200  }
0x52: {  	[sflag:s31] =	ssyncset.done $0x0;
	s14 =	sshrl.u32 s12, $0x2  }
0x53: {  	[sflag:s31] =	ssyncadd.s32 $0xFFFFCE00;
	s12 =	sadd.s32 $0x780, s14  }
0x54: {  	v6 =	vld [tilespmem:s12+$0xC0]  }
0x55: {  	v7 =	vld [tilespmem:s12+$0xD0]  }
0x56: {  	v8 =	vld [tilespmem:s12+$0x80]  }
0x57: {  	v9 =	vld [tilespmem:s12+$0x90]  }
0x58: {  	v28 =	vld [tilespmem:s12+$0x40]  }
0x59: {  	v31 =	vld [tilespmem:s12+$0x50]  }
0x5a: {  	v25 =	vld [tilespmem:s12+$0x0]  }
0x5b: {  	v27 =	vld [tilespmem:s12+$0x10]  }
0x5c: {  	v24 =	vld [tilespmem:s12+$0xFFFFFFC0]  }
0x5d: {  	v26 =	vld [tilespmem:s12+$0xFFFFFFD0]  }
0x5e: {  	v23 =	vld [tilespmem:s12+$0xFFFFFF80]  }
0x5f: {  	v29 =	vld [tilespmem:s12+$0xFFFFFF90]  }
0x60: {  	v30 =	vld [tilespmem:s12+$0xFFFFFF40]  }
0x61: {  	v32 =	vld [tilespmem:s12+$0xFFFFFF50]  }
0x62: {  	v33 =	vld [tilespmem:s12+$0xFFFFFF00]  }
0x63: {  	v34 =	vld [tilespmem:s12+$0xFFFFFF10]  }
0x64: {  	v35 =	vld [tilespmem:s12+$0xFFFFFF20]  }
0x65: {  	v36 =	vld [tilespmem:s12+$0xFFFFFF30]  }
0x66: {  	v37 =	vld [tilespmem:s12+$0xFFFFFF60]  }
0x67: {  	v38 =	vld [tilespmem:s12+$0xFFFFFF70]  }
0x68: {  	v39 =	vimm.f32 $0.0e+00;
	v40 =	vld [tilespmem:s12+$0xFFFFFFA0]  }
0x69: {  	v41 =	vld [tilespmem:s12+$0xFFFFFFB0];
	v33 =	vadd.f32 v33, v39;
	v34 =	vadd.f32 v34, v39  }
0x6a: {  	v56 =	vld [tilespmem:s12+$0xFFFFFFE0];
	v35 =	vadd.f32 v35, v39;
	v36 =	vadd.f32 v36, v39  }
0x6b: {  	v57 =	vld [tilespmem:s12+$0xFFFFFFF0];
	v30 =	vadd.f32 v30, v33;
	v32 =	vadd.f32 v32, v34  }
0x6c: {  	v60 =	vld [tilespmem:s12+$0x20];
	v58 =	vadd.f32 v37, v35;
	v59 =	vadd.f32 v38, v36  }
0x6d: {  	v61 =	vld [tilespmem:s12+$0x30];
	v30 =	vadd.f32 v23, v30;
	v29 =	vadd.f32 v29, v32  }
0x6e: {  	v34 =	vadd.f32 v40, v58;
	v35 =	vadd.f32 v41, v59;
	v23 =	vld [tilespmem:s12+$0x60]  }
0x6f: {  	v30 =	vadd.f32 v24, v30;
	v29 =	vadd.f32 v26, v29;
	v26 =	vld [tilespmem:s12+$0x70]  }
0x70: {  	v34 =	vadd.f32 v56, v34;
	v33 =	vadd.f32 v57, v35;
	v24 =	vld [tilespmem:s12+$0xA0]  }
0x71: {  	v62 =	vadd.f32 v25, v30;
	v63 =	vadd.f32 v27, v29;
	v27 =	vld [tilespmem:s12+$0xB0]  }
0x72: {  	v30 =	vadd.f32 v60, v34;
	v29 =	vadd.f32 v61, v33;
	v25 =	vld [tilespmem:s12+$0xE0]  }
0x73: {  	s11 =	simm.s32 $0x0;
	v32 =	vadd.f32 v28, v62;
	v31 =	vadd.f32 v31, v63;
	v28 =	vld [tilespmem:s12+$0xF0];
	s12 =	sadd.s32 $0x200, s12  }
.LBB2_3:
0x74: {  	v33 =	vld [tilespmem:s12+$0xC0];
	v23 =	vadd.f32 v23, v30;
	v26 =	vadd.f32 v26, v29  }
0x75: {  	v29 =	vld [tilespmem:s12+$0xD0];
	v30 =	vadd.f32 v8, v32;
	v31 =	vadd.f32 v9, v31  }
0x76: {  	v8 =	vld [tilespmem:s12+$0x80];
	v23 =	vadd.f32 v24, v23;
	v24 =	vadd.f32 v27, v26  }
0x77: {  	v9 =	vld [tilespmem:s12+$0x90];
	v26 =	vadd.f32 v6, v30;
	v27 =	vadd.f32 v7, v31  }
0x78: {  	v31 =	vld [tilespmem:s12+$0x40];
	v23 =	vadd.f32 v25, v23;
	v24 =	vadd.f32 v28, v24  }
0x79: {  	v28 =	vld [tilespmem:s12+$0x50];
	v6 =	vmov v33  }
0x7a: {  	v25 =	vld [tilespmem:s12+$0x0];
	v7 =	vmov v29  }
0x7b: {  	v29 =	vld [tilespmem:s12+$0x10]  }
0x7c: {  	v30 =	vld [tilespmem:s12+$0xFFFFFFC0]  }
0x7d: {  	v32 =	vld [tilespmem:s12+$0xFFFFFFD0]  }
0x7e: {  	v33 =	vld [tilespmem:s12+$0xFFFFFF80]  }
0x7f: {  	v34 =	vld [tilespmem:s12+$0xFFFFFF90]  }
0x80: {  	v35 =	vld [tilespmem:s12+$0xFFFFFF40]  }
0x81: {  	v36 =	vld [tilespmem:s12+$0xFFFFFF50]  }
0x82: {  	v37 =	vld [tilespmem:s12+$0xFFFFFF00]  }
0x83: {  	v38 =	vld [tilespmem:s12+$0xFFFFFF10]  }
0x84: {  	v39 =	vld [tilespmem:s12+$0xFFFFFF20]  }
0x85: {  	s11 =	sadd.s32 $0x8, s11;
	v40 =	vld [tilespmem:s12+$0xFFFFFF30]  }
0x86: {  	p0 =	slt.u32 s11, $0xC0;
	v41 =	vld [tilespmem:s12+$0xFFFFFF60]  }
0x87: {  	v42 =	vld [tilespmem:s12+$0xFFFFFF70]  }
0x88: {  	v43 =	vld [tilespmem:s12+$0xFFFFFFA0]  }
0x89: {  	v26 =	vadd.f32 v37, v26;
	v27 =	vadd.f32 v38, v27;
	v37 =	vld [tilespmem:s12+$0xFFFFFFB0]  }
0x8a: {  	v23 =	vadd.f32 v39, v23;
	v24 =	vadd.f32 v40, v24;
	v38 =	vld [tilespmem:s12+$0xFFFFFFE0]  }
0x8b: {  	v26 =	vadd.f32 v35, v26;
	v27 =	vadd.f32 v36, v27;
	v35 =	vld [tilespmem:s12+$0xFFFFFFF0]  }
0x8c: {  	v23 =	vadd.f32 v41, v23;
	v24 =	vadd.f32 v42, v24;
	v36 =	vld [tilespmem:s12+$0x20]  }
0x8d: {  	v26 =	vadd.f32 v33, v26;
	v27 =	vadd.f32 v34, v27;
	v33 =	vld [tilespmem:s12+$0x30]  }
0x8e: {  	v34 =	vadd.f32 v43, v23;
	v24 =	vadd.f32 v37, v24;
	v23 =	vld [tilespmem:s12+$0x60]  }
.Ltmp0:
0x8f: {  	v30 =	vadd.f32 v30, v26;
	v27 =	vadd.f32 v32, v27;
	v26 =	vld [tilespmem:s12+$0x70];
	(pc) =	sbr.rel @p0 .LBB2_3-.Ltmp0, $4  }
0x90: {  	v32 =	vadd.f32 v38, v34;
	v34 =	vadd.f32 v35, v24;
	v24 =	vld [tilespmem:s12+$0xA0]  }
0x91: {  	v35 =	vadd.f32 v25, v30;
	v37 =	vadd.f32 v29, v27;
	v27 =	vld [tilespmem:s12+$0xB0]  }
0x92: {  	v30 =	vadd.f32 v36, v32;
	v29 =	vadd.f32 v33, v34;
	v25 =	vld [tilespmem:s12+$0xE0]  }
0x93: {  	v32 =	vadd.f32 v31, v35;
	v31 =	vadd.f32 v28, v37;
	v28 =	vld [tilespmem:s12+$0xF0];
	s12 =	sadd.s32 $0x200, s12  }
0x94: {  	vm0 =	veq.s32 v21, $0x0;
	vm1 =	veq.s32 v22, $0x0  }
0x95: {  	v21 =	vsel vm0, $0x0, v1;
	v22 =	vsel vm1, $0x0, v1  }
0x96: {  	vm5 =	veq.s32 v20, $0x0;
	v21 =	vadd.f32 v22, v21  }
0x97: {  	v20 =	vsel vm5, $0x0, v1  }
0x98: {  	vm6 =	veq.s32 v19, $0x0;
	v20 =	vadd.f32 v20, v21  }
0x99: {  	v19 =	vsel vm6, $0x0, v1  }
0x9a: {  	vm7 =	veq.s32 v18, $0x0;
	v19 =	vadd.f32 v19, v20  }
0x9b: {  	v18 =	vsel vm7, $0x0, v1  }
0x9c: {  	vm8 =	veq.s32 v17, $0x0;
	v18 =	vadd.f32 v18, v19  }
0x9d: {  	v17 =	vsel vm8, $0x0, v1  }
0x9e: {  	vm9 =	veq.s32 v16, $0x0;
	v17 =	vadd.f32 v17, v18  }
0x9f: {  	v16 =	vsel vm9, $0x0, v1  }
0xa0: {  	vm10 =	veq.s32 v15, $0x0;
	v16 =	vadd.f32 v16, v17  }
0xa1: {  	v15 =	vsel vm10, $0x0, v1  }
0xa2: {  	vm11 =	veq.s32 v14, $0x0;
	v15 =	vadd.f32 v15, v16  }
0xa3: {  	v14 =	vsel vm11, $0x0, v1  }
0xa4: {  	vm12 =	veq.s32 v13, $0x0;
	v14 =	vadd.f32 v14, v15  }
0xa5: {  	v13 =	vsel vm12, $0x0, v1  }
0xa6: {  	vm13 =	veq.s32 v12, $0x0;
	v13 =	vadd.f32 v13, v14  }
0xa7: {  	v12 =	vsel vm13, $0x0, v1  }
0xa8: {  	vm14 =	veq.s32 v11, $0x0;
	v12 =	vadd.f32 v12, v13  }
0xa9: {  	v11 =	vsel vm14, $0x0, v1  }
0xaa: {  	vm15 =	veq.s32 v10, $0x0;
	v11 =	vadd.f32 v11, v12  }
0xab: {  	v10 =	vsel vm15, $0x0, v1  }
0xac: {  	v10 =	vadd.f32 v10, v11;
	_ =	sdelay $0x1  }
0xad: {  	[tilespmem:$0x11700] =	vst v10  }
0xae: {  	v56 =	vld.idx.msk [tilespmem:v2+s0+$0x0], $0xffff;
	_ =	sdelay $0x4  }
0xaf: {  	v10 =	vadd.f32 v56, v10;
	_ =	sdelay $0x1  }
0xb0: {  	[tilespmem:$0x11700] =	vst v10  }
0xb1: {  	v57 =	vld.idx.msk [tilespmem:v3+s0+$0x0], $0xffff;
	_ =	sdelay $0x4  }
0xb2: {  	v10 =	vadd.f32 v57, v10;
	_ =	sdelay $0x1  }
0xb3: {  	[tilespmem:$0x11700] =	vst v10  }
0xb4: {  	v58 =	vld.idx.msk [tilespmem:v4+s0+$0x0], $0xffff;
	_ =	sdelay $0x4  }
0xb5: {  	v10 =	vadd.f32 v58, v10;
	_ =	sdelay $0x1  }
0xb6: {  	[tilespmem:$0x11700] =	vst v10  }
0xb7: {  	v59 =	vld.idx.msk [tilespmem:v5+s0+$0x0], $0xffff;
	_ =	sdelay $0x4  }
0xb8: {  	v10 =	vadd.f32 v59, v10;
	_ =	sdelay $0x1  }
0xb9: {  	v10 =	vmax.f32 v10, $9.999999710e-10  }
0xba: {  	(erf) = vrcp.f32 v10;
	_ =	sdelay $0x5  }
0xbb: {  	v60 =	vadd.f32 v23, v30;
	v8 =	vadd.f32 v8, v32  }
0xbc: {  	v61 =	vadd.f32 v26, v29;
	v9 =	vadd.f32 v9, v31  }
0xbd: {  	v6 =	vadd.f32 v6, v8;
	v10 =	vadd.f32 v24, v60  }
0xbe: {  	s11 =	sshll.u32 s10, $0x6;
	s10 =	sadd.s32 $0x1, s10;
	v62 =	vadd.f32 v27, v61;
	v7 =	vadd.f32 v7, v9;
	v63 =	vpop (erf)  }
0xbf: {  	p0 =	sne.s32 s10, $0x80;
	v10 =	vadd.f32 v25, v10;
	v6 =	vmul.f32 v63, v6  }
.Ltmp1:
0xc0: {  	s11 =	sand.u32 $0x3FFFFFC0, s11;
	v8 =	vadd.f32 v28, v62;
	v7 =	vmul.f32 v63, v7;
	(pc) =	sbr.rel @p0 .LBB2_2-.Ltmp1, $4  }
0xc1: {  	v10 =	vmul.f32 v63, v10;
	[tilespmem:s11+$0xD680] =	vst v6  }
0xc2: {  	v6 =	vmul.f32 v63, v8;
	[tilespmem:s11+$0xD690] =	vst v7  }
0xc3: {  	[tilespmem:s11+$0xD6A0] =	vst v10  }
0xc4: {  	s9 =	sadd.s32 $0x1, s9;
	[tilespmem:s11+$0xD6B0] =	vst v6  }
0xc5: {  	s9 =	simm.s32 $0x0;
	s10 =	rddreg [dreg:$0x9]  }
0xc6: {  	[tilespmem:s9], [sflag:$0x2] =	stream.linear.gather [hbm4b:s10+s9], $0xC8, $0x38;
	[tilespmem:$0x11710] =	vst v63  }
0xc7: {  	s13 =	rddreg [dreg:$0xa]  }
0xc8: {  	[tilespmem:s21], [sflag:$0x2] =	stream.linear.gather [hbm4b:s13+s9], $0xC8, $0x38;
	[tilespmem:$0x11710] =	vst v63  }
0xc9: {  	s14 =	rddreg [dreg:$0xb]  }
0xca: {  	[tilespmem:s22], [sflag:$0x2] =	stream.linear.gather [hbm4b:s14+s9], $0xC8, $0x38;
	[tilespmem:$0x11710] =	vst v63  }
0xcb: {  	_ = 	snop  }
0xcc: {  	[tilespmem:s23], [sflag:$0x2] =	stream.linear.gather [hbm4b:s15+s9], $0xC8, $0x38;
	[tilespmem:$0x11710] =	vst v63  }
0xcd: {  	_ = 	snop  }
0xce: {  	[tilespmem:s24], [sflag:$0x2] =	stream.linear.gather [hbm4b:s16+s9], $0xC8, $0x38;
	[tilespmem:$0x11710] =	vst v63  }
0xcf: {  	_ =	swait.ge [sflag:s25], $0xC8  }
0xd0: {  	[sflag:s25] =	ssyncset.done $0x0  }
0xd1: {  	[sflag:s25] =	ssyncadd.s32 $0xFFFFFF38  }
0xd2: {  	[tilespmem:s28], [sflag:$0x1] =	stream.indirect.gather [hbm4b:s5+s26], $0x40, s9, s26, $0xb8;
	[tilespmem:$0x11710] =	vst v63  }
0xd3: {  	_ =	swait.ge [sflag:s25], $0xC8  }
0xd4: {  	[sflag:s25] =	ssyncset.done $0x0  }
0xd5: {  	[sflag:s25] =	ssyncadd.s32 $0xFFFFFF38  }
0xd6: {  	[tilespmem:s29], [sflag:$0x1] =	stream.indirect.gather [hbm4b:s5+s26], $0x40, s21, s26, $0xb8;
	[tilespmem:$0x11710] =	vst v63  }
0xd7: {  	_ =	swait.ge [sflag:s25], $0xC8  }
0xd8: {  	[sflag:s25] =	ssyncset.done $0x0  }
0xd9: {  	s10 =	simm.s32 $0x0;
	[sflag:s25] =	ssyncadd.s32 $0xFFFFFF38  }
0xda: {  	[tilespmem:s30], [sflag:$0x1] =	stream.indirect.gather [hbm4b:s5+s26], $0x40, s22, s26, $0xb8;
	[tilespmem:$0x11710] =	vst v63  }
.LBB2_6:
0xdb: {  	p0 =	sgt.u32 s10, $0x7C  }
0xdc: {  	s11 =	sadd.s32 @!p0 $0x3, s10  }
0xdd: {  	s12 =	simm.s32 @!p0 $0x2;
	s13 =	sand.u32 @!p0 $0x3, s11  }
0xde: {  	_ =	swait.ge @!p0 [sflag:s12], $0xC8;
	s11 =	sand.u32 @!p0 $0x7, s11;
	s13 =	smul.u32 @!p0 $0xD000, s13  }
0xdf: {  	[sflag:s12] =	ssyncset.done @!p0 $0x0;
	s11 =	smul.u32 @!p0 $0x340, s11  }
0xe0: {  	p1 =	sgt.u32 @!p0 s10, $0x7A;
	[sflag:s12] =	ssyncadd.s32 @!p0 $0xFFFFFF38;
	s12 =	sshrl.u32 @!p0 s13, $0x2  }
0xe1: {  	s11 =	sshrl.u32 @!p0 s11, $0x2;
	s13 =	simm.s32 @!p0 $0xC8;
	s12 =	sadd.s32 @!p0 $0x680, s12  }
0xe2: {  	[tilespmem:s12], [sflag:$0x1] =	stream.indirect.gather @!p0 [hbm4b:s5+s13], $0x40, s11, s13, $0xb8;
	[tilespmem:$0x11710] =	vst v63  }
0xe3: {  	p0 =	por p1, p0  }
0xe4: {  	s11 =	sadd.s32 @!p0 $0x5, s10  }
0xe5: {  	s12 =	sand.u32 @!p0 $0x7, s11  }
0xe6: {  	s11 =	sadd.s32 @!p0 s6, s11;
	s12 =	smul.u32 @!p0 $0x340, s12  }
0xe7: {  	s11 =	smul.u32 @!p0 $0x19, s11  }
0xe8: {  	s13 =	sand.u32 $0x7, s10;
	s14 =	simm.s32 @!p0 $0x0  }
0xe9: {  	s13 =	smul.u32 $0x340, s13;
	s12 =	sshrl.u32 @!p0 s12, $0x2;
	s11 =	sadd.s32 @!p0 s4, s11  }
0xea: {  	[tilespmem:s12], [sflag:$0x2] =	stream.linear.gather @!p0 [hbm4b:s11+s14], $0xC8, $0x38;
	[tilespmem:$0x11710] =	vst v63  }
0xeb: {  	s14 =	sshrl.u32 s13, $0x2  }
0xec: {  	v21 =	vld [tilespmem:s14+$0x0]  }
0xed: {  	v22 =	vld [tilespmem:s14+$0x10]  }
0xee: {  	v20 =	vld [tilespmem:s14+$0x20]  }
0xef: {  	v19 =	vld [tilespmem:s14+$0x30]  }
0xf0: {  	v18 =	vld [tilespmem:s14+$0x40]  }
0xf1: {  	v17 =	vld [tilespmem:s14+$0x50]  }
0xf2: {  	v16 =	vld [tilespmem:s14+$0x60]  }
0xf3: {  	v15 =	vld [tilespmem:s14+$0x70]  }
0xf4: {  	v14 =	vld [tilespmem:s14+$0x80]  }
0xf5: {  	v13 =	vld [tilespmem:s14+$0x90]  }
0xf6: {  	s13 =	sand.u32 $0x3, s9;
	v12 =	vld [tilespmem:s14+$0xA0]  }
0xf7: {  	v11 =	vld [tilespmem:s14+$0xB0];
	s12 =	smul.u32 $0xD000, s13  }
0xf8: {  	v10 =	vld [tilespmem:s14+$0xC0];
	_ =	swait.ge [sflag:s31], $0x3200  }
0xf9: {  	[sflag:s31] =	ssyncset.done $0x0;
	s14 =	sshrl.u32 s12, $0x2  }
0xfa: {  	[sflag:s31] =	ssyncadd.s32 $0xFFFFCE00;
	s12 =	sadd.s32 $0x780, s14  }
0xfb: {  	v6 =	vld [tilespmem:s12+$0xC0]  }
0xfc: {  	v7 =	vld [tilespmem:s12+$0xD0]  }
0xfd: {  	v8 =	vld [tilespmem:s12+$0x80]  }
0xfe: {  	v9 =	vld [tilespmem:s12+$0x90]  }
0xff: {  	v26 =	vld [tilespmem:s12+$0x40]  }
0x100: {  	v32 =	vld [tilespmem:s12+$0x50]  }
0x101: {  	v24 =	vld [tilespmem:s12+$0x0]  }
0x102: {  	v28 =	vld [tilespmem:s12+$0x10]  }
0x103: {  	v25 =	vld [tilespmem:s12+$0xFFFFFFC0]  }
0x104: {  	v27 =	vld [tilespmem:s12+$0xFFFFFFD0]  }
0x105: {  	v23 =	vld [tilespmem:s12+$0xFFFFFF80]  }
0x106: {  	v29 =	vld [tilespmem:s12+$0xFFFFFF90]  }
0x107: {  	v30 =	vld [tilespmem:s12+$0xFFFFFF40]  }
0x108: {  	v31 =	vld [tilespmem:s12+$0xFFFFFF50]  }
0x109: {  	v33 =	vld [tilespmem:s12+$0xFFFFFF00]  }
0x10a: {  	v34 =	vld [tilespmem:s12+$0xFFFFFF10]  }
0x10b: {  	v35 =	vld [tilespmem:s12+$0xFFFFFF20]  }
0x10c: {  	v36 =	vld [tilespmem:s12+$0xFFFFFF30]  }
0x10d: {  	v37 =	vld [tilespmem:s12+$0xFFFFFF60]  }
0x10e: {  	v38 =	vld [tilespmem:s12+$0xFFFFFF70]  }
0x10f: {  	v39 =	vimm.f32 $0.0e+00;
	v40 =	vld [tilespmem:s12+$0xFFFFFFA0]  }
0x110: {  	v41 =	vld [tilespmem:s12+$0xFFFFFFB0];
	v33 =	vadd.f32 v33, v39;
	v34 =	vadd.f32 v34, v39  }
0x111: {  	v57 =	vld [tilespmem:s12+$0xFFFFFFE0];
	v35 =	vadd.f32 v35, v39;
	v36 =	vadd.f32 v36, v39  }
0x112: {  	v58 =	vld [tilespmem:s12+$0xFFFFFFF0];
	v30 =	vadd.f32 v30, v33;
	v31 =	vadd.f32 v31, v34  }
0x113: {  	v61 =	vld [tilespmem:s12+$0x20];
	v59 =	vadd.f32 v37, v35;
	v60 =	vadd.f32 v38, v36  }
0x114: {  	v30 =	vadd.f32 v23, v30;
	v29 =	vadd.f32 v29, v31;
	v31 =	vld [tilespmem:s12+$0x30]  }
0x115: {  	v34 =	vadd.f32 v40, v59;
	v35 =	vadd.f32 v41, v60;
	v23 =	vld [tilespmem:s12+$0x60]  }
0x116: {  	v30 =	vadd.f32 v25, v30;
	v29 =	vadd.f32 v27, v29;
	v27 =	vld [tilespmem:s12+$0x70]  }
0x117: {  	v34 =	vadd.f32 v57, v34;
	v33 =	vadd.f32 v58, v35;
	v25 =	vld [tilespmem:s12+$0xA0]  }
0x118: {  	v62 =	vadd.f32 v24, v30;
	v63 =	vadd.f32 v28, v29;
	v28 =	vld [tilespmem:s12+$0xB0]  }
0x119: {  	v29 =	vadd.f32 v61, v34;
	v24 =	vld [tilespmem:s12+$0xE0];
	v30 =	vadd.f32 v31, v33  }
0x11a: {  	s11 =	simm.s32 $0x0;
	v31 =	vadd.f32 v26, v62;
	v32 =	vadd.f32 v32, v63;
	v26 =	vld [tilespmem:s12+$0xF0];
	s12 =	sadd.s32 $0x200, s12  }
.LBB2_7:
0x11b: {  	v33 =	vld [tilespmem:s12+$0xC0];
	v23 =	vadd.f32 v23, v29;
	v27 =	vadd.f32 v27, v30  }
0x11c: {  	v29 =	vld [tilespmem:s12+$0xD0];
	v30 =	vadd.f32 v8, v31;
	v31 =	vadd.f32 v9, v32  }
0x11d: {  	v8 =	vld [tilespmem:s12+$0x80];
	v23 =	vadd.f32 v25, v23;
	v25 =	vadd.f32 v28, v27  }
0x11e: {  	v9 =	vld [tilespmem:s12+$0x90];
	v27 =	vadd.f32 v6, v30;
	v28 =	vadd.f32 v7, v31  }
0x11f: {  	v31 =	vld [tilespmem:s12+$0x40];
	v23 =	vadd.f32 v24, v23;
	v24 =	vadd.f32 v26, v25  }
0x120: {  	v26 =	vld [tilespmem:s12+$0x50];
	v6 =	vmov v33  }
0x121: {  	v30 =	vld [tilespmem:s12+$0x0];
	v7 =	vmov v29  }
0x122: {  	v29 =	vld [tilespmem:s12+$0x10]  }
0x123: {  	v25 =	vld [tilespmem:s12+$0xFFFFFFC0]  }
0x124: {  	v32 =	vld [tilespmem:s12+$0xFFFFFFD0]  }
0x125: {  	v33 =	vld [tilespmem:s12+$0xFFFFFF80]  }
0x126: {  	v34 =	vld [tilespmem:s12+$0xFFFFFF90]  }
0x127: {  	v35 =	vld [tilespmem:s12+$0xFFFFFF40]  }
0x128: {  	v36 =	vld [tilespmem:s12+$0xFFFFFF50]  }
0x129: {  	v37 =	vld [tilespmem:s12+$0xFFFFFF00]  }
0x12a: {  	v38 =	vld [tilespmem:s12+$0xFFFFFF10]  }
0x12b: {  	v39 =	vld [tilespmem:s12+$0xFFFFFF20]  }
0x12c: {  	s11 =	sadd.s32 $0x8, s11;
	v40 =	vld [tilespmem:s12+$0xFFFFFF30]  }
0x12d: {  	p0 =	slt.u32 s11, $0xC0;
	v41 =	vld [tilespmem:s12+$0xFFFFFF60]  }
0x12e: {  	v42 =	vld [tilespmem:s12+$0xFFFFFF70]  }
0x12f: {  	v43 =	vld [tilespmem:s12+$0xFFFFFFA0]  }
0x130: {  	v27 =	vadd.f32 v37, v27;
	v28 =	vadd.f32 v38, v28;
	v37 =	vld [tilespmem:s12+$0xFFFFFFB0]  }
0x131: {  	v23 =	vadd.f32 v39, v23;
	v24 =	vadd.f32 v40, v24;
	v38 =	vld [tilespmem:s12+$0xFFFFFFE0]  }
0x132: {  	v27 =	vadd.f32 v35, v27;
	v28 =	vadd.f32 v36, v28;
	v35 =	vld [tilespmem:s12+$0xFFFFFFF0]  }
0x133: {  	v23 =	vadd.f32 v41, v23;
	v24 =	vadd.f32 v42, v24;
	v36 =	vld [tilespmem:s12+$0x20]  }
0x134: {  	v27 =	vadd.f32 v33, v27;
	v28 =	vadd.f32 v34, v28;
	v33 =	vld [tilespmem:s12+$0x30]  }
0x135: {  	v34 =	vadd.f32 v43, v23;
	v24 =	vadd.f32 v37, v24;
	v23 =	vld [tilespmem:s12+$0x60]  }
.Ltmp2:
0x136: {  	v37 =	vadd.f32 v25, v27;
	v28 =	vadd.f32 v32, v28;
	v27 =	vld [tilespmem:s12+$0x70];
	(pc) =	sbr.rel @p0 .LBB2_7-.Ltmp2, $4  }
0x137: {  	v32 =	vadd.f32 v38, v34;
	v24 =	vadd.f32 v35, v24;
	v25 =	vld [tilespmem:s12+$0xA0]  }
0x138: {  	v34 =	vadd.f32 v30, v37;
	v35 =	vadd.f32 v29, v28;
	v28 =	vld [tilespmem:s12+$0xB0]  }
0x139: {  	v29 =	vadd.f32 v36, v32;
	v30 =	vadd.f32 v33, v24;
	v24 =	vld [tilespmem:s12+$0xE0]  }
0x13a: {  	v31 =	vadd.f32 v31, v34;
	v32 =	vadd.f32 v26, v35;
	v26 =	vld [tilespmem:s12+$0xF0];
	s12 =	sadd.s32 $0x200, s12  }
0x13b: {  	vm0 =	veq.s32 v21, $0x0;
	vm1 =	veq.s32 v22, $0x0  }
0x13c: {  	v21 =	vsel vm0, $0x0, v1;
	v22 =	vsel vm1, $0x0, v1  }
0x13d: {  	vm5 =	veq.s32 v20, $0x0;
	v21 =	vadd.f32 v22, v21  }
0x13e: {  	v20 =	vsel vm5, $0x0, v1  }
0x13f: {  	vm6 =	veq.s32 v19, $0x0;
	v20 =	vadd.f32 v20, v21  }
0x140: {  	v19 =	vsel vm6, $0x0, v1  }
0x141: {  	vm7 =	veq.s32 v18, $0x0;
	v19 =	vadd.f32 v19, v20  }
0x142: {  	v18 =	vsel vm7, $0x0, v1  }
0x143: {  	vm8 =	veq.s32 v17, $0x0;
	v18 =	vadd.f32 v18, v19  }
0x144: {  	v17 =	vsel vm8, $0x0, v1  }
0x145: {  	vm9 =	veq.s32 v16, $0x0;
	v17 =	vadd.f32 v17, v18  }
0x146: {  	v16 =	vsel vm9, $0x0, v1  }
0x147: {  	vm10 =	veq.s32 v15, $0x0;
	v16 =	vadd.f32 v16, v17  }
0x148: {  	v15 =	vsel vm10, $0x0, v1  }
0x149: {  	vm11 =	veq.s32 v14, $0x0;
	v15 =	vadd.f32 v15, v16  }
0x14a: {  	v14 =	vsel vm11, $0x0, v1  }
0x14b: {  	vm12 =	veq.s32 v13, $0x0;
	v14 =	vadd.f32 v14, v15  }
0x14c: {  	v13 =	vsel vm12, $0x0, v1  }
0x14d: {  	vm13 =	veq.s32 v12, $0x0;
	v13 =	vadd.f32 v13, v14  }
0x14e: {  	v12 =	vsel vm13, $0x0, v1  }
0x14f: {  	vm14 =	veq.s32 v11, $0x0;
	v12 =	vadd.f32 v12, v13  }
0x150: {  	v11 =	vsel vm14, $0x0, v1  }
0x151: {  	vm15 =	veq.s32 v10, $0x0;
	v11 =	vadd.f32 v11, v12  }
0x152: {  	v10 =	vsel vm15, $0x0, v1  }
0x153: {  	v10 =	vadd.f32 v10, v11;
	_ =	sdelay $0x1  }
0x154: {  	[tilespmem:$0x11700] =	vst v10  }
0x155: {  	v17 =	vld.idx.msk [tilespmem:v2+s0+$0x0], $0xffff;
	_ =	sdelay $0x4  }
0x156: {  	v10 =	vadd.f32 v17, v10;
	_ =	sdelay $0x1  }
0x157: {  	[tilespmem:$0x11700] =	vst v10  }
0x158: {  	v18 =	vld.idx.msk [tilespmem:v3+s0+$0x0], $0xffff;
	_ =	sdelay $0x4  }
0x159: {  	v10 =	vadd.f32 v18, v10;
	_ =	sdelay $0x1  }
0x15a: {  	[tilespmem:$0x11700] =	vst v10  }
0x15b: {  	v19 =	vld.idx.msk [tilespmem:v4+s0+$0x0], $0xffff;
	_ =	sdelay $0x4  }
0x15c: {  	v10 =	vadd.f32 v19, v10;
	_ =	sdelay $0x1  }
0x15d: {  	[tilespmem:$0x11700] =	vst v10  }
0x15e: {  	v20 =	vld.idx.msk [tilespmem:v5+s0+$0x0], $0xffff;
	_ =	sdelay $0x4  }
0x15f: {  	v10 =	vadd.f32 v20, v10;
	_ =	sdelay $0x1  }
0x160: {  	v10 =	vmax.f32 v10, $9.999999710e-10  }
0x161: {  	s11 =	sshll.u32 s10, $0x6;
	(erf) = vrcp.f32 v10  }
0x162: {  	s11 =	sand.u32 $0x3FFFFFC0, s11  }
0x163: {  	v21 =	vld [tilespmem:s11+$0xD680]  }
0x164: {  	v22 =	vld [tilespmem:s11+$0xD690];
	_ =	sdelay $0x1  }
0x165: {  	v29 =	vadd.f32 v23, v29;
	v8 =	vadd.f32 v8, v31;
	v34 =	vld [tilespmem:s11+$0xD6A0]  }
0x166: {  	v33 =	vadd.f32 v27, v30;
	v9 =	vadd.f32 v9, v32  }
0x167: {  	v6 =	vadd.f32 v6, v8;
	v12 =	vadd.f32 v25, v29;
	v35 =	vld [tilespmem:s11+$0xD6B0]  }
0x168: {  	v7 =	vadd.f32 v7, v9;
	v36 =	vmul.f32 v21, v21;
	v37 =	vmul.f32 v22, v22  }
0x169: {  	v13 =	vadd.f32 v28, v33;
	v38 =	vadd.f32 v24, v12;
	v39 =	vpop (erf)  }
0x16a: {  	v40 =	vmul.f32 v34, v34;
	v8 =	vadd.f32 v37, v36;
	v6 =	vmul.f32 v39, v6  }
0x16b: {  	v13 =	vadd.f32 v26, v13;
	v7 =	vmul.f32 v39, v7  }
0x16c: {  	v41 =	vmul.f32 v35, v35;
	v8 =	vadd.f32 v40, v8;
	v9 =	vmul.f32 v39, v38;
	[tilespmem:s11+$0xF680] =	vst v6  }
0x16d: {  	v12 =	vmul.f32 v39, v13;
	[tilespmem:s11+$0xF690] =	vst v7  }
0x16e: {  	v8 =	vadd.f32 v41, v8;
	[tilespmem:s11+$0xF6A0] =	vst v9  }
0x16f: {  	[tilespmem:s11+$0xF6B0] =	vst v12  }
0x170: {  	[tilespmem:$0x11700] =	vst v8  }
0x171: {  	v42 =	vld.idx.msk [tilespmem:v2+s0+$0x0], $0xffff;
	_ =	sdelay $0x4  }
0x172: {  	v8 =	vadd.f32 v42, v8;
	_ =	sdelay $0x1  }
0x173: {  	[tilespmem:$0x11700] =	vst v8  }
0x174: {  	v43 =	vld.idx.msk [tilespmem:v3+s0+$0x0], $0xffff;
	_ =	sdelay $0x4  }
0x175: {  	v8 =	vadd.f32 v43, v8;
	_ =	sdelay $0x1  }
0x176: {  	[tilespmem:$0x11700] =	vst v8  }
0x177: {  	v45 =	vmul.f32 v6, v6;
	v46 =	vmul.f32 v7, v7;
	v44 =	vld.idx.msk [tilespmem:v4+s0+$0x0], $0xffff;
	_ =	sdelay $0x1  }
0x178: {  	v47 =	vmul.f32 v9, v9;
	v16 =	vadd.f32 v46, v45;
	_ =	sdelay $0x1  }
0x179: {  	v48 =	vmul.f32 v12, v12;
	v16 =	vadd.f32 v16, v47  }
0x17a: {  	v8 =	vadd.f32 v44, v8  }
0x17b: {  	v49 =	vadd.f32 v16, v48  }
0x17c: {  	[tilespmem:$0x11700] =	vst v8  }
0x17d: {  	v50 =	vld.idx.msk [tilespmem:v5+s0+$0x0], $0xffff;
	[tilespmem:$0x11700] =	vst v49  }
0x17e: {  	v51 =	vld.idx.msk [tilespmem:v2+s0+$0x0], $0xffff;
	_ =	sdelay $0x4  }
0x17f: {  	v13 =	vadd.f32 v51, v49;
	_ =	sdelay $0x1  }
0x180: {  	[tilespmem:$0x11700] =	vst v13  }
0x181: {  	v52 =	vld.idx.msk [tilespmem:v3+s0+$0x0], $0xffff;
	_ =	sdelay $0x4  }
0x182: {  	v13 =	vadd.f32 v52, v13;
	_ =	sdelay $0x1  }
0x183: {  	[tilespmem:$0x11700] =	vst v13  }
0x184: {  	v53 =	vld.idx.msk [tilespmem:v4+s0+$0x0], $0xffff;
	_ =	sdelay $0x1  }
0x185: {  	v6 =	vmul.f32 v21, v6;
	_ =	sdelay $0x1  }
0x186: {  	v7 =	vmul.f32 v22, v7;
	v6 =	vadd.f32 $0.0e+00, v6  }
0x187: {  	v54 =	vadd.f32 v53, v13  }
0x188: {  	v6 =	vadd.f32 v7, v6;
	v7 =	vmul.f32 v34, v9  }
0x189: {  	[tilespmem:$0x11700] =	vst v54  }
0x18a: {  	v6 =	vadd.f32 v7, v6;
	v7 =	vmul.f32 v35, v12;
	v55 =	vld.idx.msk [tilespmem:v5+s0+$0x0], $0xffff;
	_ =	sdelay $0x1  }
0x18b: {  	v6 =	vadd.f32 v7, v6;
	_ =	sdelay $0x1  }
0x18c: {  	[tilespmem:$0x11700] =	vst v6  }
0x18d: {  	v7 =	vadd.f32 v50, v8;
	v57 =	vld.idx.msk [tilespmem:v2+s0+$0x0], $0xffff;
	v56 =	vadd.f32 v55, v54;
	_ =	sdelay $0x1  }
0x18e: {  	v7 =	vmul.f32 v56, v7;
	_ =	sdelay $0x1  }
0x18f: {  	v7 =	vmax.f32 v7, $1.000000020e-16  }
0x190: {  	v6 =	vadd.f32 v57, v6;
	v58 =	vshra.s32 v7, $0x1;
	v7 =	vmul.f32 $5.000000000e-01, v7  }
0x191: {  	v8 =	vsub.s32 $0x5F3759DF, v58  }
0x192: {  	[tilespmem:$0x11700] =	vst v6;
	v59 =	vmul.f32 v8, v7  }
0x193: {  	v60 =	vld.idx.msk [tilespmem:v3+s0+$0x0], $0xffff  }
0x194: {  	v9 =	vmul.f32 v8, v59;
	_ =	sdelay $0x1  }
0x195: {  	v9 =	vsub.f32 $1.500000000e+00, v9;
	_ =	sdelay $0x1  }
0x196: {  	v6 =	vadd.f32 v60, v6;
	v8 =	vmul.f32 v8, v9;
	_ =	sdelay $0x1  }
0x197: {  	[tilespmem:$0x11700] =	vst v6;
	v9 =	vmul.f32 v8, v7  }
0x198: {  	v61 =	vld.idx.msk [tilespmem:v4+s0+$0x0], $0xffff  }
0x199: {  	v9 =	vmul.f32 v9, v8;
	_ =	sdelay $0x1  }
0x19a: {  	v9 =	vsub.f32 $1.500000000e+00, v9;
	_ =	sdelay $0x1  }
0x19b: {  	v6 =	vadd.f32 v61, v6;
	v8 =	vmul.f32 v9, v8;
	_ =	sdelay $0x1  }
0x19c: {  	[tilespmem:$0x11700] =	vst v6;
	v7 =	vmul.f32 v8, v7  }
0x19d: {  	v62 =	vld.idx.msk [tilespmem:v5+s0+$0x0], $0xffff  }
0x19e: {  	v7 =	vmul.f32 v7, v8;
	_ =	sdelay $0x1  }
0x19f: {  	v63 =	vmov s10;
	s10 =	sadd.s32 $0x1, s10;
	v7 =	vsub.f32 $1.500000000e+00, v7  }
0x1a0: {  	p0 =	sne.s32 s10, $0x80  }
.Ltmp3:
0x1a1: {  	v6 =	vadd.f32 v62, v6;
	v7 =	vmul.f32 v7, v8;
	(pc) =	sbr.rel @p0 .LBB2_6-.Ltmp3, $3  }
0x1a2: {  	_ = 	snop  }
0x1a3: {  	v6 =	vmul.f32 v7, v6;
	_ =	sdelay $0x1  }
0x1a4: {  	s9 =	sadd.s32 $0x1, s9;
	[tilespmem:v63+s1+$0x0] =	vst.idx.msk $0x1, v6  }
0x1a5: {  	[hbm4b:s17+s2] =	stream.linear.scatter [tilespmem:s1], [sflag:$0x3], $0x80, $0x38;
	[tilespmem:$0x11710] =	vst v63  }
0x1a6: {  	_ =	swait.ge [sflag:s7], $0x80  }
0x1a7: {  	[sflag:s7] =	ssyncset.done $0x0  }
0x1a8: {  	s9 =	simm.s32 $0xD680;
	[sflag:s7] =	ssyncadd.s32 $0xFFFFFF80  }
0x1a9: {  	[hbm4b:s18+s2] =	stream.linear.scatter [tilespmem:s9], [sflag:$0x3], $0x2000, $0x38;
	[tilespmem:$0x11710] =	vst v63  }
0x1aa: {  	s8 =	sadd.s32 $0x1, s8;
	_ =	swait.ge [sflag:s7], $0x2000  }
0x1ab: {  	p0 =	sne.s32 s8, s20;
	[sflag:s7] =	ssyncset.done $0x0  }
.Ltmp4:
0x1ac: {  	s14 =	simm.s32 $0xF680;
	[sflag:s7] =	ssyncadd.s32 $0xFFFFE000;
	(pc) =	sbr.rel @p0 .LBB2_1-.Ltmp4, $4  }
0x1ad: {  	[hbm4b:s19+s2] =	stream.linear.scatter [tilespmem:s14], [sflag:$0x3], $0x2000, $0x38;
	[tilespmem:$0x11710] =	vst v63  }
0x1ae: {  	_ =	swait.ge [sflag:s7], $0x2000  }
0x1af: {  	[sflag:s7] =	ssyncset.done $0x0  }
0x1b0: {  	[sflag:s7] =	ssyncadd.s32 $0xFFFFE000  }
0x1b1: {  	_ =	sfence.sel $0x180000  }
0x1b2: {  	[bflag:$0x0] =	sbarrier.arrive $0xFFFF  }
0x1b3: {  	_ =	strace $0x90000047  }
0x1b4: {  	s0 =	stileid.u32;
	[bflag:$0x2] =	sbarrier.arrive $0xFFFF  }
0x1b5: {  	p0 =	sne.s32 s0, $0x0;
	s0 =	rddreg [dreg:$0x3]  }
0x1b6: {  	s0 =	sadd.s32 @!p0 $0x100000, s0  }
0x1b7: {  	[sflag:s0] =	ssyncadd.tile.s32 @!p0 $0x1;
	_ =	shalt  }
.Lfunc_end2:
_tile_overlayer_lowered:
.L_overlay_start_2:
0x1b8: {  	(tag) =	ssettag $0x2  }
0x1b9: {  	s0 =	rddreg [dreg:$0x0];
	s2 =	stileid.u32  }
0x1ba: {  	s1 =	rddreg [dreg:$0x1];
	p0 =	sne.s32 s2, $0x0  }
0x1bb: {  	s3 =	rddreg [dreg:$0x2];
	[bflag:$0x3] =	sbarrier.arrive $0xFFFF;
	s2 =	simm.s32 @!p0 $0x1C03  }
0x1bc: {  	[timem:s3], [sflag:s2] =	dma.local @!p0 [hbm:s0], s1  }
0x1bd: {  	s0 =	simm.s32 @!p0 $0x3  }
0x1be: {  	_ =	swait.ge @!p0 [sflag:s0], s1  }
0x1bf: {  	s1 =	ssub.s32 @!p0 $0x0, s1;
	[sflag:s0] =	ssyncset.done @!p0 $0x0  }
0x1c0: {  	[sflag:s0] =	ssyncadd.s32 @!p0 s1  }
0x1c1: {  	[bflag:$0x3] =	sbarrier.arrive $0xFFFF  }
0x1c2: {  	_ =	shalt  }

</sc_bundles>
